<compile_context>
chip_gen: v7x
topology: tpu7x:2x2x1
jax: 0.10.2.dev20260603
libtpu: 0.0.44.dev20260713+nightly
codegen_flags: <defaults>
</compile_context>

<pallas_src>
import jax
import jax.numpy as jnp
from jax.experimental import pallas as pl
from jax.experimental.pallas import tpu as pltpu
from jax.experimental.pallas import tpu_sc as plsc

T, B, C, H, W = 4, 4, 192, 16, 16
E, TOPK, HID, HEADS = 8, 2, 768, 8
N = H * W
RT = B * N
R = T * RT
D = C // HEADS
QKV = 3 * C
F32 = jnp.float32


def _dott(a, b):
    return jax.lax.dot_general(a, b, (((1,), (1,)), ((), ())),
                               preferred_element_type=F32)


def _bn_scale_shift(y):
    m = jnp.sum(y, axis=0, keepdims=True) * (1.0 / R)
    msq = jnp.sum(y * y, axis=0, keepdims=True) * (1.0 / R)
    g = jax.lax.rsqrt(msq - m * m + 1e-5)
    return g, -m * g


def _lif_store(dst, y, tau, g=None, sh=None):
    r = 1.0 / tau
    c = 1.0 - r
    rows = y.shape[0] // T
    if g is None:
        theta, rho, crho = tau, 0.0, None
    else:
        a = r * g
        theta = (1.0 - sh) / a
        rho = sh / (-a)
        crho = c * rho
    vt = None
    for t in range(T):
        yt = y[t * rows:(t + 1) * rows, :]
        if t == 0:
            vt = yt if crho is None else crho + yt
        else:
            vt = c * vt + yt
        fire = vt >= theta
        dst[pl.ds(t * rows, rows), :] = jnp.where(fire, 1.0, 0.0)
        vt = jnp.where(fire, rho, vt)


def _ssa_router_kernel(x_ref, wq_ref, wk_ref, wv_ref, wp_ref, wr_ref,
                       h_ref, wfull_ref, s_s, qkv_s, o_s):
    x = x_ref[...]
    _lif_store(s_s, x, 2.0)
    s = s_s[...]
    y_qkv = jnp.concatenate(
        [_dott(s, wq_ref[...]), _dott(s, wk_ref[...]),
         _dott(s, wv_ref[...])], axis=1)
    _lif_store(qkv_s, y_qkv, 2.0, *_bn_scale_shift(y_qkv))

    def tb_body(i, carry):
        base = i * N
        qkv_tb = qkv_s[pl.ds(base, N), :]
        parts = []
        for hh in range(HEADS):
            qsl = slice(hh * D, (hh + 1) * D)
            ksl = slice(C + hh * D, C + (hh + 1) * D)
            vsl = slice(2 * C + hh * D, 2 * C + (hh + 1) * D)
            a = _dott(qkv_tb[:, qsl], qkv_tb[:, ksl]) * 0.125
            parts.append(jnp.dot(a, qkv_tb[:, vsl],
                                 preferred_element_type=F32))
        o_s[pl.ds(base, N), :] = jnp.concatenate(parts, axis=1)
        return carry

    jax.lax.fori_loop(0, T * B, tb_body, 0)

    _lif_store(s_s, o_s[...], 2.0)
    yp = _dott(s_s[...], wp_ref[...])
    g, sh = _bn_scale_shift(yp)
    h = x + (yp * g + sh)
    h_ref[...] = h

    xm = 0.25 * (h[0:RT, :] + h[RT:2 * RT, :] + h[2 * RT:3 * RT, :]
                 + h[3 * RT:4 * RT, :])
    rr = _dott(xm, wr_ref[...])
    mr = jnp.sum(rr, axis=0, keepdims=True) * (1.0 / RT)
    vr = jnp.sum(rr * rr, axis=0, keepdims=True) * (1.0 / RT) - mr * mr
    gr = jax.lax.rsqrt(vr + 1e-5)
    logits = jnp.concatenate(
        [jnp.sum(rr[b * N:(b + 1) * N, :], axis=0, keepdims=True) * (1.0 / N)
         for b in range(B)], axis=0)
    lg = (logits - mr) * gr
    top = jnp.concatenate([lg, jnp.full((B, 128 - E), -1e30, F32)], axis=1)
    wfull_ref[...] = jnp.concatenate(
        [top, jnp.full((8 - B, 128), -1e30, F32)], axis=0)


def _sc_router(logits):
    mesh = plsc.VectorSubcoreMesh(core_axis_name="c", subcore_axis_name="s")

    @pl.kernel(out_type=jax.ShapeDtypeStruct((8, 128), F32), mesh=mesh,
               scratch_types=[pltpu.VMEM((128,), F32),
                              pltpu.VMEM((128,), F32),
                              pltpu.VMEM((32,), F32),
                              pltpu.VMEM((32,), jnp.int32)])
    def rk(l_hbm, o_hbm, row_s, wrow_s, dbl_s, dbli_s):
        ic = jax.lax.axis_index("c")
        isub = jax.lax.axis_index("s")

        @pl.when((ic == 0) & (isub == 0))
        def _():
            lane = jax.lax.iota(jnp.int32, 16)

            def allmax_first(keys):
                cur, curi = keys, lane
                for stride in (1, 2, 4, 8):
                    dbl_s[pl.ds(0, 16)] = cur
                    dbl_s[pl.ds(16, 16)] = cur
                    dbli_s[pl.ds(0, 16)] = curi
                    dbli_s[pl.ds(16, 16)] = curi
                    pv = dbl_s[pl.ds(stride, 16)]
                    pi = dbli_s[pl.ds(stride, 16)]
                    take = (pv > cur) | ((pv == cur) & (pi < curi))
                    cur = jnp.where(take, pv, cur)
                    curi = jnp.where(take, pi, curi)
                return cur, curi

            for s16 in range(0, 128, 16):
                wrow_s[pl.ds(s16, 16)] = jnp.zeros((16,), F32)
            for b in range(B):
                pltpu.sync_copy(l_hbm.at[b], row_s)
                keys = row_s[pl.ds(0, 16)]
                m1, i1 = allmax_first(keys)
                keys2 = jnp.where(lane == i1, -1e30, keys)
                m2, i2 = allmax_first(keys2)
                e2 = jnp.exp(m2 - m1)
                whi = 1.0 / (1.0 + e2)
                wv = jnp.where(lane == i1, whi,
                               jnp.where(lane == i2, 1.0 - whi, 0.0))
                wrow_s[pl.ds(0, 16)] = wv
                pltpu.sync_copy(wrow_s, o_hbm.at[b])

    return rk(logits)


def _experts_kernel(taus_ref, wfull_ref, h_ref, w1_ref, w2_ref, out_ref,
                    s_s, s2_s):
    e = pl.program_id(0)

    @pl.when(e == 0)
    def _init():
        out_ref[...] = h_ref[...]

    wb = [wfull_ref[b, e] for b in range(B)]
    selected = (wb[0] > 0) | (wb[1] > 0) | (wb[2] > 0) | (wb[3] > 0)

    @pl.when(selected)
    def _compute():
        tau = taus_ref[0, e]
        _lif_store(s_s, h_ref[...], tau)
        y1 = _dott(s_s[...], w1_ref[0])
        _lif_store(s2_s, y1, tau, *_bn_scale_shift(y1))
        y2 = _dott(s2_s[...], w2_ref[0])
        g, sh = _bn_scale_shift(y2)
        for t in range(T):
            for b in range(B):
                lo = t * RT + b * N
                sl = slice(lo, lo + N)
                out_ref[sl, :] += y2[sl, :] * (wb[b] * g) + wb[b] * sh


def kernel(x, Wq, Wk, Wv, Wp, Wr, W1, W2):
    x_r = x.reshape(T, B, C, N).transpose(0, 1, 3, 2).reshape(R, C)
    taus = jnp.linspace(1.5, 4.0, E, dtype=F32).reshape(1, E)

    h, logits = pl.pallas_call(
        _ssa_router_kernel,
        out_shape=[jax.ShapeDtypeStruct((R, C), F32),
                   jax.ShapeDtypeStruct((8, 128), F32)],
        scratch_shapes=[pltpu.VMEM((R, C), F32),
                        pltpu.VMEM((R, QKV), F32),
                        pltpu.VMEM((R, C), F32)],
    )(x_r, Wq, Wk, Wv, Wp, Wr)

    wfull = _sc_router(logits)

    out = pl.pallas_call(
        _experts_kernel,
        grid=(E,),
        in_specs=[
            pl.BlockSpec(memory_space=pltpu.SMEM),
            pl.BlockSpec(memory_space=pltpu.SMEM),
            pl.BlockSpec((R, C), lambda e: (0, 0)),
            pl.BlockSpec((1, HID, C), lambda e: (e, 0, 0)),
            pl.BlockSpec((1, C, HID), lambda e: (e, 0, 0)),
        ],
        out_specs=pl.BlockSpec((R, C), lambda e: (0, 0)),
        out_shape=jax.ShapeDtypeStruct((R, C), F32),
        scratch_shapes=[pltpu.VMEM((R, C), F32),
                        pltpu.VMEM((R, HID), F32)],
    )(taus, wfull, h, W1, W2)

    return out.reshape(T, B, N, C).transpose(0, 1, 3, 2).reshape(T, B, C, H, W)

# --- scband reference (transcript-rebuilt; emitter-appended) ---
"""Pipeline reference for scband-ms-block-conv-mo-e-84172769067793 (READ-ONLY COPY).

The authoritative reference and input builder live on the scoring server;
editing this copy changes nothing except your own understanding.
"""

import jax, jax.numpy as jnp
import numpy as np

T, B, C, H, W = 4, 4, 192, 16, 16
E, TOPK, HID, HEADS = 8, 2, 768, 8

@jax.custom_vjp
def heaviside(v):
    return (v >= 1.0).astype(v.dtype)

def _hv_fwd(v):
    return heaviside(v), v

def _hv_bwd(v, g):
    alpha = 2.0
    x = v - 1.0
    sg = alpha / (2.0 * (1.0 + (jnp.pi / 2.0 * alpha * x) ** 2))
    return (g * sg,)

heaviside.defvjp(_hv_fwd, _hv_bwd)

def lif(x, tau):
    # multi-step LIF, hard reset to 0, detach_reset (spikingjelly MultiStepLIFNode semantics)
    def step(v, xt):
        v = v + (xt - v) / tau
        s = heaviside(v)
        v = v * (1.0 - jax.lax.stop_gradient(s))
        return v, s
    _, s = jax.lax.scan(step, jnp.zeros_like(x[0]), x)
    return s

def conv1x1(Wm, x):
    return jnp.einsum('oc,tbchw->tbohw', Wm, x)

def bn(x):
    # training-mode BatchNorm2d over flattened (T*B, C, H, W); affine is identity at init
    mean = x.mean(axis=(0, 1, 3, 4), keepdims=True)
    var = x.var(axis=(0, 1, 3, 4), keepdims=True)
    return (x - mean) / jnp.sqrt(var + 1e-5)

def ssa(x, Wq, Wk, Wv, Wp):
    Tn, Bn, Cn, Hn, Wn = x.shape
    d = Cn // HEADS
    N = Hn * Wn
    identity = x
    s = lif(x, 2.0)
    q = lif(bn(conv1x1(Wq, s)), 2.0)
    k = lif(bn(conv1x1(Wk, s)), 2.0)
    v = lif(bn(conv1x1(Wv, s)), 2.0)
    def resh(t):
        return t.reshape(Tn, Bn, HEADS, d, N).transpose(0, 1, 2, 4, 3)
    qh, kh, vh = resh(q), resh(k), resh(v)
    attn = jnp.einsum('tbhnd,tbhmd->tbhnm', qh, kh) * 0.125
    o = jnp.einsum('tbhnm,tbhmd->tbhnd', attn, vh)
    o = o.transpose(0, 1, 2, 4, 3).reshape(Tn, Bn, Cn, Hn, Wn)
    o = lif(o, 2.0)
    o = bn(conv1x1(Wp, o))
    return identity + o

def expert_fn(x, W1e, W2e, tau):
    # MS_MLP_Expert: pure F(x), no internal residual; per-expert tau
    h = lif(x, tau)
    h = bn(conv1x1(W1e, h))
    h = lif(h, tau)
    h = bn(conv1x1(W2e, h))
    return h

def moe(x, Wr, W1, W2):
    Tn, Bn, Cn, Hn, Wn = x.shape
    identity = x
    # TemporalRouter: mean over T, 1x1 conv -> BN -> spatial mean -> softmax -> top-k
    xm = x.mean(axis=0)
    r = jnp.einsum('ec,bchw->behw', Wr, xm)
    mean = r.mean(axis=(0, 2, 3), keepdims=True)
    var = r.var(axis=(0, 2, 3), keepdims=True)
    r = (r - mean) / jnp.sqrt(var + 1e-5)
    logits = r.mean(axis=(2, 3))
    probs = jax.nn.softmax(logits, axis=-1)
    tkw, tki = jax.lax.top_k(probs, TOPK)
    tkw = tkw / tkw.sum(axis=-1, keepdims=True)
    tkw = jax.lax.stop_gradient(tkw)  # torch: top_k_weights.detach()
    taus = jnp.linspace(1.5, 4.0, E, dtype=x.dtype)
    outs = jax.vmap(expert_fn, in_axes=(None, 0, 0, 0))(x, W1, W2, taus)  # (E,T,B,C,H,W)
    wfull = jnp.zeros((Bn, E), x.dtype).at[jnp.arange(Bn)[:, None], tki].add(tkw)
    mix = jnp.einsum('be,etbchw->tbchw', wfull, outs)
    return identity + mix

def setup_inputs(seed: int = 0):
    key = jax.random.key(seed)
    ks = jax.random.split(key, 8)
    def w(k, shape, fan_in):
        return (jax.random.normal(k, shape, jnp.float32) / np.sqrt(fan_in)).astype(jnp.float32)
    return {
        'x': jax.random.normal(ks[0], (T, B, C, H, W), jnp.float32),
        'Wq': w(ks[1], (C, C), C),
        'Wk': w(ks[2], (C, C), C),
        'Wv': w(ks[3], (C, C), C),
        'Wp': w(ks[4], (C, C), C),
        'Wr': w(ks[5], (E, C), C),
        'W1': w(ks[6], (E, HID, C), C),
        'W2': w(ks[7], (E, C, HID), HID),
    }

def reference(x, Wq, Wk, Wv, Wp, Wr, W1, W2):
    h = ssa(x, Wq, Wk, Wv, Wp)
    return moe(h, Wr, W1, W2)

if __name__ == "__main__":
    import jax
    _d = setup_inputs()
    print(jax.jit(kernel)(*tuple(_d.values())))

</pallas_src>

<mosaic_0001>
#map = affine_map<(d0, d1) -> (0, 0)>
module attributes {stable_mosaic.version = 14 : i64} {
  func.func @rk(%arg0: i32, %arg1: i32, %arg2: memref<8x128xf32, #tpu.memory_space<hbm>>, %arg3: memref<8x128xf32, #tpu.memory_space<hbm>>, %arg4: memref<128xf32, #tpu.memory_space<vmem>>, %arg5: memref<128xf32, #tpu.memory_space<vmem>>, %arg6: memref<32xf32, #tpu.memory_space<vmem>>, %arg7: memref<32xi32, #tpu.memory_space<vmem>>) attributes {dimension_semantics = [#tpu.dimension_semantics<core_parallel>, #tpu.dimension_semantics<subcore_parallel>], iteration_bounds = array<i64: 2, 16>, scalar_prefetch = 0 : i64, scratch_operands = 4 : i64, tpu.core_type = #tpu.core_type<sc_vector_subcore>, window_params = [{transform_indices = #map}, {transform_indices = #map}]} {
    %eq3A = arith.constant 0 : i32
    %eq3A_0 = arith.cmpi eq, %arg0, %eq3A : i32
    %eq3A_1 = arith.constant 0 : i32
    %eq3A_2 = arith.cmpi eq, %arg1, %eq3A_1 : i32
    %and3A = arith.andi %eq3A_0, %eq3A_2 : i1
    %convert_element_type3A = arith.extui %and3A : i1 to i32
    %cond3A = arith.constant 0 : i32
    %cond3A_3 = arith.cmpi ne, %convert_element_type3A, %cond3A : i32
    scf.if %cond3A_3 {
      %iota3A = tpu.iota {dimensions = array<i32: 0>} : vector<16xi32>
      %broadcast_in_dim3A = arith.constant 0.000000e+00 : f32
      %broadcast_in_dim3A_4 = vector.broadcast %broadcast_in_dim3A : f32 to vector<16xf32>
      %swap3A = arith.constant 0 : index
      %swap3A_5 = tpu.vector_load %arg5[%swap3A] {strides = array<i32>} : memref<128xf32, #tpu.memory_space<vmem>>, vector<16xf32>,
      %swap3A_6 = vector.shape_cast %swap3A_5 : vector<16xf32> to vector<16xf32>
      %swap3A_7 = vector.shape_cast %broadcast_in_dim3A_4 : vector<16xf32> to vector<16xf32>
      tpu.vector_store %arg5[%swap3A], %swap3A_7 {strides = array<i32>} : memref<128xf32, #tpu.memory_space<vmem>>, vector<16xf32>,
      %broadcast_in_dim3A_8 = arith.constant 0.000000e+00 : f32
      %broadcast_in_dim3A_9 = vector.broadcast %broadcast_in_dim3A_8 : f32 to vector<16xf32>
      %swap3A_10 = arith.constant 16 : index
      %swap3A_11 = tpu.vector_load %arg5[%swap3A_10] {strides = array<i32>} : memref<128xf32, #tpu.memory_space<vmem>>, vector<16xf32>,
      %swap3A_12 = vector.shape_cast %swap3A_11 : vector<16xf32> to vector<16xf32>
      %swap3A_13 = vector.shape_cast %broadcast_in_dim3A_9 : vector<16xf32> to vector<16xf32>
      tpu.vector_store %arg5[%swap3A_10], %swap3A_13 {strides = array<i32>} : memref<128xf32, #tpu.memory_space<vmem>>, vector<16xf32>,
      %broadcast_in_dim3A_14 = arith.constant 0.000000e+00 : f32
      %broadcast_in_dim3A_15 = vector.broadcast %broadcast_in_dim3A_14 : f32 to vector<16xf32>
      %swap3A_16 = arith.constant 32 : index
      %swap3A_17 = tpu.vector_load %arg5[%swap3A_16] {strides = array<i32>} : memref<128xf32, #tpu.memory_space<vmem>>, vector<16xf32>,
      %swap3A_18 = vector.shape_cast %swap3A_17 : vector<16xf32> to vector<16xf32>
      %swap3A_19 = vector.shape_cast %broadcast_in_dim3A_15 : vector<16xf32> to vector<16xf32>
      tpu.vector_store %arg5[%swap3A_16], %swap3A_19 {strides = array<i32>} : memref<128xf32, #tpu.memory_space<vmem>>, vector<16xf32>,
      %broadcast_in_dim3A_20 = arith.constant 0.000000e+00 : f32
      %broadcast_in_dim3A_21 = vector.broadcast %broadcast_in_dim3A_20 : f32 to vector<16xf32>
      %swap3A_22 = arith.constant 48 : index
      %swap3A_23 = tpu.vector_load %arg5[%swap3A_22] {strides = array<i32>} : memref<128xf32, #tpu.memory_space<vmem>>, vector<16xf32>,
      %swap3A_24 = vector.shape_cast %swap3A_23 : vector<16xf32> to vector<16xf32>
      %swap3A_25 = vector.shape_cast %broadcast_in_dim3A_21 : vector<16xf32> to vector<16xf32>
      tpu.vector_store %arg5[%swap3A_22], %swap3A_25 {strides = array<i32>} : memref<128xf32, #tpu.memory_space<vmem>>, vector<16xf32>,
      %broadcast_in_dim3A_26 = arith.constant 0.000000e+00 : f32
      %broadcast_in_dim3A_27 = vector.broadcast %broadcast_in_dim3A_26 : f32 to vector<16xf32>
      %swap3A_28 = arith.constant 64 : index
      %swap3A_29 = tpu.vector_load %arg5[%swap3A_28] {strides = array<i32>} : memref<128xf32, #tpu.memory_space<vmem>>, vector<16xf32>,
      %swap3A_30 = vector.shape_cast %swap3A_29 : vector<16xf32> to vector<16xf32>
      %swap3A_31 = vector.shape_cast %broadcast_in_dim3A_27 : vector<16xf32> to vector<16xf32>
      tpu.vector_store %arg5[%swap3A_28], %swap3A_31 {strides = array<i32>} : memref<128xf32, #tpu.memory_space<vmem>>, vector<16xf32>,
      %broadcast_in_dim3A_32 = arith.constant 0.000000e+00 : f32
      %broadcast_in_dim3A_33 = vector.broadcast %broadcast_in_dim3A_32 : f32 to vector<16xf32>
      %swap3A_34 = arith.constant 80 : index
      %swap3A_35 = tpu.vector_load %arg5[%swap3A_34] {strides = array<i32>} : memref<128xf32, #tpu.memory_space<vmem>>, vector<16xf32>,
      %swap3A_36 = vector.shape_cast %swap3A_35 : vector<16xf32> to vector<16xf32>
      %swap3A_37 = vector.shape_cast %broadcast_in_dim3A_33 : vector<16xf32> to vector<16xf32>
      tpu.vector_store %arg5[%swap3A_34], %swap3A_37 {strides = array<i32>} : memref<128xf32, #tpu.memory_space<vmem>>, vector<16xf32>,
      %broadcast_in_dim3A_38 = arith.constant 0.000000e+00 : f32
      %broadcast_in_dim3A_39 = vector.broadcast %broadcast_in_dim3A_38 : f32 to vector<16xf32>
      %swap3A_40 = arith.constant 96 : index
      %swap3A_41 = tpu.vector_load %arg5[%swap3A_40] {strides = array<i32>} : memref<128xf32, #tpu.memory_space<vmem>>, vector<16xf32>,
      %swap3A_42 = vector.shape_cast %swap3A_41 : vector<16xf32> to vector<16xf32>
      %swap3A_43 = vector.shape_cast %broadcast_in_dim3A_39 : vector<16xf32> to vector<16xf32>
      tpu.vector_store %arg5[%swap3A_40], %swap3A_43 {strides = array<i32>} : memref<128xf32, #tpu.memory_space<vmem>>, vector<16xf32>,
      %broadcast_in_dim3A_44 = arith.constant 0.000000e+00 : f32
      %broadcast_in_dim3A_45 = vector.broadcast %broadcast_in_dim3A_44 : f32 to vector<16xf32>
      %swap3A_46 = arith.constant 112 : index
      %swap3A_47 = tpu.vector_load %arg5[%swap3A_46] {strides = array<i32>} : memref<128xf32, #tpu.memory_space<vmem>>, vector<16xf32>,
      %swap3A_48 = vector.shape_cast %swap3A_47 : vector<16xf32> to vector<16xf32>
      %swap3A_49 = vector.shape_cast %broadcast_in_dim3A_45 : vector<16xf32> to vector<16xf32>
      tpu.vector_store %arg5[%swap3A_46], %swap3A_49 {strides = array<i32>} : memref<128xf32, #tpu.memory_space<vmem>>, vector<16xf32>,
      %run_scoped3A = arith.constant 0 : i32
      "tpu.region"() ({
        %run_scoped3A_1087 = tpu.sem_alloc : memref<!tpu.dma_semaphore, #tpu.memory_space<semaphore_mem>>
        %dma_start3A = arith.constant 0 : i32
        %dma_start3A_1088 = tpu.memref_slice %arg2[%run_scoped3A, %dma_start3A] : memref<8x128xf32, #tpu.memory_space<hbm>> -> memref<1x128xf32, #tpu.memory_space<hbm>>
        %dma_start3A_1089 = tpu.memref_squeeze %dma_start3A_1088 : memref<1x128xf32, #tpu.memory_space<hbm>> -> memref<128xf32, #tpu.memory_space<hbm>>
        %dma_start3A_1090 = arith.constant 0 : i32
        %dma_start3A_1091 = tpu.memref_slice %arg2[%run_scoped3A, %dma_start3A_1090] : memref<8x128xf32, #tpu.memory_space<hbm>> -> memref<1x128xf32, #tpu.memory_space<hbm>>
        %dma_start3A_1092 = tpu.memref_squeeze %dma_start3A_1091 : memref<1x128xf32, #tpu.memory_space<hbm>> -> memref<128xf32, #tpu.memory_space<hbm>>
        tpu.enqueue_dma source(%dma_start3A_1092 : memref<128xf32, #tpu.memory_space<hbm>>) target(%arg4 : memref<128xf32, #tpu.memory_space<vmem>>) target_semaphore(%run_scoped3A_1087 : memref<!tpu.dma_semaphore, #tpu.memory_space<semaphore_mem>>)
        %dma_wait3A = arith.constant 0 : i32
        %dma_wait3A_1093 = tpu.memref_slice %arg2[%run_scoped3A, %dma_wait3A] : memref<8x128xf32, #tpu.memory_space<hbm>> -> memref<1x128xf32, #tpu.memory_space<hbm>>
        %dma_wait3A_1094 = tpu.memref_squeeze %dma_wait3A_1093 : memref<1x128xf32, #tpu.memory_space<hbm>> -> memref<128xf32, #tpu.memory_space<hbm>>
        %dma_wait3A_1095 = arith.constant 0 : i32
        %dma_wait3A_1096 = tpu.memref_slice %arg2[%run_scoped3A, %dma_wait3A_1095] : memref<8x128xf32, #tpu.memory_space<hbm>> -> memref<1x128xf32, #tpu.memory_space<hbm>>
        %dma_wait3A_1097 = tpu.memref_squeeze %dma_wait3A_1096 : memref<1x128xf32, #tpu.memory_space<hbm>> -> memref<128xf32, #tpu.memory_space<hbm>>
        tpu.wait_dma2 semaphore(%run_scoped3A_1087 : memref<!tpu.dma_semaphore, #tpu.memory_space<semaphore_mem>>) src(%dma_wait3A_1097 : memref<128xf32, #tpu.memory_space<hbm>>) dst(%arg4 : memref<128xf32, #tpu.memory_space<vmem>>)
        tpu.yield
      }) : () -> ()
      %get3A = arith.constant 0 : index
      %get3A_50 = tpu.vector_load %arg4[%get3A] {strides = array<i32>} : memref<128xf32, #tpu.memory_space<vmem>>, vector<16xf32>,
      %get3A_51 = vector.shape_cast %get3A_50 : vector<16xf32> to vector<16xf32>
      %swap3A_52 = arith.constant 0 : index
      %swap3A_53 = tpu.vector_load %arg6[%swap3A_52] {strides = array<i32>} : memref<32xf32, #tpu.memory_space<vmem>>, vector<16xf32>,
      %swap3A_54 = vector.shape_cast %swap3A_53 : vector<16xf32> to vector<16xf32>
      %swap3A_55 = vector.shape_cast %get3A_51 : vector<16xf32> to vector<16xf32>
      tpu.vector_store %arg6[%swap3A_52], %swap3A_55 {strides = array<i32>} : memref<32xf32, #tpu.memory_space<vmem>>, vector<16xf32>,
      %swap3A_56 = arith.constant 16 : index
      %swap3A_57 = tpu.vector_load %arg6[%swap3A_56] {strides = array<i32>} : memref<32xf32, #tpu.memory_space<vmem>>, vector<16xf32>,
      %swap3A_58 = vector.shape_cast %swap3A_57 : vector<16xf32> to vector<16xf32>
      %swap3A_59 = vector.shape_cast %get3A_51 : vector<16xf32> to vector<16xf32>
      tpu.vector_store %arg6[%swap3A_56], %swap3A_59 {strides = array<i32>} : memref<32xf32, #tpu.memory_space<vmem>>, vector<16xf32>,
      %swap3A_60 = arith.constant 0 : index
      %swap3A_61 = tpu.vector_load %arg7[%swap3A_60] {strides = array<i32>} : memref<32xi32, #tpu.memory_space<vmem>>, vector<16xi32>,
      %swap3A_62 = vector.shape_cast %swap3A_61 : vector<16xi32> to vector<16xi32>
      %swap3A_63 = vector.shape_cast %iota3A : vector<16xi32> to vector<16xi32>
      tpu.vector_store %arg7[%swap3A_60], %swap3A_63 {strides = array<i32>} : memref<32xi32, #tpu.memory_space<vmem>>, vector<16xi32>,
      %swap3A_64 = arith.constant 16 : index
      %swap3A_65 = tpu.vector_load %arg7[%swap3A_64] {strides = array<i32>} : memref<32xi32, #tpu.memory_space<vmem>>, vector<16xi32>,
      %swap3A_66 = vector.shape_cast %swap3A_65 : vector<16xi32> to vector<16xi32>
      %swap3A_67 = vector.shape_cast %iota3A : vector<16xi32> to vector<16xi32>
      tpu.vector_store %arg7[%swap3A_64], %swap3A_67 {strides = array<i32>} : memref<32xi32, #tpu.memory_space<vmem>>, vector<16xi32>,
      %get3A_68 = arith.constant 1 : index
      %get3A_69 = tpu.vector_load %arg6[%get3A_68] {strides = array<i32>} : memref<32xf32, #tpu.memory_space<vmem>>, vector<16xf32>,
      %get3A_70 = vector.shape_cast %get3A_69 : vector<16xf32> to vector<16xf32>
      %get3A_71 = arith.constant 1 : index
      %get3A_72 = tpu.vector_load %arg7[%get3A_71] {strides = array<i32>} : memref<32xi32, #tpu.memory_space<vmem>>, vector<16xi32>,
      %get3A_73 = vector.shape_cast %get3A_72 : vector<16xi32> to vector<16xi32>
      %gt3A = arith.cmpf ogt, %get3A_70, %get3A_51 : vector<16xf32>
      %eq3A_74 = arith.cmpf oeq, %get3A_70, %get3A_51 : vector<16xf32>
      %lt3A = arith.cmpi slt, %get3A_73, %iota3A : vector<16xi32>
      %and3A_75 = arith.andi %eq3A_74, %lt3A : vector<16xi1>
      %or3A = arith.ori %gt3A, %and3A_75 : vector<16xi1>
      %select_n3A = arith.select %or3A, %get3A_70, %get3A_51 : vector<16xi1>, vector<16xf32>
      %select_n3A_76 = arith.select %or3A, %get3A_73, %iota3A : vector<16xi1>, vector<16xi32>
      %swap3A_77 = arith.constant 0 : index
      %swap3A_78 = tpu.vector_load %arg6[%swap3A_77] {strides = array<i32>} : memref<32xf32, #tpu.memory_space<vmem>>, vector<16xf32>,
      %swap3A_79 = vector.shape_cast %swap3A_78 : vector<16xf32> to vector<16xf32>
      %swap3A_80 = vector.shape_cast %select_n3A : vector<16xf32> to vector<16xf32>
      tpu.vector_store %arg6[%swap3A_77], %swap3A_80 {strides = array<i32>} : memref<32xf32, #tpu.memory_space<vmem>>, vector<16xf32>,
      %swap3A_81 = arith.constant 16 : index
      %swap3A_82 = tpu.vector_load %arg6[%swap3A_81] {strides = array<i32>} : memref<32xf32, #tpu.memory_space<vmem>>, vector<16xf32>,
      %swap3A_83 = vector.shape_cast %swap3A_82 : vector<16xf32> to vector<16xf32>
      %swap3A_84 = vector.shape_cast %select_n3A : vector<16xf32> to vector<16xf32>
      tpu.vector_store %arg6[%swap3A_81], %swap3A_84 {strides = array<i32>} : memref<32xf32, #tpu.memory_space<vmem>>, vector<16xf32>,
      %swap3A_85 = arith.constant 0 : index
      %swap3A_86 = tpu.vector_load %arg7[%swap3A_85] {strides = array<i32>} : memref<32xi32, #tpu.memory_space<vmem>>, vector<16xi32>,
      %swap3A_87 = vector.shape_cast %swap3A_86 : vector<16xi32> to vector<16xi32>
      %swap3A_88 = vector.shape_cast %select_n3A_76 : vector<16xi32> to vector<16xi32>
      tpu.vector_store %arg7[%swap3A_85], %swap3A_88 {strides = array<i32>} : memref<32xi32, #tpu.memory_space<vmem>>, vector<16xi32>,
      %swap3A_89 = arith.constant 16 : index
      %swap3A_90 = tpu.vector_load %arg7[%swap3A_89] {strides = array<i32>} : memref<32xi32, #tpu.memory_space<vmem>>, vector<16xi32>,
      %swap3A_91 = vector.shape_cast %swap3A_90 : vector<16xi32> to vector<16xi32>
      %swap3A_92 = vector.shape_cast %select_n3A_76 : vector<16xi32> to vector<16xi32>
      tpu.vector_store %arg7[%swap3A_89], %swap3A_92 {strides = array<i32>} : memref<32xi32, #tpu.memory_space<vmem>>, vector<16xi32>,
      %get3A_93 = arith.constant 2 : index
      %get3A_94 = tpu.vector_load %arg6[%get3A_93] {strides = array<i32>} : memref<32xf32, #tpu.memory_space<vmem>>, vector<16xf32>,
      %get3A_95 = vector.shape_cast %get3A_94 : vector<16xf32> to vector<16xf32>
      %get3A_96 = arith.constant 2 : index
      %get3A_97 = tpu.vector_load %arg7[%get3A_96] {strides = array<i32>} : memref<32xi32, #tpu.memory_space<vmem>>, vector<16xi32>,
      %get3A_98 = vector.shape_cast %get3A_97 : vector<16xi32> to vector<16xi32>
      %gt3A_99 = arith.cmpf ogt, %get3A_95, %select_n3A : vector<16xf32>
      %eq3A_100 = arith.cmpf oeq, %get3A_95, %select_n3A : vector<16xf32>
      %lt3A_101 = arith.cmpi slt, %get3A_98, %select_n3A_76 : vector<16xi32>
      %and3A_102 = arith.andi %eq3A_100, %lt3A_101 : vector<16xi1>
      %or3A_103 = arith.ori %gt3A_99, %and3A_102 : vector<16xi1>
      %select_n3A_104 = arith.select %or3A_103, %get3A_95, %select_n3A : vector<16xi1>, vector<16xf32>
      %select_n3A_105 = arith.select %or3A_103, %get3A_98, %select_n3A_76 : vector<16xi1>, vector<16xi32>
      %swap3A_106 = arith.constant 0 : index
      %swap3A_107 = tpu.vector_load %arg6[%swap3A_106] {strides = array<i32>} : memref<32xf32, #tpu.memory_space<vmem>>, vector<16xf32>,
      %swap3A_108 = vector.shape_cast %swap3A_107 : vector<16xf32> to vector<16xf32>
      %swap3A_109 = vector.shape_cast %select_n3A_104 : vector<16xf32> to vector<16xf32>
      tpu.vector_store %arg6[%swap3A_106], %swap3A_109 {strides = array<i32>} : memref<32xf32, #tpu.memory_space<vmem>>, vector<16xf32>,
      %swap3A_110 = arith.constant 16 : index
      %swap3A_111 = tpu.vector_load %arg6[%swap3A_110] {strides = array<i32>} : memref<32xf32, #tpu.memory_space<vmem>>, vector<16xf32>,
      %swap3A_112 = vector.shape_cast %swap3A_111 : vector<16xf32> to vector<16xf32>
      %swap3A_113 = vector.shape_cast %select_n3A_104 : vector<16xf32> to vector<16xf32>
      tpu.vector_store %arg6[%swap3A_110], %swap3A_113 {strides = array<i32>} : memref<32xf32, #tpu.memory_space<vmem>>, vector<16xf32>,
      %swap3A_114 = arith.constant 0 : index
      %swap3A_115 = tpu.vector_load %arg7[%swap3A_114] {strides = array<i32>} : memref<32xi32, #tpu.memory_space<vmem>>, vector<16xi32>,
      %swap3A_116 = vector.shape_cast %swap3A_115 : vector<16xi32> to vector<16xi32>
      %swap3A_117 = vector.shape_cast %select_n3A_105 : vector<16xi32> to vector<16xi32>
      tpu.vector_store %arg7[%swap3A_114], %swap3A_117 {strides = array<i32>} : memref<32xi32, #tpu.memory_space<vmem>>, vector<16xi32>,
      %swap3A_118 = arith.constant 16 : index
      %swap3A_119 = tpu.vector_load %arg7[%swap3A_118] {strides = array<i32>} : memref<32xi32, #tpu.memory_space<vmem>>, vector<16xi32>,
      %swap3A_120 = vector.shape_cast %swap3A_119 : vector<16xi32> to vector<16xi32>
      %swap3A_121 = vector.shape_cast %select_n3A_105 : vector<16xi32> to vector<16xi32>
      tpu.vector_store %arg7[%swap3A_118], %swap3A_121 {strides = array<i32>} : memref<32xi32, #tpu.memory_space<vmem>>, vector<16xi32>,
      %get3A_122 = arith.constant 4 : index
      %get3A_123 = tpu.vector_load %arg6[%get3A_122] {strides = array<i32>} : memref<32xf32, #tpu.memory_space<vmem>>, vector<16xf32>,
      %get3A_124 = vector.shape_cast %get3A_123 : vector<16xf32> to vector<16xf32>
      %get3A_125 = arith.constant 4 : index
      %get3A_126 = tpu.vector_load %arg7[%get3A_125] {strides = array<i32>} : memref<32xi32, #tpu.memory_space<vmem>>, vector<16xi32>,
      %get3A_127 = vector.shape_cast %get3A_126 : vector<16xi32> to vector<16xi32>
      %gt3A_128 = arith.cmpf ogt, %get3A_124, %select_n3A_104 : vector<16xf32>
      %eq3A_129 = arith.cmpf oeq, %get3A_124, %select_n3A_104 : vector<16xf32>
      %lt3A_130 = arith.cmpi slt, %get3A_127, %select_n3A_105 : vector<16xi32>
      %and3A_131 = arith.andi %eq3A_129, %lt3A_130 : vector<16xi1>
      %or3A_132 = arith.ori %gt3A_128, %and3A_131 : vector<16xi1>
      %select_n3A_133 = arith.select %or3A_132, %get3A_124, %select_n3A_104 : vector<16xi1>, vector<16xf32>
      %select_n3A_134 = arith.select %or3A_132, %get3A_127, %select_n3A_105 : vector<16xi1>, vector<16xi32>
      %swap3A_135 = arith.constant 0 : index
      %swap3A_136 = tpu.vector_load %arg6[%swap3A_135] {strides = array<i32>} : memref<32xf32, #tpu.memory_space<vmem>>, vector<16xf32>,
      %swap3A_137 = vector.shape_cast %swap3A_136 : vector<16xf32> to vector<16xf32>
      %swap3A_138 = vector.shape_cast %select_n3A_133 : vector<16xf32> to vector<16xf32>
      tpu.vector_store %arg6[%swap3A_135], %swap3A_138 {strides = array<i32>} : memref<32xf32, #tpu.memory_space<vmem>>, vector<16xf32>,
      %swap3A_139 = arith.constant 16 : index
      %swap3A_140 = tpu.vector_load %arg6[%swap3A_139] {strides = array<i32>} : memref<32xf32, #tpu.memory_space<vmem>>, vector<16xf32>,
      %swap3A_141 = vector.shape_cast %swap3A_140 : vector<16xf32> to vector<16xf32>
      %swap3A_142 = vector.shape_cast %select_n3A_133 : vector<16xf32> to vector<16xf32>
      tpu.vector_store %arg6[%swap3A_139], %swap3A_142 {strides = array<i32>} : memref<32xf32, #tpu.memory_space<vmem>>, vector<16xf32>,
      %swap3A_143 = arith.constant 0 : index
      %swap3A_144 = tpu.vector_load %arg7[%swap3A_143] {strides = array<i32>} : memref<32xi32, #tpu.memory_space<vmem>>, vector<16xi32>,
      %swap3A_145 = vector.shape_cast %swap3A_144 : vector<16xi32> to vector<16xi32>
      %swap3A_146 = vector.shape_cast %select_n3A_134 : vector<16xi32> to vector<16xi32>
      tpu.vector_store %arg7[%swap3A_143], %swap3A_146 {strides = array<i32>} : memref<32xi32, #tpu.memory_space<vmem>>, vector<16xi32>,
      %swap3A_147 = arith.constant 16 : index
      %swap3A_148 = tpu.vector_load %arg7[%swap3A_147] {strides = array<i32>} : memref<32xi32, #tpu.memory_space<vmem>>, vector<16xi32>,
      %swap3A_149 = vector.shape_cast %swap3A_148 : vector<16xi32> to vector<16xi32>
      %swap3A_150 = vector.shape_cast %select_n3A_134 : vector<16xi32> to vector<16xi32>
      tpu.vector_store %arg7[%swap3A_147], %swap3A_150 {strides = array<i32>} : memref<32xi32, #tpu.memory_space<vmem>>, vector<16xi32>,
      %get3A_151 = arith.constant 8 : index
      %get3A_152 = tpu.vector_load %arg6[%get3A_151] {strides = array<i32>} : memref<32xf32, #tpu.memory_space<vmem>>, vector<16xf32>,
      %get3A_153 = vector.shape_cast %get3A_152 : vector<16xf32> to vector<16xf32>
      %get3A_154 = arith.constant 8 : index
      %get3A_155 = tpu.vector_load %arg7[%get3A_154] {strides = array<i32>} : memref<32xi32, #tpu.memory_space<vmem>>, vector<16xi32>,
      %get3A_156 = vector.shape_cast %get3A_155 : vector<16xi32> to vector<16xi32>
      %gt3A_157 = arith.cmpf ogt, %get3A_153, %select_n3A_133 : vector<16xf32>
      %eq3A_158 = arith.cmpf oeq, %get3A_153, %select_n3A_133 : vector<16xf32>
      %lt3A_159 = arith.cmpi slt, %get3A_156, %select_n3A_134 : vector<16xi32>
      %and3A_160 = arith.andi %eq3A_158, %lt3A_159 : vector<16xi1>
      %or3A_161 = arith.ori %gt3A_157, %and3A_160 : vector<16xi1>
      %select_n3A_162 = arith.select %or3A_161, %get3A_153, %select_n3A_133 : vector<16xi1>, vector<16xf32>
      %select_n3A_163 = arith.select %or3A_161, %get3A_156, %select_n3A_134 : vector<16xi1>, vector<16xi32>
      %eq3A_164 = arith.cmpi eq, %iota3A, %select_n3A_163 : vector<16xi32>
      %jit3A = arith.constant -1.000000e+30 : f32
      %broadcast_in_dim3A_165 = vector.broadcast %jit3A : f32 to vector<16xf32>
      %select_n3A_166 = arith.select %eq3A_164, %broadcast_in_dim3A_165, %get3A_51 : vector<16xi1>, vector<16xf32>
      %swap3A_167 = arith.constant 0 : index
      %swap3A_168 = tpu.vector_load %arg6[%swap3A_167] {strides = array<i32>} : memref<32xf32, #tpu.memory_space<vmem>>, vector<16xf32>,
      %swap3A_169 = vector.shape_cast %swap3A_168 : vector<16xf32> to vector<16xf32>
      %swap3A_170 = vector.shape_cast %select_n3A_166 : vector<16xf32> to vector<16xf32>
      tpu.vector_store %arg6[%swap3A_167], %swap3A_170 {strides = array<i32>} : memref<32xf32, #tpu.memory_space<vmem>>, vector<16xf32>,
      %swap3A_171 = arith.constant 16 : index
      %swap3A_172 = tpu.vector_load %arg6[%swap3A_171] {strides = array<i32>} : memref<32xf32, #tpu.memory_space<vmem>>, vector<16xf32>,
      %swap3A_173 = vector.shape_cast %swap3A_172 : vector<16xf32> to vector<16xf32>
      %swap3A_174 = vector.shape_cast %select_n3A_166 : vector<16xf32> to vector<16xf32>
      tpu.vector_store %arg6[%swap3A_171], %swap3A_174 {strides = array<i32>} : memref<32xf32, #tpu.memory_space<vmem>>, vector<16xf32>,
      %swap3A_175 = arith.constant 0 : index
      %swap3A_176 = tpu.vector_load %arg7[%swap3A_175] {strides = array<i32>} : memref<32xi32, #tpu.memory_space<vmem>>, vector<16xi32>,
      %swap3A_177 = vector.shape_cast %swap3A_176 : vector<16xi32> to vector<16xi32>
      %swap3A_178 = vector.shape_cast %iota3A : vector<16xi32> to vector<16xi32>
      tpu.vector_store %arg7[%swap3A_175], %swap3A_178 {strides = array<i32>} : memref<32xi32, #tpu.memory_space<vmem>>, vector<16xi32>,
      %swap3A_179 = arith.constant 16 : index
      %swap3A_180 = tpu.vector_load %arg7[%swap3A_179] {strides = array<i32>} : memref<32xi32, #tpu.memory_space<vmem>>, vector<16xi32>,
      %swap3A_181 = vector.shape_cast %swap3A_180 : vector<16xi32> to vector<16xi32>
      %swap3A_182 = vector.shape_cast %iota3A : vector<16xi32> to vector<16xi32>
      tpu.vector_store %arg7[%swap3A_179], %swap3A_182 {strides = array<i32>} : memref<32xi32, #tpu.memory_space<vmem>>, vector<16xi32>,
      %get3A_183 = arith.constant 1 : index
      %get3A_184 = tpu.vector_load %arg6[%get3A_183] {strides = array<i32>} : memref<32xf32, #tpu.memory_space<vmem>>, vector<16xf32>,
      %get3A_185 = vector.shape_cast %get3A_184 : vector<16xf32> to vector<16xf32>
      %get3A_186 = arith.constant 1 : index
      %get3A_187 = tpu.vector_load %arg7[%get3A_186] {strides = array<i32>} : memref<32xi32, #tpu.memory_space<vmem>>, vector<16xi32>,
      %get3A_188 = vector.shape_cast %get3A_187 : vector<16xi32> to vector<16xi32>
      %gt3A_189 = arith.cmpf ogt, %get3A_185, %select_n3A_166 : vector<16xf32>
      %eq3A_190 = arith.cmpf oeq, %get3A_185, %select_n3A_166 : vector<16xf32>
      %lt3A_191 = arith.cmpi slt, %get3A_188, %iota3A : vector<16xi32>
      %and3A_192 = arith.andi %eq3A_190, %lt3A_191 : vector<16xi1>
      %or3A_193 = arith.ori %gt3A_189, %and3A_192 : vector<16xi1>
      %select_n3A_194 = arith.select %or3A_193, %get3A_185, %select_n3A_166 : vector<16xi1>, vector<16xf32>
      %select_n3A_195 = arith.select %or3A_193, %get3A_188, %iota3A : vector<16xi1>, vector<16xi32>
      %swap3A_196 = arith.constant 0 : index
      %swap3A_197 = tpu.vector_load %arg6[%swap3A_196] {strides = array<i32>} : memref<32xf32, #tpu.memory_space<vmem>>, vector<16xf32>,
      %swap3A_198 = vector.shape_cast %swap3A_197 : vector<16xf32> to vector<16xf32>
      %swap3A_199 = vector.shape_cast %select_n3A_194 : vector<16xf32> to vector<16xf32>
      tpu.vector_store %arg6[%swap3A_196], %swap3A_199 {strides = array<i32>} : memref<32xf32, #tpu.memory_space<vmem>>, vector<16xf32>,
      %swap3A_200 = arith.constant 16 : index
      %swap3A_201 = tpu.vector_load %arg6[%swap3A_200] {strides = array<i32>} : memref<32xf32, #tpu.memory_space<vmem>>, vector<16xf32>,
      %swap3A_202 = vector.shape_cast %swap3A_201 : vector<16xf32> to vector<16xf32>
      %swap3A_203 = vector.shape_cast %select_n3A_194 : vector<16xf32> to vector<16xf32>
      tpu.vector_store %arg6[%swap3A_200], %swap3A_203 {strides = array<i32>} : memref<32xf32, #tpu.memory_space<vmem>>, vector<16xf32>,
      %swap3A_204 = arith.constant 0 : index
      %swap3A_205 = tpu.vector_load %arg7[%swap3A_204] {strides = array<i32>} : memref<32xi32, #tpu.memory_space<vmem>>, vector<16xi32>,
      %swap3A_206 = vector.shape_cast %swap3A_205 : vector<16xi32> to vector<16xi32>
      %swap3A_207 = vector.shape_cast %select_n3A_195 : vector<16xi32> to vector<16xi32>
      tpu.vector_store %arg7[%swap3A_204], %swap3A_207 {strides = array<i32>} : memref<32xi32, #tpu.memory_space<vmem>>, vector<16xi32>,
      %swap3A_208 = arith.constant 16 : index
      %swap3A_209 = tpu.vector_load %arg7[%swap3A_208] {strides = array<i32>} : memref<32xi32, #tpu.memory_space<vmem>>, vector<16xi32>,
      %swap3A_210 = vector.shape_cast %swap3A_209 : vector<16xi32> to vector<16xi32>
      %swap3A_211 = vector.shape_cast %select_n3A_195 : vector<16xi32> to vector<16xi32>
      tpu.vector_store %arg7[%swap3A_208], %swap3A_211 {strides = array<i32>} : memref<32xi32, #tpu.memory_space<vmem>>, vector<16xi32>,
      %get3A_212 = arith.constant 2 : index
      %get3A_213 = tpu.vector_load %arg6[%get3A_212] {strides = array<i32>} : memref<32xf32, #tpu.memory_space<vmem>>, vector<16xf32>,
      %get3A_214 = vector.shape_cast %get3A_213 : vector<16xf32> to vector<16xf32>
      %get3A_215 = arith.constant 2 : index
      %get3A_216 = tpu.vector_load %arg7[%get3A_215] {strides = array<i32>} : memref<32xi32, #tpu.memory_space<vmem>>, vector<16xi32>,
      %get3A_217 = vector.shape_cast %get3A_216 : vector<16xi32> to vector<16xi32>
      %gt3A_218 = arith.cmpf ogt, %get3A_214, %select_n3A_194 : vector<16xf32>
      %eq3A_219 = arith.cmpf oeq, %get3A_214, %select_n3A_194 : vector<16xf32>
      %lt3A_220 = arith.cmpi slt, %get3A_217, %select_n3A_195 : vector<16xi32>
      %and3A_221 = arith.andi %eq3A_219, %lt3A_220 : vector<16xi1>
      %or3A_222 = arith.ori %gt3A_218, %and3A_221 : vector<16xi1>
      %select_n3A_223 = arith.select %or3A_222, %get3A_214, %select_n3A_194 : vector<16xi1>, vector<16xf32>
      %select_n3A_224 = arith.select %or3A_222, %get3A_217, %select_n3A_195 : vector<16xi1>, vector<16xi32>
      %swap3A_225 = arith.constant 0 : index
      %swap3A_226 = tpu.vector_load %arg6[%swap3A_225] {strides = array<i32>} : memref<32xf32, #tpu.memory_space<vmem>>, vector<16xf32>,
      %swap3A_227 = vector.shape_cast %swap3A_226 : vector<16xf32> to vector<16xf32>
      %swap3A_228 = vector.shape_cast %select_n3A_223 : vector<16xf32> to vector<16xf32>
      tpu.vector_store %arg6[%swap3A_225], %swap3A_228 {strides = array<i32>} : memref<32xf32, #tpu.memory_space<vmem>>, vector<16xf32>,
      %swap3A_229 = arith.constant 16 : index
      %swap3A_230 = tpu.vector_load %arg6[%swap3A_229] {strides = array<i32>} : memref<32xf32, #tpu.memory_space<vmem>>, vector<16xf32>,
      %swap3A_231 = vector.shape_cast %swap3A_230 : vector<16xf32> to vector<16xf32>
      %swap3A_232 = vector.shape_cast %select_n3A_223 : vector<16xf32> to vector<16xf32>
      tpu.vector_store %arg6[%swap3A_229], %swap3A_232 {strides = array<i32>} : memref<32xf32, #tpu.memory_space<vmem>>, vector<16xf32>,
      %swap3A_233 = arith.constant 0 : index
      %swap3A_234 = tpu.vector_load %arg7[%swap3A_233] {strides = array<i32>} : memref<32xi32, #tpu.memory_space<vmem>>, vector<16xi32>,
      %swap3A_235 = vector.shape_cast %swap3A_234 : vector<16xi32> to vector<16xi32>
      %swap3A_236 = vector.shape_cast %select_n3A_224 : vector<16xi32> to vector<16xi32>
      tpu.vector_store %arg7[%swap3A_233], %swap3A_236 {strides = array<i32>} : memref<32xi32, #tpu.memory_space<vmem>>, vector<16xi32>,
      %swap3A_237 = arith.constant 16 : index
      %swap3A_238 = tpu.vector_load %arg7[%swap3A_237] {strides = array<i32>} : memref<32xi32, #tpu.memory_space<vmem>>, vector<16xi32>,
      %swap3A_239 = vector.shape_cast %swap3A_238 : vector<16xi32> to vector<16xi32>
      %swap3A_240 = vector.shape_cast %select_n3A_224 : vector<16xi32> to vector<16xi32>
      tpu.vector_store %arg7[%swap3A_237], %swap3A_240 {strides = array<i32>} : memref<32xi32, #tpu.memory_space<vmem>>, vector<16xi32>,
      %get3A_241 = arith.constant 4 : index
      %get3A_242 = tpu.vector_load %arg6[%get3A_241] {strides = array<i32>} : memref<32xf32, #tpu.memory_space<vmem>>, vector<16xf32>,
      %get3A_243 = vector.shape_cast %get3A_242 : vector<16xf32> to vector<16xf32>
      %get3A_244 = arith.constant 4 : index
      %get3A_245 = tpu.vector_load %arg7[%get3A_244] {strides = array<i32>} : memref<32xi32, #tpu.memory_space<vmem>>, vector<16xi32>,
      %get3A_246 = vector.shape_cast %get3A_245 : vector<16xi32> to vector<16xi32>
      %gt3A_247 = arith.cmpf ogt, %get3A_243, %select_n3A_223 : vector<16xf32>
      %eq3A_248 = arith.cmpf oeq, %get3A_243, %select_n3A_223 : vector<16xf32>
      %lt3A_249 = arith.cmpi slt, %get3A_246, %select_n3A_224 : vector<16xi32>
      %and3A_250 = arith.andi %eq3A_248, %lt3A_249 : vector<16xi1>
      %or3A_251 = arith.ori %gt3A_247, %and3A_250 : vector<16xi1>
      %select_n3A_252 = arith.select %or3A_251, %get3A_243, %select_n3A_223 : vector<16xi1>, vector<16xf32>
      %select_n3A_253 = arith.select %or3A_251, %get3A_246, %select_n3A_224 : vector<16xi1>, vector<16xi32>
      %swap3A_254 = arith.constant 0 : index
      %swap3A_255 = tpu.vector_load %arg6[%swap3A_254] {strides = array<i32>} : memref<32xf32, #tpu.memory_space<vmem>>, vector<16xf32>,
      %swap3A_256 = vector.shape_cast %swap3A_255 : vector<16xf32> to vector<16xf32>
      %swap3A_257 = vector.shape_cast %select_n3A_252 : vector<16xf32> to vector<16xf32>
      tpu.vector_store %arg6[%swap3A_254], %swap3A_257 {strides = array<i32>} : memref<32xf32, #tpu.memory_space<vmem>>, vector<16xf32>,
      %swap3A_258 = arith.constant 16 : index
      %swap3A_259 = tpu.vector_load %arg6[%swap3A_258] {strides = array<i32>} : memref<32xf32, #tpu.memory_space<vmem>>, vector<16xf32>,
      %swap3A_260 = vector.shape_cast %swap3A_259 : vector<16xf32> to vector<16xf32>
      %swap3A_261 = vector.shape_cast %select_n3A_252 : vector<16xf32> to vector<16xf32>
      tpu.vector_store %arg6[%swap3A_258], %swap3A_261 {strides = array<i32>} : memref<32xf32, #tpu.memory_space<vmem>>, vector<16xf32>,
      %swap3A_262 = arith.constant 0 : index
      %swap3A_263 = tpu.vector_load %arg7[%swap3A_262] {strides = array<i32>} : memref<32xi32, #tpu.memory_space<vmem>>, vector<16xi32>,
      %swap3A_264 = vector.shape_cast %swap3A_263 : vector<16xi32> to vector<16xi32>
      %swap3A_265 = vector.shape_cast %select_n3A_253 : vector<16xi32> to vector<16xi32>
      tpu.vector_store %arg7[%swap3A_262], %swap3A_265 {strides = array<i32>} : memref<32xi32, #tpu.memory_space<vmem>>, vector<16xi32>,
      %swap3A_266 = arith.constant 16 : index
      %swap3A_267 = tpu.vector_load %arg7[%swap3A_266] {strides = array<i32>} : memref<32xi32, #tpu.memory_space<vmem>>, vector<16xi32>,
      %swap3A_268 = vector.shape_cast %swap3A_267 : vector<16xi32> to vector<16xi32>
      %swap3A_269 = vector.shape_cast %select_n3A_253 : vector<16xi32> to vector<16xi32>
      tpu.vector_store %arg7[%swap3A_266], %swap3A_269 {strides = array<i32>} : memref<32xi32, #tpu.memory_space<vmem>>, vector<16xi32>,
      %get3A_270 = arith.constant 8 : index
      %get3A_271 = tpu.vector_load %arg6[%get3A_270] {strides = array<i32>} : memref<32xf32, #tpu.memory_space<vmem>>, vector<16xf32>,
      %get3A_272 = vector.shape_cast %get3A_271 : vector<16xf32> to vector<16xf32>
      %get3A_273 = arith.constant 8 : index
      %get3A_274 = tpu.vector_load %arg7[%get3A_273] {strides = array<i32>} : memref<32xi32, #tpu.memory_space<vmem>>, vector<16xi32>,
      %get3A_275 = vector.shape_cast %get3A_274 : vector<16xi32> to vector<16xi32>
      %gt3A_276 = arith.cmpf ogt, %get3A_272, %select_n3A_252 : vector<16xf32>
      %eq3A_277 = arith.cmpf oeq, %get3A_272, %select_n3A_252 : vector<16xf32>
      %lt3A_278 = arith.cmpi slt, %get3A_275, %select_n3A_253 : vector<16xi32>
      %and3A_279 = arith.andi %eq3A_277, %lt3A_278 : vector<16xi1>
      %or3A_280 = arith.ori %gt3A_276, %and3A_279 : vector<16xi1>
      %select_n3A_281 = arith.select %or3A_280, %get3A_272, %select_n3A_252 : vector<16xi1>, vector<16xf32>
      %select_n3A_282 = arith.select %or3A_280, %get3A_275, %select_n3A_253 : vector<16xi1>, vector<16xi32>
      %sub3A = arith.subf %select_n3A_281, %select_n3A_162 : vector<16xf32>
      %exp3A = math.exp %sub3A : vector<16xf32>
      %add3A = arith.constant 1.000000e+00 : f32
      %add3A_283 = vector.broadcast %add3A : f32 to vector<16xf32>
      %add3A_284 = arith.addf %add3A_283, %exp3A : vector<16xf32>
      %div3A = arith.constant 1.000000e+00 : f32
      %div3A_285 = vector.broadcast %div3A : f32 to vector<16xf32>
      %div3A_286 = arith.divf %div3A_285, %add3A_284 : vector<16xf32>
      %eq3A_287 = arith.cmpi eq, %iota3A, %select_n3A_163 : vector<16xi32>
      %eq3A_288 = arith.cmpi eq, %iota3A, %select_n3A_282 : vector<16xi32>
      %sub3A_289 = arith.constant 1.000000e+00 : f32
      %sub3A_290 = vector.broadcast %sub3A_289 : f32 to vector<16xf32>
      %sub3A_291 = arith.subf %sub3A_290, %div3A_286 : vector<16xf32>
      %jit3A_292 = arith.constant 0.000000e+00 : f32
      %broadcast_in_dim3A_293 = vector.broadcast %jit3A_292 : f32 to vector<16xf32>
      %select_n3A_294 = arith.select %eq3A_288, %sub3A_291, %broadcast_in_dim3A_293 : vector<16xi1>, vector<16xf32>
      %select_n3A_295 = arith.select %eq3A_287, %div3A_286, %select_n3A_294 : vector<16xi1>, vector<16xf32>
      %swap3A_296 = arith.constant 0 : index
      %swap3A_297 = tpu.vector_load %arg5[%swap3A_296] {strides = array<i32>} : memref<128xf32, #tpu.memory_space<vmem>>, vector<16xf32>,
      %swap3A_298 = vector.shape_cast %swap3A_297 : vector<16xf32> to vector<16xf32>
      %swap3A_299 = vector.shape_cast %select_n3A_295 : vector<16xf32> to vector<16xf32>
      tpu.vector_store %arg5[%swap3A_296], %swap3A_299 {strides = array<i32>} : memref<128xf32, #tpu.memory_space<vmem>>, vector<16xf32>,
      %run_scoped3A_300 = arith.constant 0 : i32
      "tpu.region"() ({
        %run_scoped3A_1087 = tpu.sem_alloc : memref<!tpu.dma_semaphore, #tpu.memory_space<semaphore_mem>>
        %dma_start3A = arith.constant 0 : i32
        %dma_start3A_1088 = tpu.memref_slice %arg3[%run_scoped3A_300, %dma_start3A] : memref<8x128xf32, #tpu.memory_space<hbm>> -> memref<1x128xf32, #tpu.memory_space<hbm>>
        %dma_start3A_1089 = tpu.memref_squeeze %dma_start3A_1088 : memref<1x128xf32, #tpu.memory_space<hbm>> -> memref<128xf32, #tpu.memory_space<hbm>>
        %dma_start3A_1090 = arith.constant 0 : i32
        %dma_start3A_1091 = tpu.memref_slice %arg3[%run_scoped3A_300, %dma_start3A_1090] : memref<8x128xf32, #tpu.memory_space<hbm>> -> memref<1x128xf32, #tpu.memory_space<hbm>>
        %dma_start3A_1092 = tpu.memref_squeeze %dma_start3A_1091 : memref<1x128xf32, #tpu.memory_space<hbm>> -> memref<128xf32, #tpu.memory_space<hbm>>
        tpu.enqueue_dma source(%arg5 : memref<128xf32, #tpu.memory_space<vmem>>) target(%dma_start3A_1092 : memref<128xf32, #tpu.memory_space<hbm>>) target_semaphore(%run_scoped3A_1087 : memref<!tpu.dma_semaphore, #tpu.memory_space<semaphore_mem>>)
        %dma_wait3A = arith.constant 0 : i32
        %dma_wait3A_1093 = tpu.memref_slice %arg3[%run_scoped3A_300, %dma_wait3A] : memref<8x128xf32, #tpu.memory_space<hbm>> -> memref<1x128xf32, #tpu.memory_space<hbm>>
        %dma_wait3A_1094 = tpu.memref_squeeze %dma_wait3A_1093 : memref<1x128xf32, #tpu.memory_space<hbm>> -> memref<128xf32, #tpu.memory_space<hbm>>
        %dma_wait3A_1095 = arith.constant 0 : i32
        %dma_wait3A_1096 = tpu.memref_slice %arg3[%run_scoped3A_300, %dma_wait3A_1095] : memref<8x128xf32, #tpu.memory_space<hbm>> -> memref<1x128xf32, #tpu.memory_space<hbm>>
        %dma_wait3A_1097 = tpu.memref_squeeze %dma_wait3A_1096 : memref<1x128xf32, #tpu.memory_space<hbm>> -> memref<128xf32, #tpu.memory_space<hbm>>
        tpu.wait_dma2 semaphore(%run_scoped3A_1087 : memref<!tpu.dma_semaphore, #tpu.memory_space<semaphore_mem>>) src(%arg5 : memref<128xf32, #tpu.memory_space<vmem>>) dst(%dma_wait3A_1097 : memref<128xf32, #tpu.memory_space<hbm>>)
        tpu.yield
      }) : () -> ()
      %run_scoped3A_301 = arith.constant 1 : i32
      "tpu.region"() ({
        %run_scoped3A_1087 = tpu.sem_alloc : memref<!tpu.dma_semaphore, #tpu.memory_space<semaphore_mem>>
        %dma_start3A = arith.constant 0 : i32
        %dma_start3A_1088 = tpu.memref_slice %arg2[%run_scoped3A_301, %dma_start3A] : memref<8x128xf32, #tpu.memory_space<hbm>> -> memref<1x128xf32, #tpu.memory_space<hbm>>
        %dma_start3A_1089 = tpu.memref_squeeze %dma_start3A_1088 : memref<1x128xf32, #tpu.memory_space<hbm>> -> memref<128xf32, #tpu.memory_space<hbm>>
        %dma_start3A_1090 = arith.constant 0 : i32
        %dma_start3A_1091 = tpu.memref_slice %arg2[%run_scoped3A_301, %dma_start3A_1090] : memref<8x128xf32, #tpu.memory_space<hbm>> -> memref<1x128xf32, #tpu.memory_space<hbm>>
        %dma_start3A_1092 = tpu.memref_squeeze %dma_start3A_1091 : memref<1x128xf32, #tpu.memory_space<hbm>> -> memref<128xf32, #tpu.memory_space<hbm>>
        tpu.enqueue_dma source(%dma_start3A_1092 : memref<128xf32, #tpu.memory_space<hbm>>) target(%arg4 : memref<128xf32, #tpu.memory_space<vmem>>) target_semaphore(%run_scoped3A_1087 : memref<!tpu.dma_semaphore, #tpu.memory_space<semaphore_mem>>)
        %dma_wait3A = arith.constant 0 : i32
        %dma_wait3A_1093 = tpu.memref_slice %arg2[%run_scoped3A_301, %dma_wait3A] : memref<8x128xf32, #tpu.memory_space<hbm>> -> memref<1x128xf32, #tpu.memory_space<hbm>>
        %dma_wait3A_1094 = tpu.memref_squeeze %dma_wait3A_1093 : memref<1x128xf32, #tpu.memory_space<hbm>> -> memref<128xf32, #tpu.memory_space<hbm>>
        %dma_wait3A_1095 = arith.constant 0 : i32
        %dma_wait3A_1096 = tpu.memref_slice %arg2[%run_scoped3A_301, %dma_wait3A_1095] : memref<8x128xf32, #tpu.memory_space<hbm>> -> memref<1x128xf32, #tpu.memory_space<hbm>>
        %dma_wait3A_1097 = tpu.memref_squeeze %dma_wait3A_1096 : memref<1x128xf32, #tpu.memory_space<hbm>> -> memref<128xf32, #tpu.memory_space<hbm>>
        tpu.wait_dma2 semaphore(%run_scoped3A_1087 : memref<!tpu.dma_semaphore, #tpu.memory_space<semaphore_mem>>) src(%dma_wait3A_1097 : memref<128xf32, #tpu.memory_space<hbm>>) dst(%arg4 : memref<128xf32, #tpu.memory_space<vmem>>)
        tpu.yield
      }) : () -> ()
      %get3A_302 = arith.constant 0 : index
      %get3A_303 = tpu.vector_load %arg4[%get3A_302] {strides = array<i32>} : memref<128xf32, #tpu.memory_space<vmem>>, vector<16xf32>,
      %get3A_304 = vector.shape_cast %get3A_303 : vector<16xf32> to vector<16xf32>
      %swap3A_305 = arith.constant 0 : index
      %swap3A_306 = tpu.vector_load %arg6[%swap3A_305] {strides = array<i32>} : memref<32xf32, #tpu.memory_space<vmem>>, vector<16xf32>,
      %swap3A_307 = vector.shape_cast %swap3A_306 : vector<16xf32> to vector<16xf32>
      %swap3A_308 = vector.shape_cast %get3A_304 : vector<16xf32> to vector<16xf32>
      tpu.vector_store %arg6[%swap3A_305], %swap3A_308 {strides = array<i32>} : memref<32xf32, #tpu.memory_space<vmem>>, vector<16xf32>,
      %swap3A_309 = arith.constant 16 : index
      %swap3A_310 = tpu.vector_load %arg6[%swap3A_309] {strides = array<i32>} : memref<32xf32, #tpu.memory_space<vmem>>, vector<16xf32>,
      %swap3A_311 = vector.shape_cast %swap3A_310 : vector<16xf32> to vector<16xf32>
      %swap3A_312 = vector.shape_cast %get3A_304 : vector<16xf32> to vector<16xf32>
      tpu.vector_store %arg6[%swap3A_309], %swap3A_312 {strides = array<i32>} : memref<32xf32, #tpu.memory_space<vmem>>, vector<16xf32>,
      %swap3A_313 = arith.constant 0 : index
      %swap3A_314 = tpu.vector_load %arg7[%swap3A_313] {strides = array<i32>} : memref<32xi32, #tpu.memory_space<vmem>>, vector<16xi32>,
      %swap3A_315 = vector.shape_cast %swap3A_314 : vector<16xi32> to vector<16xi32>
      %swap3A_316 = vector.shape_cast %iota3A : vector<16xi32> to vector<16xi32>
      tpu.vector_store %arg7[%swap3A_313], %swap3A_316 {strides = array<i32>} : memref<32xi32, #tpu.memory_space<vmem>>, vector<16xi32>,
      %swap3A_317 = arith.constant 16 : index
      %swap3A_318 = tpu.vector_load %arg7[%swap3A_317] {strides = array<i32>} : memref<32xi32, #tpu.memory_space<vmem>>, vector<16xi32>,
      %swap3A_319 = vector.shape_cast %swap3A_318 : vector<16xi32> to vector<16xi32>
      %swap3A_320 = vector.shape_cast %iota3A : vector<16xi32> to vector<16xi32>
      tpu.vector_store %arg7[%swap3A_317], %swap3A_320 {strides = array<i32>} : memref<32xi32, #tpu.memory_space<vmem>>, vector<16xi32>,
      %get3A_321 = arith.constant 1 : index
      %get3A_322 = tpu.vector_load %arg6[%get3A_321] {strides = array<i32>} : memref<32xf32, #tpu.memory_space<vmem>>, vector<16xf32>,
      %get3A_323 = vector.shape_cast %get3A_322 : vector<16xf32> to vector<16xf32>
      %get3A_324 = arith.constant 1 : index
      %get3A_325 = tpu.vector_load %arg7[%get3A_324] {strides = array<i32>} : memref<32xi32, #tpu.memory_space<vmem>>, vector<16xi32>,
      %get3A_326 = vector.shape_cast %get3A_325 : vector<16xi32> to vector<16xi32>
      %gt3A_327 = arith.cmpf ogt, %get3A_323, %get3A_304 : vector<16xf32>
      %eq3A_328 = arith.cmpf oeq, %get3A_323, %get3A_304 : vector<16xf32>
      %lt3A_329 = arith.cmpi slt, %get3A_326, %iota3A : vector<16xi32>
      %and3A_330 = arith.andi %eq3A_328, %lt3A_329 : vector<16xi1>
      %or3A_331 = arith.ori %gt3A_327, %and3A_330 : vector<16xi1>
      %select_n3A_332 = arith.select %or3A_331, %get3A_323, %get3A_304 : vector<16xi1>, vector<16xf32>
      %select_n3A_333 = arith.select %or3A_331, %get3A_326, %iota3A : vector<16xi1>, vector<16xi32>
      %swap3A_334 = arith.constant 0 : index
      %swap3A_335 = tpu.vector_load %arg6[%swap3A_334] {strides = array<i32>} : memref<32xf32, #tpu.memory_space<vmem>>, vector<16xf32>,
      %swap3A_336 = vector.shape_cast %swap3A_335 : vector<16xf32> to vector<16xf32>
      %swap3A_337 = vector.shape_cast %select_n3A_332 : vector<16xf32> to vector<16xf32>
      tpu.vector_store %arg6[%swap3A_334], %swap3A_337 {strides = array<i32>} : memref<32xf32, #tpu.memory_space<vmem>>, vector<16xf32>,
      %swap3A_338 = arith.constant 16 : index
      %swap3A_339 = tpu.vector_load %arg6[%swap3A_338] {strides = array<i32>} : memref<32xf32, #tpu.memory_space<vmem>>, vector<16xf32>,
      %swap3A_340 = vector.shape_cast %swap3A_339 : vector<16xf32> to vector<16xf32>
      %swap3A_341 = vector.shape_cast %select_n3A_332 : vector<16xf32> to vector<16xf32>
      tpu.vector_store %arg6[%swap3A_338], %swap3A_341 {strides = array<i32>} : memref<32xf32, #tpu.memory_space<vmem>>, vector<16xf32>,
      %swap3A_342 = arith.constant 0 : index
      %swap3A_343 = tpu.vector_load %arg7[%swap3A_342] {strides = array<i32>} : memref<32xi32, #tpu.memory_space<vmem>>, vector<16xi32>,
      %swap3A_344 = vector.shape_cast %swap3A_343 : vector<16xi32> to vector<16xi32>
      %swap3A_345 = vector.shape_cast %select_n3A_333 : vector<16xi32> to vector<16xi32>
      tpu.vector_store %arg7[%swap3A_342], %swap3A_345 {strides = array<i32>} : memref<32xi32, #tpu.memory_space<vmem>>, vector<16xi32>,
      %swap3A_346 = arith.constant 16 : index
      %swap3A_347 = tpu.vector_load %arg7[%swap3A_346] {strides = array<i32>} : memref<32xi32, #tpu.memory_space<vmem>>, vector<16xi32>,
      %swap3A_348 = vector.shape_cast %swap3A_347 : vector<16xi32> to vector<16xi32>
      %swap3A_349 = vector.shape_cast %select_n3A_333 : vector<16xi32> to vector<16xi32>
      tpu.vector_store %arg7[%swap3A_346], %swap3A_349 {strides = array<i32>} : memref<32xi32, #tpu.memory_space<vmem>>, vector<16xi32>,
      %get3A_350 = arith.constant 2 : index
      %get3A_351 = tpu.vector_load %arg6[%get3A_350] {strides = array<i32>} : memref<32xf32, #tpu.memory_space<vmem>>, vector<16xf32>,
      %get3A_352 = vector.shape_cast %get3A_351 : vector<16xf32> to vector<16xf32>
      %get3A_353 = arith.constant 2 : index
      %get3A_354 = tpu.vector_load %arg7[%get3A_353] {strides = array<i32>} : memref<32xi32, #tpu.memory_space<vmem>>, vector<16xi32>,
      %get3A_355 = vector.shape_cast %get3A_354 : vector<16xi32> to vector<16xi32>
      %gt3A_356 = arith.cmpf ogt, %get3A_352, %select_n3A_332 : vector<16xf32>
      %eq3A_357 = arith.cmpf oeq, %get3A_352, %select_n3A_332 : vector<16xf32>
      %lt3A_358 = arith.cmpi slt, %get3A_355, %select_n3A_333 : vector<16xi32>
      %and3A_359 = arith.andi %eq3A_357, %lt3A_358 : vector<16xi1>
      %or3A_360 = arith.ori %gt3A_356, %and3A_359 : vector<16xi1>
      %select_n3A_361 = arith.select %or3A_360, %get3A_352, %select_n3A_332 : vector<16xi1>, vector<16xf32>
      %select_n3A_362 = arith.select %or3A_360, %get3A_355, %select_n3A_333 : vector<16xi1>, vector<16xi32>
      %swap3A_363 = arith.constant 0 : index
      %swap3A_364 = tpu.vector_load %arg6[%swap3A_363] {strides = array<i32>} : memref<32xf32, #tpu.memory_space<vmem>>, vector<16xf32>,
      %swap3A_365 = vector.shape_cast %swap3A_364 : vector<16xf32> to vector<16xf32>
      %swap3A_366 = vector.shape_cast %select_n3A_361 : vector<16xf32> to vector<16xf32>
      tpu.vector_store %arg6[%swap3A_363], %swap3A_366 {strides = array<i32>} : memref<32xf32, #tpu.memory_space<vmem>>, vector<16xf32>,
      %swap3A_367 = arith.constant 16 : index
      %swap3A_368 = tpu.vector_load %arg6[%swap3A_367] {strides = array<i32>} : memref<32xf32, #tpu.memory_space<vmem>>, vector<16xf32>,
      %swap3A_369 = vector.shape_cast %swap3A_368 : vector<16xf32> to vector<16xf32>
      %swap3A_370 = vector.shape_cast %select_n3A_361 : vector<16xf32> to vector<16xf32>
      tpu.vector_store %arg6[%swap3A_367], %swap3A_370 {strides = array<i32>} : memref<32xf32, #tpu.memory_space<vmem>>, vector<16xf32>,
      %swap3A_371 = arith.constant 0 : index
      %swap3A_372 = tpu.vector_load %arg7[%swap3A_371] {strides = array<i32>} : memref<32xi32, #tpu.memory_space<vmem>>, vector<16xi32>,
      %swap3A_373 = vector.shape_cast %swap3A_372 : vector<16xi32> to vector<16xi32>
      %swap3A_374 = vector.shape_cast %select_n3A_362 : vector<16xi32> to vector<16xi32>
      tpu.vector_store %arg7[%swap3A_371], %swap3A_374 {strides = array<i32>} : memref<32xi32, #tpu.memory_space<vmem>>, vector<16xi32>,
      %swap3A_375 = arith.constant 16 : index
      %swap3A_376 = tpu.vector_load %arg7[%swap3A_375] {strides = array<i32>} : memref<32xi32, #tpu.memory_space<vmem>>, vector<16xi32>,
      %swap3A_377 = vector.shape_cast %swap3A_376 : vector<16xi32> to vector<16xi32>
      %swap3A_378 = vector.shape_cast %select_n3A_362 : vector<16xi32> to vector<16xi32>
      tpu.vector_store %arg7[%swap3A_375], %swap3A_378 {strides = array<i32>} : memref<32xi32, #tpu.memory_space<vmem>>, vector<16xi32>,
      %get3A_379 = arith.constant 4 : index
      %get3A_380 = tpu.vector_load %arg6[%get3A_379] {strides = array<i32>} : memref<32xf32, #tpu.memory_space<vmem>>, vector<16xf32>,
      %get3A_381 = vector.shape_cast %get3A_380 : vector<16xf32> to vector<16xf32>
      %get3A_382 = arith.constant 4 : index
      %get3A_383 = tpu.vector_load %arg7[%get3A_382] {strides = array<i32>} : memref<32xi32, #tpu.memory_space<vmem>>, vector<16xi32>,
      %get3A_384 = vector.shape_cast %get3A_383 : vector<16xi32> to vector<16xi32>
      %gt3A_385 = arith.cmpf ogt, %get3A_381, %select_n3A_361 : vector<16xf32>
      %eq3A_386 = arith.cmpf oeq, %get3A_381, %select_n3A_361 : vector<16xf32>
      %lt3A_387 = arith.cmpi slt, %get3A_384, %select_n3A_362 : vector<16xi32>
      %and3A_388 = arith.andi %eq3A_386, %lt3A_387 : vector<16xi1>
      %or3A_389 = arith.ori %gt3A_385, %and3A_388 : vector<16xi1>
      %select_n3A_390 = arith.select %or3A_389, %get3A_381, %select_n3A_361 : vector<16xi1>, vector<16xf32>
      %select_n3A_391 = arith.select %or3A_389, %get3A_384, %select_n3A_362 : vector<16xi1>, vector<16xi32>
      %swap3A_392 = arith.constant 0 : index
      %swap3A_393 = tpu.vector_load %arg6[%swap3A_392] {strides = array<i32>} : memref<32xf32, #tpu.memory_space<vmem>>, vector<16xf32>,
      %swap3A_394 = vector.shape_cast %swap3A_393 : vector<16xf32> to vector<16xf32>
      %swap3A_395 = vector.shape_cast %select_n3A_390 : vector<16xf32> to vector<16xf32>
      tpu.vector_store %arg6[%swap3A_392], %swap3A_395 {strides = array<i32>} : memref<32xf32, #tpu.memory_space<vmem>>, vector<16xf32>,
      %swap3A_396 = arith.constant 16 : index
      %swap3A_397 = tpu.vector_load %arg6[%swap3A_396] {strides = array<i32>} : memref<32xf32, #tpu.memory_space<vmem>>, vector<16xf32>,
      %swap3A_398 = vector.shape_cast %swap3A_397 : vector<16xf32> to vector<16xf32>
      %swap3A_399 = vector.shape_cast %select_n3A_390 : vector<16xf32> to vector<16xf32>
      tpu.vector_store %arg6[%swap3A_396], %swap3A_399 {strides = array<i32>} : memref<32xf32, #tpu.memory_space<vmem>>, vector<16xf32>,
      %swap3A_400 = arith.constant 0 : index
      %swap3A_401 = tpu.vector_load %arg7[%swap3A_400] {strides = array<i32>} : memref<32xi32, #tpu.memory_space<vmem>>, vector<16xi32>,
      %swap3A_402 = vector.shape_cast %swap3A_401 : vector<16xi32> to vector<16xi32>
      %swap3A_403 = vector.shape_cast %select_n3A_391 : vector<16xi32> to vector<16xi32>
      tpu.vector_store %arg7[%swap3A_400], %swap3A_403 {strides = array<i32>} : memref<32xi32, #tpu.memory_space<vmem>>, vector<16xi32>,
      %swap3A_404 = arith.constant 16 : index
      %swap3A_405 = tpu.vector_load %arg7[%swap3A_404] {strides = array<i32>} : memref<32xi32, #tpu.memory_space<vmem>>, vector<16xi32>,
      %swap3A_406 = vector.shape_cast %swap3A_405 : vector<16xi32> to vector<16xi32>
      %swap3A_407 = vector.shape_cast %select_n3A_391 : vector<16xi32> to vector<16xi32>
      tpu.vector_store %arg7[%swap3A_404], %swap3A_407 {strides = array<i32>} : memref<32xi32, #tpu.memory_space<vmem>>, vector<16xi32>,
      %get3A_408 = arith.constant 8 : index
      %get3A_409 = tpu.vector_load %arg6[%get3A_408] {strides = array<i32>} : memref<32xf32, #tpu.memory_space<vmem>>, vector<16xf32>,
      %get3A_410 = vector.shape_cast %get3A_409 : vector<16xf32> to vector<16xf32>
      %get3A_411 = arith.constant 8 : index
      %get3A_412 = tpu.vector_load %arg7[%get3A_411] {strides = array<i32>} : memref<32xi32, #tpu.memory_space<vmem>>, vector<16xi32>,
      %get3A_413 = vector.shape_cast %get3A_412 : vector<16xi32> to vector<16xi32>
      %gt3A_414 = arith.cmpf ogt, %get3A_410, %select_n3A_390 : vector<16xf32>
      %eq3A_415 = arith.cmpf oeq, %get3A_410, %select_n3A_390 : vector<16xf32>
      %lt3A_416 = arith.cmpi slt, %get3A_413, %select_n3A_391 : vector<16xi32>
      %and3A_417 = arith.andi %eq3A_415, %lt3A_416 : vector<16xi1>
      %or3A_418 = arith.ori %gt3A_414, %and3A_417 : vector<16xi1>
      %select_n3A_419 = arith.select %or3A_418, %get3A_410, %select_n3A_390 : vector<16xi1>, vector<16xf32>
      %select_n3A_420 = arith.select %or3A_418, %get3A_413, %select_n3A_391 : vector<16xi1>, vector<16xi32>
      %eq3A_421 = arith.cmpi eq, %iota3A, %select_n3A_420 : vector<16xi32>
      %jit3A_422 = arith.constant -1.000000e+30 : f32
      %broadcast_in_dim3A_423 = vector.broadcast %jit3A_422 : f32 to vector<16xf32>
      %select_n3A_424 = arith.select %eq3A_421, %broadcast_in_dim3A_423, %get3A_304 : vector<16xi1>, vector<16xf32>
      %swap3A_425 = arith.constant 0 : index
      %swap3A_426 = tpu.vector_load %arg6[%swap3A_425] {strides = array<i32>} : memref<32xf32, #tpu.memory_space<vmem>>, vector<16xf32>,
      %swap3A_427 = vector.shape_cast %swap3A_426 : vector<16xf32> to vector<16xf32>
      %swap3A_428 = vector.shape_cast %select_n3A_424 : vector<16xf32> to vector<16xf32>
      tpu.vector_store %arg6[%swap3A_425], %swap3A_428 {strides = array<i32>} : memref<32xf32, #tpu.memory_space<vmem>>, vector<16xf32>,
      %swap3A_429 = arith.constant 16 : index
      %swap3A_430 = tpu.vector_load %arg6[%swap3A_429] {strides = array<i32>} : memref<32xf32, #tpu.memory_space<vmem>>, vector<16xf32>,
      %swap3A_431 = vector.shape_cast %swap3A_430 : vector<16xf32> to vector<16xf32>
      %swap3A_432 = vector.shape_cast %select_n3A_424 : vector<16xf32> to vector<16xf32>
      tpu.vector_store %arg6[%swap3A_429], %swap3A_432 {strides = array<i32>} : memref<32xf32, #tpu.memory_space<vmem>>, vector<16xf32>,
      %swap3A_433 = arith.constant 0 : index
      %swap3A_434 = tpu.vector_load %arg7[%swap3A_433] {strides = array<i32>} : memref<32xi32, #tpu.memory_space<vmem>>, vector<16xi32>,
      %swap3A_435 = vector.shape_cast %swap3A_434 : vector<16xi32> to vector<16xi32>
      %swap3A_436 = vector.shape_cast %iota3A : vector<16xi32> to vector<16xi32>
      tpu.vector_store %arg7[%swap3A_433], %swap3A_436 {strides = array<i32>} : memref<32xi32, #tpu.memory_space<vmem>>, vector<16xi32>,
      %swap3A_437 = arith.constant 16 : index
      %swap3A_438 = tpu.vector_load %arg7[%swap3A_437] {strides = array<i32>} : memref<32xi32, #tpu.memory_space<vmem>>, vector<16xi32>,
      %swap3A_439 = vector.shape_cast %swap3A_438 : vector<16xi32> to vector<16xi32>
      %swap3A_440 = vector.shape_cast %iota3A : vector<16xi32> to vector<16xi32>
      tpu.vector_store %arg7[%swap3A_437], %swap3A_440 {strides = array<i32>} : memref<32xi32, #tpu.memory_space<vmem>>, vector<16xi32>,
      %get3A_441 = arith.constant 1 : index
      %get3A_442 = tpu.vector_load %arg6[%get3A_441] {strides = array<i32>} : memref<32xf32, #tpu.memory_space<vmem>>, vector<16xf32>,
      %get3A_443 = vector.shape_cast %get3A_442 : vector<16xf32> to vector<16xf32>
      %get3A_444 = arith.constant 1 : index
      %get3A_445 = tpu.vector_load %arg7[%get3A_444] {strides = array<i32>} : memref<32xi32, #tpu.memory_space<vmem>>, vector<16xi32>,
      %get3A_446 = vector.shape_cast %get3A_445 : vector<16xi32> to vector<16xi32>
      %gt3A_447 = arith.cmpf ogt, %get3A_443, %select_n3A_424 : vector<16xf32>
      %eq3A_448 = arith.cmpf oeq, %get3A_443, %select_n3A_424 : vector<16xf32>
      %lt3A_449 = arith.cmpi slt, %get3A_446, %iota3A : vector<16xi32>
      %and3A_450 = arith.andi %eq3A_448, %lt3A_449 : vector<16xi1>
      %or3A_451 = arith.ori %gt3A_447, %and3A_450 : vector<16xi1>
      %select_n3A_452 = arith.select %or3A_451, %get3A_443, %select_n3A_424 : vector<16xi1>, vector<16xf32>
      %select_n3A_453 = arith.select %or3A_451, %get3A_446, %iota3A : vector<16xi1>, vector<16xi32>
      %swap3A_454 = arith.constant 0 : index
      %swap3A_455 = tpu.vector_load %arg6[%swap3A_454] {strides = array<i32>} : memref<32xf32, #tpu.memory_space<vmem>>, vector<16xf32>,
      %swap3A_456 = vector.shape_cast %swap3A_455 : vector<16xf32> to vector<16xf32>
      %swap3A_457 = vector.shape_cast %select_n3A_452 : vector<16xf32> to vector<16xf32>
      tpu.vector_store %arg6[%swap3A_454], %swap3A_457 {strides = array<i32>} : memref<32xf32, #tpu.memory_space<vmem>>, vector<16xf32>,
      %swap3A_458 = arith.constant 16 : index
      %swap3A_459 = tpu.vector_load %arg6[%swap3A_458] {strides = array<i32>} : memref<32xf32, #tpu.memory_space<vmem>>, vector<16xf32>,
      %swap3A_460 = vector.shape_cast %swap3A_459 : vector<16xf32> to vector<16xf32>
      %swap3A_461 = vector.shape_cast %select_n3A_452 : vector<16xf32> to vector<16xf32>
      tpu.vector_store %arg6[%swap3A_458], %swap3A_461 {strides = array<i32>} : memref<32xf32, #tpu.memory_space<vmem>>, vector<16xf32>,
      %swap3A_462 = arith.constant 0 : index
      %swap3A_463 = tpu.vector_load %arg7[%swap3A_462] {strides = array<i32>} : memref<32xi32, #tpu.memory_space<vmem>>, vector<16xi32>,
      %swap3A_464 = vector.shape_cast %swap3A_463 : vector<16xi32> to vector<16xi32>
      %swap3A_465 = vector.shape_cast %select_n3A_453 : vector<16xi32> to vector<16xi32>
      tpu.vector_store %arg7[%swap3A_462], %swap3A_465 {strides = array<i32>} : memref<32xi32, #tpu.memory_space<vmem>>, vector<16xi32>,
      %swap3A_466 = arith.constant 16 : index
      %swap3A_467 = tpu.vector_load %arg7[%swap3A_466] {strides = array<i32>} : memref<32xi32, #tpu.memory_space<vmem>>, vector<16xi32>,
      %swap3A_468 = vector.shape_cast %swap3A_467 : vector<16xi32> to vector<16xi32>
      %swap3A_469 = vector.shape_cast %select_n3A_453 : vector<16xi32> to vector<16xi32>
      tpu.vector_store %arg7[%swap3A_466], %swap3A_469 {strides = array<i32>} : memref<32xi32, #tpu.memory_space<vmem>>, vector<16xi32>,
      %get3A_470 = arith.constant 2 : index
      %get3A_471 = tpu.vector_load %arg6[%get3A_470] {strides = array<i32>} : memref<32xf32, #tpu.memory_space<vmem>>, vector<16xf32>,
      %get3A_472 = vector.shape_cast %get3A_471 : vector<16xf32> to vector<16xf32>
      %get3A_473 = arith.constant 2 : index
      %get3A_474 = tpu.vector_load %arg7[%get3A_473] {strides = array<i32>} : memref<32xi32, #tpu.memory_space<vmem>>, vector<16xi32>,
      %get3A_475 = vector.shape_cast %get3A_474 : vector<16xi32> to vector<16xi32>
      %gt3A_476 = arith.cmpf ogt, %get3A_472, %select_n3A_452 : vector<16xf32>
      %eq3A_477 = arith.cmpf oeq, %get3A_472, %select_n3A_452 : vector<16xf32>
      %lt3A_478 = arith.cmpi slt, %get3A_475, %select_n3A_453 : vector<16xi32>
      %and3A_479 = arith.andi %eq3A_477, %lt3A_478 : vector<16xi1>
      %or3A_480 = arith.ori %gt3A_476, %and3A_479 : vector<16xi1>
      %select_n3A_481 = arith.select %or3A_480, %get3A_472, %select_n3A_452 : vector<16xi1>, vector<16xf32>
      %select_n3A_482 = arith.select %or3A_480, %get3A_475, %select_n3A_453 : vector<16xi1>, vector<16xi32>
      %swap3A_483 = arith.constant 0 : index
      %swap3A_484 = tpu.vector_load %arg6[%swap3A_483] {strides = array<i32>} : memref<32xf32, #tpu.memory_space<vmem>>, vector<16xf32>,
      %swap3A_485 = vector.shape_cast %swap3A_484 : vector<16xf32> to vector<16xf32>
      %swap3A_486 = vector.shape_cast %select_n3A_481 : vector<16xf32> to vector<16xf32>
      tpu.vector_store %arg6[%swap3A_483], %swap3A_486 {strides = array<i32>} : memref<32xf32, #tpu.memory_space<vmem>>, vector<16xf32>,
      %swap3A_487 = arith.constant 16 : index
      %swap3A_488 = tpu.vector_load %arg6[%swap3A_487] {strides = array<i32>} : memref<32xf32, #tpu.memory_space<vmem>>, vector<16xf32>,
      %swap3A_489 = vector.shape_cast %swap3A_488 : vector<16xf32> to vector<16xf32>
      %swap3A_490 = vector.shape_cast %select_n3A_481 : vector<16xf32> to vector<16xf32>
      tpu.vector_store %arg6[%swap3A_487], %swap3A_490 {strides = array<i32>} : memref<32xf32, #tpu.memory_space<vmem>>, vector<16xf32>,
      %swap3A_491 = arith.constant 0 : index
      %swap3A_492 = tpu.vector_load %arg7[%swap3A_491] {strides = array<i32>} : memref<32xi32, #tpu.memory_space<vmem>>, vector<16xi32>,
      %swap3A_493 = vector.shape_cast %swap3A_492 : vector<16xi32> to vector<16xi32>
      %swap3A_494 = vector.shape_cast %select_n3A_482 : vector<16xi32> to vector<16xi32>
      tpu.vector_store %arg7[%swap3A_491], %swap3A_494 {strides = array<i32>} : memref<32xi32, #tpu.memory_space<vmem>>, vector<16xi32>,
      %swap3A_495 = arith.constant 16 : index
      %swap3A_496 = tpu.vector_load %arg7[%swap3A_495] {strides = array<i32>} : memref<32xi32, #tpu.memory_space<vmem>>, vector<16xi32>,
      %swap3A_497 = vector.shape_cast %swap3A_496 : vector<16xi32> to vector<16xi32>
      %swap3A_498 = vector.shape_cast %select_n3A_482 : vector<16xi32> to vector<16xi32>
      tpu.vector_store %arg7[%swap3A_495], %swap3A_498 {strides = array<i32>} : memref<32xi32, #tpu.memory_space<vmem>>, vector<16xi32>,
      %get3A_499 = arith.constant 4 : index
      %get3A_500 = tpu.vector_load %arg6[%get3A_499] {strides = array<i32>} : memref<32xf32, #tpu.memory_space<vmem>>, vector<16xf32>,
      %get3A_501 = vector.shape_cast %get3A_500 : vector<16xf32> to vector<16xf32>
      %get3A_502 = arith.constant 4 : index
      %get3A_503 = tpu.vector_load %arg7[%get3A_502] {strides = array<i32>} : memref<32xi32, #tpu.memory_space<vmem>>, vector<16xi32>,
      %get3A_504 = vector.shape_cast %get3A_503 : vector<16xi32> to vector<16xi32>
      %gt3A_505 = arith.cmpf ogt, %get3A_501, %select_n3A_481 : vector<16xf32>
      %eq3A_506 = arith.cmpf oeq, %get3A_501, %select_n3A_481 : vector<16xf32>
      %lt3A_507 = arith.cmpi slt, %get3A_504, %select_n3A_482 : vector<16xi32>
      %and3A_508 = arith.andi %eq3A_506, %lt3A_507 : vector<16xi1>
      %or3A_509 = arith.ori %gt3A_505, %and3A_508 : vector<16xi1>
      %select_n3A_510 = arith.select %or3A_509, %get3A_501, %select_n3A_481 : vector<16xi1>, vector<16xf32>
      %select_n3A_511 = arith.select %or3A_509, %get3A_504, %select_n3A_482 : vector<16xi1>, vector<16xi32>
      %swap3A_512 = arith.constant 0 : index
      %swap3A_513 = tpu.vector_load %arg6[%swap3A_512] {strides = array<i32>} : memref<32xf32, #tpu.memory_space<vmem>>, vector<16xf32>,
      %swap3A_514 = vector.shape_cast %swap3A_513 : vector<16xf32> to vector<16xf32>
      %swap3A_515 = vector.shape_cast %select_n3A_510 : vector<16xf32> to vector<16xf32>
      tpu.vector_store %arg6[%swap3A_512], %swap3A_515 {strides = array<i32>} : memref<32xf32, #tpu.memory_space<vmem>>, vector<16xf32>,
      %swap3A_516 = arith.constant 16 : index
      %swap3A_517 = tpu.vector_load %arg6[%swap3A_516] {strides = array<i32>} : memref<32xf32, #tpu.memory_space<vmem>>, vector<16xf32>,
      %swap3A_518 = vector.shape_cast %swap3A_517 : vector<16xf32> to vector<16xf32>
      %swap3A_519 = vector.shape_cast %select_n3A_510 : vector<16xf32> to vector<16xf32>
      tpu.vector_store %arg6[%swap3A_516], %swap3A_519 {strides = array<i32>} : memref<32xf32, #tpu.memory_space<vmem>>, vector<16xf32>,
      %swap3A_520 = arith.constant 0 : index
      %swap3A_521 = tpu.vector_load %arg7[%swap3A_520] {strides = array<i32>} : memref<32xi32, #tpu.memory_space<vmem>>, vector<16xi32>,
      %swap3A_522 = vector.shape_cast %swap3A_521 : vector<16xi32> to vector<16xi32>
      %swap3A_523 = vector.shape_cast %select_n3A_511 : vector<16xi32> to vector<16xi32>
      tpu.vector_store %arg7[%swap3A_520], %swap3A_523 {strides = array<i32>} : memref<32xi32, #tpu.memory_space<vmem>>, vector<16xi32>,
      %swap3A_524 = arith.constant 16 : index
      %swap3A_525 = tpu.vector_load %arg7[%swap3A_524] {strides = array<i32>} : memref<32xi32, #tpu.memory_space<vmem>>, vector<16xi32>,
      %swap3A_526 = vector.shape_cast %swap3A_525 : vector<16xi32> to vector<16xi32>
      %swap3A_527 = vector.shape_cast %select_n3A_511 : vector<16xi32> to vector<16xi32>
      tpu.vector_store %arg7[%swap3A_524], %swap3A_527 {strides = array<i32>} : memref<32xi32, #tpu.memory_space<vmem>>, vector<16xi32>,
      %get3A_528 = arith.constant 8 : index
      %get3A_529 = tpu.vector_load %arg6[%get3A_528] {strides = array<i32>} : memref<32xf32, #tpu.memory_space<vmem>>, vector<16xf32>,
      %get3A_530 = vector.shape_cast %get3A_529 : vector<16xf32> to vector<16xf32>
      %get3A_531 = arith.constant 8 : index
      %get3A_532 = tpu.vector_load %arg7[%get3A_531] {strides = array<i32>} : memref<32xi32, #tpu.memory_space<vmem>>, vector<16xi32>,
      %get3A_533 = vector.shape_cast %get3A_532 : vector<16xi32> to vector<16xi32>
      %gt3A_534 = arith.cmpf ogt, %get3A_530, %select_n3A_510 : vector<16xf32>
      %eq3A_535 = arith.cmpf oeq, %get3A_530, %select_n3A_510 : vector<16xf32>
      %lt3A_536 = arith.cmpi slt, %get3A_533, %select_n3A_511 : vector<16xi32>
      %and3A_537 = arith.andi %eq3A_535, %lt3A_536 : vector<16xi1>
      %or3A_538 = arith.ori %gt3A_534, %and3A_537 : vector<16xi1>
      %select_n3A_539 = arith.select %or3A_538, %get3A_530, %select_n3A_510 : vector<16xi1>, vector<16xf32>
      %select_n3A_540 = arith.select %or3A_538, %get3A_533, %select_n3A_511 : vector<16xi1>, vector<16xi32>
      %sub3A_541 = arith.subf %select_n3A_539, %select_n3A_419 : vector<16xf32>
      %exp3A_542 = math.exp %sub3A_541 : vector<16xf32>
      %add3A_543 = arith.constant 1.000000e+00 : f32
      %add3A_544 = vector.broadcast %add3A_543 : f32 to vector<16xf32>
      %add3A_545 = arith.addf %add3A_544, %exp3A_542 : vector<16xf32>
      %div3A_546 = arith.constant 1.000000e+00 : f32
      %div3A_547 = vector.broadcast %div3A_546 : f32 to vector<16xf32>
      %div3A_548 = arith.divf %div3A_547, %add3A_545 : vector<16xf32>
      %eq3A_549 = arith.cmpi eq, %iota3A, %select_n3A_420 : vector<16xi32>
      %eq3A_550 = arith.cmpi eq, %iota3A, %select_n3A_540 : vector<16xi32>
      %sub3A_551 = arith.constant 1.000000e+00 : f32
      %sub3A_552 = vector.broadcast %sub3A_551 : f32 to vector<16xf32>
      %sub3A_553 = arith.subf %sub3A_552, %div3A_548 : vector<16xf32>
      %jit3A_554 = arith.constant 0.000000e+00 : f32
      %broadcast_in_dim3A_555 = vector.broadcast %jit3A_554 : f32 to vector<16xf32>
      %select_n3A_556 = arith.select %eq3A_550, %sub3A_553, %broadcast_in_dim3A_555 : vector<16xi1>, vector<16xf32>
      %select_n3A_557 = arith.select %eq3A_549, %div3A_548, %select_n3A_556 : vector<16xi1>, vector<16xf32>
      %swap3A_558 = arith.constant 0 : index
      %swap3A_559 = tpu.vector_load %arg5[%swap3A_558] {strides = array<i32>} : memref<128xf32, #tpu.memory_space<vmem>>, vector<16xf32>,
      %swap3A_560 = vector.shape_cast %swap3A_559 : vector<16xf32> to vector<16xf32>
      %swap3A_561 = vector.shape_cast %select_n3A_557 : vector<16xf32> to vector<16xf32>
      tpu.vector_store %arg5[%swap3A_558], %swap3A_561 {strides = array<i32>} : memref<128xf32, #tpu.memory_space<vmem>>, vector<16xf32>,
      %run_scoped3A_562 = arith.constant 1 : i32
      "tpu.region"() ({
        %run_scoped3A_1087 = tpu.sem_alloc : memref<!tpu.dma_semaphore, #tpu.memory_space<semaphore_mem>>
        %dma_start3A = arith.constant 0 : i32
        %dma_start3A_1088 = tpu.memref_slice %arg3[%run_scoped3A_562, %dma_start3A] : memref<8x128xf32, #tpu.memory_space<hbm>> -> memref<1x128xf32, #tpu.memory_space<hbm>>
        %dma_start3A_1089 = tpu.memref_squeeze %dma_start3A_1088 : memref<1x128xf32, #tpu.memory_space<hbm>> -> memref<128xf32, #tpu.memory_space<hbm>>
        %dma_start3A_1090 = arith.constant 0 : i32
        %dma_start3A_1091 = tpu.memref_slice %arg3[%run_scoped3A_562, %dma_start3A_1090] : memref<8x128xf32, #tpu.memory_space<hbm>> -> memref<1x128xf32, #tpu.memory_space<hbm>>
        %dma_start3A_1092 = tpu.memref_squeeze %dma_start3A_1091 : memref<1x128xf32, #tpu.memory_space<hbm>> -> memref<128xf32, #tpu.memory_space<hbm>>
        tpu.enqueue_dma source(%arg5 : memref<128xf32, #tpu.memory_space<vmem>>) target(%dma_start3A_1092 : memref<128xf32, #tpu.memory_space<hbm>>) target_semaphore(%run_scoped3A_1087 : memref<!tpu.dma_semaphore, #tpu.memory_space<semaphore_mem>>)
        %dma_wait3A = arith.constant 0 : i32
        %dma_wait3A_1093 = tpu.memref_slice %arg3[%run_scoped3A_562, %dma_wait3A] : memref<8x128xf32, #tpu.memory_space<hbm>> -> memref<1x128xf32, #tpu.memory_space<hbm>>
        %dma_wait3A_1094 = tpu.memref_squeeze %dma_wait3A_1093 : memref<1x128xf32, #tpu.memory_space<hbm>> -> memref<128xf32, #tpu.memory_space<hbm>>
        %dma_wait3A_1095 = arith.constant 0 : i32
        %dma_wait3A_1096 = tpu.memref_slice %arg3[%run_scoped3A_562, %dma_wait3A_1095] : memref<8x128xf32, #tpu.memory_space<hbm>> -> memref<1x128xf32, #tpu.memory_space<hbm>>
        %dma_wait3A_1097 = tpu.memref_squeeze %dma_wait3A_1096 : memref<1x128xf32, #tpu.memory_space<hbm>> -> memref<128xf32, #tpu.memory_space<hbm>>
        tpu.wait_dma2 semaphore(%run_scoped3A_1087 : memref<!tpu.dma_semaphore, #tpu.memory_space<semaphore_mem>>) src(%arg5 : memref<128xf32, #tpu.memory_space<vmem>>) dst(%dma_wait3A_1097 : memref<128xf32, #tpu.memory_space<hbm>>)
        tpu.yield
      }) : () -> ()
      %run_scoped3A_563 = arith.constant 2 : i32
      "tpu.region"() ({
        %run_scoped3A_1087 = tpu.sem_alloc : memref<!tpu.dma_semaphore, #tpu.memory_space<semaphore_mem>>
        %dma_start3A = arith.constant 0 : i32
        %dma_start3A_1088 = tpu.memref_slice %arg2[%run_scoped3A_563, %dma_start3A] : memref<8x128xf32, #tpu.memory_space<hbm>> -> memref<1x128xf32, #tpu.memory_space<hbm>>
        %dma_start3A_1089 = tpu.memref_squeeze %dma_start3A_1088 : memref<1x128xf32, #tpu.memory_space<hbm>> -> memref<128xf32, #tpu.memory_space<hbm>>
        %dma_start3A_1090 = arith.constant 0 : i32
        %dma_start3A_1091 = tpu.memref_slice %arg2[%run_scoped3A_563, %dma_start3A_1090] : memref<8x128xf32, #tpu.memory_space<hbm>> -> memref<1x128xf32, #tpu.memory_space<hbm>>
        %dma_start3A_1092 = tpu.memref_squeeze %dma_start3A_1091 : memref<1x128xf32, #tpu.memory_space<hbm>> -> memref<128xf32, #tpu.memory_space<hbm>>
        tpu.enqueue_dma source(%dma_start3A_1092 : memref<128xf32, #tpu.memory_space<hbm>>) target(%arg4 : memref<128xf32, #tpu.memory_space<vmem>>) target_semaphore(%run_scoped3A_1087 : memref<!tpu.dma_semaphore, #tpu.memory_space<semaphore_mem>>)
        %dma_wait3A = arith.constant 0 : i32
        %dma_wait3A_1093 = tpu.memref_slice %arg2[%run_scoped3A_563, %dma_wait3A] : memref<8x128xf32, #tpu.memory_space<hbm>> -> memref<1x128xf32, #tpu.memory_space<hbm>>
        %dma_wait3A_1094 = tpu.memref_squeeze %dma_wait3A_1093 : memref<1x128xf32, #tpu.memory_space<hbm>> -> memref<128xf32, #tpu.memory_space<hbm>>
        %dma_wait3A_1095 = arith.constant 0 : i32
        %dma_wait3A_1096 = tpu.memref_slice %arg2[%run_scoped3A_563, %dma_wait3A_1095] : memref<8x128xf32, #tpu.memory_space<hbm>> -> memref<1x128xf32, #tpu.memory_space<hbm>>
        %dma_wait3A_1097 = tpu.memref_squeeze %dma_wait3A_1096 : memref<1x128xf32, #tpu.memory_space<hbm>> -> memref<128xf32, #tpu.memory_space<hbm>>
        tpu.wait_dma2 semaphore(%run_scoped3A_1087 : memref<!tpu.dma_semaphore, #tpu.memory_space<semaphore_mem>>) src(%dma_wait3A_1097 : memref<128xf32, #tpu.memory_space<hbm>>) dst(%arg4 : memref<128xf32, #tpu.memory_space<vmem>>)
        tpu.yield
      }) : () -> ()
      %get3A_564 = arith.constant 0 : index
      %get3A_565 = tpu.vector_load %arg4[%get3A_564] {strides = array<i32>} : memref<128xf32, #tpu.memory_space<vmem>>, vector<16xf32>,
      %get3A_566 = vector.shape_cast %get3A_565 : vector<16xf32> to vector<16xf32>
      %swap3A_567 = arith.constant 0 : index
      %swap3A_568 = tpu.vector_load %arg6[%swap3A_567] {strides = array<i32>} : memref<32xf32, #tpu.memory_space<vmem>>, vector<16xf32>,
      %swap3A_569 = vector.shape_cast %swap3A_568 : vector<16xf32> to vector<16xf32>
      %swap3A_570 = vector.shape_cast %get3A_566 : vector<16xf32> to vector<16xf32>
      tpu.vector_store %arg6[%swap3A_567], %swap3A_570 {strides = array<i32>} : memref<32xf32, #tpu.memory_space<vmem>>, vector<16xf32>,
      %swap3A_571 = arith.constant 16 : index
      %swap3A_572 = tpu.vector_load %arg6[%swap3A_571] {strides = array<i32>} : memref<32xf32, #tpu.memory_space<vmem>>, vector<16xf32>,
      %swap3A_573 = vector.shape_cast %swap3A_572 : vector<16xf32> to vector<16xf32>
      %swap3A_574 = vector.shape_cast %get3A_566 : vector<16xf32> to vector<16xf32>
      tpu.vector_store %arg6[%swap3A_571], %swap3A_574 {strides = array<i32>} : memref<32xf32, #tpu.memory_space<vmem>>, vector<16xf32>,
      %swap3A_575 = arith.constant 0 : index
      %swap3A_576 = tpu.vector_load %arg7[%swap3A_575] {strides = array<i32>} : memref<32xi32, #tpu.memory_space<vmem>>, vector<16xi32>,
      %swap3A_577 = vector.shape_cast %swap3A_576 : vector<16xi32> to vector<16xi32>
      %swap3A_578 = vector.shape_cast %iota3A : vector<16xi32> to vector<16xi32>
      tpu.vector_store %arg7[%swap3A_575], %swap3A_578 {strides = array<i32>} : memref<32xi32, #tpu.memory_space<vmem>>, vector<16xi32>,
      %swap3A_579 = arith.constant 16 : index
      %swap3A_580 = tpu.vector_load %arg7[%swap3A_579] {strides = array<i32>} : memref<32xi32, #tpu.memory_space<vmem>>, vector<16xi32>,
      %swap3A_581 = vector.shape_cast %swap3A_580 : vector<16xi32> to vector<16xi32>
      %swap3A_582 = vector.shape_cast %iota3A : vector<16xi32> to vector<16xi32>
      tpu.vector_store %arg7[%swap3A_579], %swap3A_582 {strides = array<i32>} : memref<32xi32, #tpu.memory_space<vmem>>, vector<16xi32>,
      %get3A_583 = arith.constant 1 : index
      %get3A_584 = tpu.vector_load %arg6[%get3A_583] {strides = array<i32>} : memref<32xf32, #tpu.memory_space<vmem>>, vector<16xf32>,
      %get3A_585 = vector.shape_cast %get3A_584 : vector<16xf32> to vector<16xf32>
      %get3A_586 = arith.constant 1 : index
      %get3A_587 = tpu.vector_load %arg7[%get3A_586] {strides = array<i32>} : memref<32xi32, #tpu.memory_space<vmem>>, vector<16xi32>,
      %get3A_588 = vector.shape_cast %get3A_587 : vector<16xi32> to vector<16xi32>
      %gt3A_589 = arith.cmpf ogt, %get3A_585, %get3A_566 : vector<16xf32>
      %eq3A_590 = arith.cmpf oeq, %get3A_585, %get3A_566 : vector<16xf32>
      %lt3A_591 = arith.cmpi slt, %get3A_588, %iota3A : vector<16xi32>
      %and3A_592 = arith.andi %eq3A_590, %lt3A_591 : vector<16xi1>
      %or3A_593 = arith.ori %gt3A_589, %and3A_592 : vector<16xi1>
      %select_n3A_594 = arith.select %or3A_593, %get3A_585, %get3A_566 : vector<16xi1>, vector<16xf32>
      %select_n3A_595 = arith.select %or3A_593, %get3A_588, %iota3A : vector<16xi1>, vector<16xi32>
      %swap3A_596 = arith.constant 0 : index
      %swap3A_597 = tpu.vector_load %arg6[%swap3A_596] {strides = array<i32>} : memref<32xf32, #tpu.memory_space<vmem>>, vector<16xf32>,
      %swap3A_598 = vector.shape_cast %swap3A_597 : vector<16xf32> to vector<16xf32>
      %swap3A_599 = vector.shape_cast %select_n3A_594 : vector<16xf32> to vector<16xf32>
      tpu.vector_store %arg6[%swap3A_596], %swap3A_599 {strides = array<i32>} : memref<32xf32, #tpu.memory_space<vmem>>, vector<16xf32>,
      %swap3A_600 = arith.constant 16 : index
      %swap3A_601 = tpu.vector_load %arg6[%swap3A_600] {strides = array<i32>} : memref<32xf32, #tpu.memory_space<vmem>>, vector<16xf32>,
      %swap3A_602 = vector.shape_cast %swap3A_601 : vector<16xf32> to vector<16xf32>
      %swap3A_603 = vector.shape_cast %select_n3A_594 : vector<16xf32> to vector<16xf32>
      tpu.vector_store %arg6[%swap3A_600], %swap3A_603 {strides = array<i32>} : memref<32xf32, #tpu.memory_space<vmem>>, vector<16xf32>,
      %swap3A_604 = arith.constant 0 : index
      %swap3A_605 = tpu.vector_load %arg7[%swap3A_604] {strides = array<i32>} : memref<32xi32, #tpu.memory_space<vmem>>, vector<16xi32>,
      %swap3A_606 = vector.shape_cast %swap3A_605 : vector<16xi32> to vector<16xi32>
      %swap3A_607 = vector.shape_cast %select_n3A_595 : vector<16xi32> to vector<16xi32>
      tpu.vector_store %arg7[%swap3A_604], %swap3A_607 {strides = array<i32>} : memref<32xi32, #tpu.memory_space<vmem>>, vector<16xi32>,
      %swap3A_608 = arith.constant 16 : index
      %swap3A_609 = tpu.vector_load %arg7[%swap3A_608] {strides = array<i32>} : memref<32xi32, #tpu.memory_space<vmem>>, vector<16xi32>,
      %swap3A_610 = vector.shape_cast %swap3A_609 : vector<16xi32> to vector<16xi32>
      %swap3A_611 = vector.shape_cast %select_n3A_595 : vector<16xi32> to vector<16xi32>
      tpu.vector_store %arg7[%swap3A_608], %swap3A_611 {strides = array<i32>} : memref<32xi32, #tpu.memory_space<vmem>>, vector<16xi32>,
      %get3A_612 = arith.constant 2 : index
      %get3A_613 = tpu.vector_load %arg6[%get3A_612] {strides = array<i32>} : memref<32xf32, #tpu.memory_space<vmem>>, vector<16xf32>,
      %get3A_614 = vector.shape_cast %get3A_613 : vector<16xf32> to vector<16xf32>
      %get3A_615 = arith.constant 2 : index
      %get3A_616 = tpu.vector_load %arg7[%get3A_615] {strides = array<i32>} : memref<32xi32, #tpu.memory_space<vmem>>, vector<16xi32>,
      %get3A_617 = vector.shape_cast %get3A_616 : vector<16xi32> to vector<16xi32>
      %gt3A_618 = arith.cmpf ogt, %get3A_614, %select_n3A_594 : vector<16xf32>
      %eq3A_619 = arith.cmpf oeq, %get3A_614, %select_n3A_594 : vector<16xf32>
      %lt3A_620 = arith.cmpi slt, %get3A_617, %select_n3A_595 : vector<16xi32>
      %and3A_621 = arith.andi %eq3A_619, %lt3A_620 : vector<16xi1>
      %or3A_622 = arith.ori %gt3A_618, %and3A_621 : vector<16xi1>
      %select_n3A_623 = arith.select %or3A_622, %get3A_614, %select_n3A_594 : vector<16xi1>, vector<16xf32>
      %select_n3A_624 = arith.select %or3A_622, %get3A_617, %select_n3A_595 : vector<16xi1>, vector<16xi32>
      %swap3A_625 = arith.constant 0 : index
      %swap3A_626 = tpu.vector_load %arg6[%swap3A_625] {strides = array<i32>} : memref<32xf32, #tpu.memory_space<vmem>>, vector<16xf32>,
      %swap3A_627 = vector.shape_cast %swap3A_626 : vector<16xf32> to vector<16xf32>
      %swap3A_628 = vector.shape_cast %select_n3A_623 : vector<16xf32> to vector<16xf32>
      tpu.vector_store %arg6[%swap3A_625], %swap3A_628 {strides = array<i32>} : memref<32xf32, #tpu.memory_space<vmem>>, vector<16xf32>,
      %swap3A_629 = arith.constant 16 : index
      %swap3A_630 = tpu.vector_load %arg6[%swap3A_629] {strides = array<i32>} : memref<32xf32, #tpu.memory_space<vmem>>, vector<16xf32>,
      %swap3A_631 = vector.shape_cast %swap3A_630 : vector<16xf32> to vector<16xf32>
      %swap3A_632 = vector.shape_cast %select_n3A_623 : vector<16xf32> to vector<16xf32>
      tpu.vector_store %arg6[%swap3A_629], %swap3A_632 {strides = array<i32>} : memref<32xf32, #tpu.memory_space<vmem>>, vector<16xf32>,
      %swap3A_633 = arith.constant 0 : index
      %swap3A_634 = tpu.vector_load %arg7[%swap3A_633] {strides = array<i32>} : memref<32xi32, #tpu.memory_space<vmem>>, vector<16xi32>,
      %swap3A_635 = vector.shape_cast %swap3A_634 : vector<16xi32> to vector<16xi32>
      %swap3A_636 = vector.shape_cast %select_n3A_624 : vector<16xi32> to vector<16xi32>
      tpu.vector_store %arg7[%swap3A_633], %swap3A_636 {strides = array<i32>} : memref<32xi32, #tpu.memory_space<vmem>>, vector<16xi32>,
      %swap3A_637 = arith.constant 16 : index
      %swap3A_638 = tpu.vector_load %arg7[%swap3A_637] {strides = array<i32>} : memref<32xi32, #tpu.memory_space<vmem>>, vector<16xi32>,
      %swap3A_639 = vector.shape_cast %swap3A_638 : vector<16xi32> to vector<16xi32>
      %swap3A_640 = vector.shape_cast %select_n3A_624 : vector<16xi32> to vector<16xi32>
      tpu.vector_store %arg7[%swap3A_637], %swap3A_640 {strides = array<i32>} : memref<32xi32, #tpu.memory_space<vmem>>, vector<16xi32>,
      %get3A_641 = arith.constant 4 : index
      %get3A_642 = tpu.vector_load %arg6[%get3A_641] {strides = array<i32>} : memref<32xf32, #tpu.memory_space<vmem>>, vector<16xf32>,
      %get3A_643 = vector.shape_cast %get3A_642 : vector<16xf32> to vector<16xf32>
      %get3A_644 = arith.constant 4 : index
      %get3A_645 = tpu.vector_load %arg7[%get3A_644] {strides = array<i32>} : memref<32xi32, #tpu.memory_space<vmem>>, vector<16xi32>,
      %get3A_646 = vector.shape_cast %get3A_645 : vector<16xi32> to vector<16xi32>
      %gt3A_647 = arith.cmpf ogt, %get3A_643, %select_n3A_623 : vector<16xf32>
      %eq3A_648 = arith.cmpf oeq, %get3A_643, %select_n3A_623 : vector<16xf32>
      %lt3A_649 = arith.cmpi slt, %get3A_646, %select_n3A_624 : vector<16xi32>
      %and3A_650 = arith.andi %eq3A_648, %lt3A_649 : vector<16xi1>
      %or3A_651 = arith.ori %gt3A_647, %and3A_650 : vector<16xi1>
      %select_n3A_652 = arith.select %or3A_651, %get3A_643, %select_n3A_623 : vector<16xi1>, vector<16xf32>
      %select_n3A_653 = arith.select %or3A_651, %get3A_646, %select_n3A_624 : vector<16xi1>, vector<16xi32>
      %swap3A_654 = arith.constant 0 : index
      %swap3A_655 = tpu.vector_load %arg6[%swap3A_654] {strides = array<i32>} : memref<32xf32, #tpu.memory_space<vmem>>, vector<16xf32>,
      %swap3A_656 = vector.shape_cast %swap3A_655 : vector<16xf32> to vector<16xf32>
      %swap3A_657 = vector.shape_cast %select_n3A_652 : vector<16xf32> to vector<16xf32>
      tpu.vector_store %arg6[%swap3A_654], %swap3A_657 {strides = array<i32>} : memref<32xf32, #tpu.memory_space<vmem>>, vector<16xf32>,
      %swap3A_658 = arith.constant 16 : index
      %swap3A_659 = tpu.vector_load %arg6[%swap3A_658] {strides = array<i32>} : memref<32xf32, #tpu.memory_space<vmem>>, vector<16xf32>,
      %swap3A_660 = vector.shape_cast %swap3A_659 : vector<16xf32> to vector<16xf32>
      %swap3A_661 = vector.shape_cast %select_n3A_652 : vector<16xf32> to vector<16xf32>
      tpu.vector_store %arg6[%swap3A_658], %swap3A_661 {strides = array<i32>} : memref<32xf32, #tpu.memory_space<vmem>>, vector<16xf32>,
      %swap3A_662 = arith.constant 0 : index
      %swap3A_663 = tpu.vector_load %arg7[%swap3A_662] {strides = array<i32>} : memref<32xi32, #tpu.memory_space<vmem>>, vector<16xi32>,
      %swap3A_664 = vector.shape_cast %swap3A_663 : vector<16xi32> to vector<16xi32>
      %swap3A_665 = vector.shape_cast %select_n3A_653 : vector<16xi32> to vector<16xi32>
      tpu.vector_store %arg7[%swap3A_662], %swap3A_665 {strides = array<i32>} : memref<32xi32, #tpu.memory_space<vmem>>, vector<16xi32>,
      %swap3A_666 = arith.constant 16 : index
      %swap3A_667 = tpu.vector_load %arg7[%swap3A_666] {strides = array<i32>} : memref<32xi32, #tpu.memory_space<vmem>>, vector<16xi32>,
      %swap3A_668 = vector.shape_cast %swap3A_667 : vector<16xi32> to vector<16xi32>
      %swap3A_669 = vector.shape_cast %select_n3A_653 : vector<16xi32> to vector<16xi32>
      tpu.vector_store %arg7[%swap3A_666], %swap3A_669 {strides = array<i32>} : memref<32xi32, #tpu.memory_space<vmem>>, vector<16xi32>,
      %get3A_670 = arith.constant 8 : index
      %get3A_671 = tpu.vector_load %arg6[%get3A_670] {strides = array<i32>} : memref<32xf32, #tpu.memory_space<vmem>>, vector<16xf32>,
      %get3A_672 = vector.shape_cast %get3A_671 : vector<16xf32> to vector<16xf32>
      %get3A_673 = arith.constant 8 : index
      %get3A_674 = tpu.vector_load %arg7[%get3A_673] {strides = array<i32>} : memref<32xi32, #tpu.memory_space<vmem>>, vector<16xi32>,
      %get3A_675 = vector.shape_cast %get3A_674 : vector<16xi32> to vector<16xi32>
      %gt3A_676 = arith.cmpf ogt, %get3A_672, %select_n3A_652 : vector<16xf32>
      %eq3A_677 = arith.cmpf oeq, %get3A_672, %select_n3A_652 : vector<16xf32>
      %lt3A_678 = arith.cmpi slt, %get3A_675, %select_n3A_653 : vector<16xi32>
      %and3A_679 = arith.andi %eq3A_677, %lt3A_678 : vector<16xi1>
      %or3A_680 = arith.ori %gt3A_676, %and3A_679 : vector<16xi1>
      %select_n3A_681 = arith.select %or3A_680, %get3A_672, %select_n3A_652 : vector<16xi1>, vector<16xf32>
      %select_n3A_682 = arith.select %or3A_680, %get3A_675, %select_n3A_653 : vector<16xi1>, vector<16xi32>
      %eq3A_683 = arith.cmpi eq, %iota3A, %select_n3A_682 : vector<16xi32>
      %jit3A_684 = arith.constant -1.000000e+30 : f32
      %broadcast_in_dim3A_685 = vector.broadcast %jit3A_684 : f32 to vector<16xf32>
      %select_n3A_686 = arith.select %eq3A_683, %broadcast_in_dim3A_685, %get3A_566 : vector<16xi1>, vector<16xf32>
      %swap3A_687 = arith.constant 0 : index
      %swap3A_688 = tpu.vector_load %arg6[%swap3A_687] {strides = array<i32>} : memref<32xf32, #tpu.memory_space<vmem>>, vector<16xf32>,
      %swap3A_689 = vector.shape_cast %swap3A_688 : vector<16xf32> to vector<16xf32>
      %swap3A_690 = vector.shape_cast %select_n3A_686 : vector<16xf32> to vector<16xf32>
      tpu.vector_store %arg6[%swap3A_687], %swap3A_690 {strides = array<i32>} : memref<32xf32, #tpu.memory_space<vmem>>, vector<16xf32>,
      %swap3A_691 = arith.constant 16 : index
      %swap3A_692 = tpu.vector_load %arg6[%swap3A_691] {strides = array<i32>} : memref<32xf32, #tpu.memory_space<vmem>>, vector<16xf32>,
      %swap3A_693 = vector.shape_cast %swap3A_692 : vector<16xf32> to vector<16xf32>
      %swap3A_694 = vector.shape_cast %select_n3A_686 : vector<16xf32> to vector<16xf32>
      tpu.vector_store %arg6[%swap3A_691], %swap3A_694 {strides = array<i32>} : memref<32xf32, #tpu.memory_space<vmem>>, vector<16xf32>,
      %swap3A_695 = arith.constant 0 : index
      %swap3A_696 = tpu.vector_load %arg7[%swap3A_695] {strides = array<i32>} : memref<32xi32, #tpu.memory_space<vmem>>, vector<16xi32>,
      %swap3A_697 = vector.shape_cast %swap3A_696 : vector<16xi32> to vector<16xi32>
      %swap3A_698 = vector.shape_cast %iota3A : vector<16xi32> to vector<16xi32>
      tpu.vector_store %arg7[%swap3A_695], %swap3A_698 {strides = array<i32>} : memref<32xi32, #tpu.memory_space<vmem>>, vector<16xi32>,
      %swap3A_699 = arith.constant 16 : index
      %swap3A_700 = tpu.vector_load %arg7[%swap3A_699] {strides = array<i32>} : memref<32xi32, #tpu.memory_space<vmem>>, vector<16xi32>,
      %swap3A_701 = vector.shape_cast %swap3A_700 : vector<16xi32> to vector<16xi32>
      %swap3A_702 = vector.shape_cast %iota3A : vector<16xi32> to vector<16xi32>
      tpu.vector_store %arg7[%swap3A_699], %swap3A_702 {strides = array<i32>} : memref<32xi32, #tpu.memory_space<vmem>>, vector<16xi32>,
      %get3A_703 = arith.constant 1 : index
      %get3A_704 = tpu.vector_load %arg6[%get3A_703] {strides = array<i32>} : memref<32xf32, #tpu.memory_space<vmem>>, vector<16xf32>,
      %get3A_705 = vector.shape_cast %get3A_704 : vector<16xf32> to vector<16xf32>
      %get3A_706 = arith.constant 1 : index
      %get3A_707 = tpu.vector_load %arg7[%get3A_706] {strides = array<i32>} : memref<32xi32, #tpu.memory_space<vmem>>, vector<16xi32>,
      %get3A_708 = vector.shape_cast %get3A_707 : vector<16xi32> to vector<16xi32>
      %gt3A_709 = arith.cmpf ogt, %get3A_705, %select_n3A_686 : vector<16xf32>
      %eq3A_710 = arith.cmpf oeq, %get3A_705, %select_n3A_686 : vector<16xf32>
      %lt3A_711 = arith.cmpi slt, %get3A_708, %iota3A : vector<16xi32>
      %and3A_712 = arith.andi %eq3A_710, %lt3A_711 : vector<16xi1>
      %or3A_713 = arith.ori %gt3A_709, %and3A_712 : vector<16xi1>
      %select_n3A_714 = arith.select %or3A_713, %get3A_705, %select_n3A_686 : vector<16xi1>, vector<16xf32>
      %select_n3A_715 = arith.select %or3A_713, %get3A_708, %iota3A : vector<16xi1>, vector<16xi32>
      %swap3A_716 = arith.constant 0 : index
      %swap3A_717 = tpu.vector_load %arg6[%swap3A_716] {strides = array<i32>} : memref<32xf32, #tpu.memory_space<vmem>>, vector<16xf32>,
      %swap3A_718 = vector.shape_cast %swap3A_717 : vector<16xf32> to vector<16xf32>
      %swap3A_719 = vector.shape_cast %select_n3A_714 : vector<16xf32> to vector<16xf32>
      tpu.vector_store %arg6[%swap3A_716], %swap3A_719 {strides = array<i32>} : memref<32xf32, #tpu.memory_space<vmem>>, vector<16xf32>,
      %swap3A_720 = arith.constant 16 : index
      %swap3A_721 = tpu.vector_load %arg6[%swap3A_720] {strides = array<i32>} : memref<32xf32, #tpu.memory_space<vmem>>, vector<16xf32>,
      %swap3A_722 = vector.shape_cast %swap3A_721 : vector<16xf32> to vector<16xf32>
      %swap3A_723 = vector.shape_cast %select_n3A_714 : vector<16xf32> to vector<16xf32>
      tpu.vector_store %arg6[%swap3A_720], %swap3A_723 {strides = array<i32>} : memref<32xf32, #tpu.memory_space<vmem>>, vector<16xf32>,
      %swap3A_724 = arith.constant 0 : index
      %swap3A_725 = tpu.vector_load %arg7[%swap3A_724] {strides = array<i32>} : memref<32xi32, #tpu.memory_space<vmem>>, vector<16xi32>,
      %swap3A_726 = vector.shape_cast %swap3A_725 : vector<16xi32> to vector<16xi32>
      %swap3A_727 = vector.shape_cast %select_n3A_715 : vector<16xi32> to vector<16xi32>
      tpu.vector_store %arg7[%swap3A_724], %swap3A_727 {strides = array<i32>} : memref<32xi32, #tpu.memory_space<vmem>>, vector<16xi32>,
      %swap3A_728 = arith.constant 16 : index
      %swap3A_729 = tpu.vector_load %arg7[%swap3A_728] {strides = array<i32>} : memref<32xi32, #tpu.memory_space<vmem>>, vector<16xi32>,
      %swap3A_730 = vector.shape_cast %swap3A_729 : vector<16xi32> to vector<16xi32>
      %swap3A_731 = vector.shape_cast %select_n3A_715 : vector<16xi32> to vector<16xi32>
      tpu.vector_store %arg7[%swap3A_728], %swap3A_731 {strides = array<i32>} : memref<32xi32, #tpu.memory_space<vmem>>, vector<16xi32>,
      %get3A_732 = arith.constant 2 : index
      %get3A_733 = tpu.vector_load %arg6[%get3A_732] {strides = array<i32>} : memref<32xf32, #tpu.memory_space<vmem>>, vector<16xf32>,
      %get3A_734 = vector.shape_cast %get3A_733 : vector<16xf32> to vector<16xf32>
      %get3A_735 = arith.constant 2 : index
      %get3A_736 = tpu.vector_load %arg7[%get3A_735] {strides = array<i32>} : memref<32xi32, #tpu.memory_space<vmem>>, vector<16xi32>,
      %get3A_737 = vector.shape_cast %get3A_736 : vector<16xi32> to vector<16xi32>
      %gt3A_738 = arith.cmpf ogt, %get3A_734, %select_n3A_714 : vector<16xf32>
      %eq3A_739 = arith.cmpf oeq, %get3A_734, %select_n3A_714 : vector<16xf32>
      %lt3A_740 = arith.cmpi slt, %get3A_737, %select_n3A_715 : vector<16xi32>
      %and3A_741 = arith.andi %eq3A_739, %lt3A_740 : vector<16xi1>
      %or3A_742 = arith.ori %gt3A_738, %and3A_741 : vector<16xi1>
      %select_n3A_743 = arith.select %or3A_742, %get3A_734, %select_n3A_714 : vector<16xi1>, vector<16xf32>
      %select_n3A_744 = arith.select %or3A_742, %get3A_737, %select_n3A_715 : vector<16xi1>, vector<16xi32>
      %swap3A_745 = arith.constant 0 : index
      %swap3A_746 = tpu.vector_load %arg6[%swap3A_745] {strides = array<i32>} : memref<32xf32, #tpu.memory_space<vmem>>, vector<16xf32>,
      %swap3A_747 = vector.shape_cast %swap3A_746 : vector<16xf32> to vector<16xf32>
      %swap3A_748 = vector.shape_cast %select_n3A_743 : vector<16xf32> to vector<16xf32>
      tpu.vector_store %arg6[%swap3A_745], %swap3A_748 {strides = array<i32>} : memref<32xf32, #tpu.memory_space<vmem>>, vector<16xf32>,
      %swap3A_749 = arith.constant 16 : index
      %swap3A_750 = tpu.vector_load %arg6[%swap3A_749] {strides = array<i32>} : memref<32xf32, #tpu.memory_space<vmem>>, vector<16xf32>,
      %swap3A_751 = vector.shape_cast %swap3A_750 : vector<16xf32> to vector<16xf32>
      %swap3A_752 = vector.shape_cast %select_n3A_743 : vector<16xf32> to vector<16xf32>
      tpu.vector_store %arg6[%swap3A_749], %swap3A_752 {strides = array<i32>} : memref<32xf32, #tpu.memory_space<vmem>>, vector<16xf32>,
      %swap3A_753 = arith.constant 0 : index
      %swap3A_754 = tpu.vector_load %arg7[%swap3A_753] {strides = array<i32>} : memref<32xi32, #tpu.memory_space<vmem>>, vector<16xi32>,
      %swap3A_755 = vector.shape_cast %swap3A_754 : vector<16xi32> to vector<16xi32>
      %swap3A_756 = vector.shape_cast %select_n3A_744 : vector<16xi32> to vector<16xi32>
      tpu.vector_store %arg7[%swap3A_753], %swap3A_756 {strides = array<i32>} : memref<32xi32, #tpu.memory_space<vmem>>, vector<16xi32>,
      %swap3A_757 = arith.constant 16 : index
      %swap3A_758 = tpu.vector_load %arg7[%swap3A_757] {strides = array<i32>} : memref<32xi32, #tpu.memory_space<vmem>>, vector<16xi32>,
      %swap3A_759 = vector.shape_cast %swap3A_758 : vector<16xi32> to vector<16xi32>
      %swap3A_760 = vector.shape_cast %select_n3A_744 : vector<16xi32> to vector<16xi32>
      tpu.vector_store %arg7[%swap3A_757], %swap3A_760 {strides = array<i32>} : memref<32xi32, #tpu.memory_space<vmem>>, vector<16xi32>,
      %get3A_761 = arith.constant 4 : index
      %get3A_762 = tpu.vector_load %arg6[%get3A_761] {strides = array<i32>} : memref<32xf32, #tpu.memory_space<vmem>>, vector<16xf32>,
      %get3A_763 = vector.shape_cast %get3A_762 : vector<16xf32> to vector<16xf32>
      %get3A_764 = arith.constant 4 : index
      %get3A_765 = tpu.vector_load %arg7[%get3A_764] {strides = array<i32>} : memref<32xi32, #tpu.memory_space<vmem>>, vector<16xi32>,
      %get3A_766 = vector.shape_cast %get3A_765 : vector<16xi32> to vector<16xi32>
      %gt3A_767 = arith.cmpf ogt, %get3A_763, %select_n3A_743 : vector<16xf32>
      %eq3A_768 = arith.cmpf oeq, %get3A_763, %select_n3A_743 : vector<16xf32>
      %lt3A_769 = arith.cmpi slt, %get3A_766, %select_n3A_744 : vector<16xi32>
      %and3A_770 = arith.andi %eq3A_768, %lt3A_769 : vector<16xi1>
      %or3A_771 = arith.ori %gt3A_767, %and3A_770 : vector<16xi1>
      %select_n3A_772 = arith.select %or3A_771, %get3A_763, %select_n3A_743 : vector<16xi1>, vector<16xf32>
      %select_n3A_773 = arith.select %or3A_771, %get3A_766, %select_n3A_744 : vector<16xi1>, vector<16xi32>
      %swap3A_774 = arith.constant 0 : index
      %swap3A_775 = tpu.vector_load %arg6[%swap3A_774] {strides = array<i32>} : memref<32xf32, #tpu.memory_space<vmem>>, vector<16xf32>,
      %swap3A_776 = vector.shape_cast %swap3A_775 : vector<16xf32> to vector<16xf32>
      %swap3A_777 = vector.shape_cast %select_n3A_772 : vector<16xf32> to vector<16xf32>
      tpu.vector_store %arg6[%swap3A_774], %swap3A_777 {strides = array<i32>} : memref<32xf32, #tpu.memory_space<vmem>>, vector<16xf32>,
      %swap3A_778 = arith.constant 16 : index
      %swap3A_779 = tpu.vector_load %arg6[%swap3A_778] {strides = array<i32>} : memref<32xf32, #tpu.memory_space<vmem>>, vector<16xf32>,
      %swap3A_780 = vector.shape_cast %swap3A_779 : vector<16xf32> to vector<16xf32>
      %swap3A_781 = vector.shape_cast %select_n3A_772 : vector<16xf32> to vector<16xf32>
      tpu.vector_store %arg6[%swap3A_778], %swap3A_781 {strides = array<i32>} : memref<32xf32, #tpu.memory_space<vmem>>, vector<16xf32>,
      %swap3A_782 = arith.constant 0 : index
      %swap3A_783 = tpu.vector_load %arg7[%swap3A_782] {strides = array<i32>} : memref<32xi32, #tpu.memory_space<vmem>>, vector<16xi32>,
      %swap3A_784 = vector.shape_cast %swap3A_783 : vector<16xi32> to vector<16xi32>
      %swap3A_785 = vector.shape_cast %select_n3A_773 : vector<16xi32> to vector<16xi32>
      tpu.vector_store %arg7[%swap3A_782], %swap3A_785 {strides = array<i32>} : memref<32xi32, #tpu.memory_space<vmem>>, vector<16xi32>,
      %swap3A_786 = arith.constant 16 : index
      %swap3A_787 = tpu.vector_load %arg7[%swap3A_786] {strides = array<i32>} : memref<32xi32, #tpu.memory_space<vmem>>, vector<16xi32>,
      %swap3A_788 = vector.shape_cast %swap3A_787 : vector<16xi32> to vector<16xi32>
      %swap3A_789 = vector.shape_cast %select_n3A_773 : vector<16xi32> to vector<16xi32>
      tpu.vector_store %arg7[%swap3A_786], %swap3A_789 {strides = array<i32>} : memref<32xi32, #tpu.memory_space<vmem>>, vector<16xi32>,
      %get3A_790 = arith.constant 8 : index
      %get3A_791 = tpu.vector_load %arg6[%get3A_790] {strides = array<i32>} : memref<32xf32, #tpu.memory_space<vmem>>, vector<16xf32>,
      %get3A_792 = vector.shape_cast %get3A_791 : vector<16xf32> to vector<16xf32>
      %get3A_793 = arith.constant 8 : index
      %get3A_794 = tpu.vector_load %arg7[%get3A_793] {strides = array<i32>} : memref<32xi32, #tpu.memory_space<vmem>>, vector<16xi32>,
      %get3A_795 = vector.shape_cast %get3A_794 : vector<16xi32> to vector<16xi32>
      %gt3A_796 = arith.cmpf ogt, %get3A_792, %select_n3A_772 : vector<16xf32>
      %eq3A_797 = arith.cmpf oeq, %get3A_792, %select_n3A_772 : vector<16xf32>
      %lt3A_798 = arith.cmpi slt, %get3A_795, %select_n3A_773 : vector<16xi32>
      %and3A_799 = arith.andi %eq3A_797, %lt3A_798 : vector<16xi1>
      %or3A_800 = arith.ori %gt3A_796, %and3A_799 : vector<16xi1>
      %select_n3A_801 = arith.select %or3A_800, %get3A_792, %select_n3A_772 : vector<16xi1>, vector<16xf32>
      %select_n3A_802 = arith.select %or3A_800, %get3A_795, %select_n3A_773 : vector<16xi1>, vector<16xi32>
      %sub3A_803 = arith.subf %select_n3A_801, %select_n3A_681 : vector<16xf32>
      %exp3A_804 = math.exp %sub3A_803 : vector<16xf32>
      %add3A_805 = arith.constant 1.000000e+00 : f32
      %add3A_806 = vector.broadcast %add3A_805 : f32 to vector<16xf32>
      %add3A_807 = arith.addf %add3A_806, %exp3A_804 : vector<16xf32>
      %div3A_808 = arith.constant 1.000000e+00 : f32
      %div3A_809 = vector.broadcast %div3A_808 : f32 to vector<16xf32>
      %div3A_810 = arith.divf %div3A_809, %add3A_807 : vector<16xf32>
      %eq3A_811 = arith.cmpi eq, %iota3A, %select_n3A_682 : vector<16xi32>
      %eq3A_812 = arith.cmpi eq, %iota3A, %select_n3A_802 : vector<16xi32>
      %sub3A_813 = arith.constant 1.000000e+00 : f32
      %sub3A_814 = vector.broadcast %sub3A_813 : f32 to vector<16xf32>
      %sub3A_815 = arith.subf %sub3A_814, %div3A_810 : vector<16xf32>
      %jit3A_816 = arith.constant 0.000000e+00 : f32
      %broadcast_in_dim3A_817 = vector.broadcast %jit3A_816 : f32 to vector<16xf32>
      %select_n3A_818 = arith.select %eq3A_812, %sub3A_815, %broadcast_in_dim3A_817 : vector<16xi1>, vector<16xf32>
      %select_n3A_819 = arith.select %eq3A_811, %div3A_810, %select_n3A_818 : vector<16xi1>, vector<16xf32>
      %swap3A_820 = arith.constant 0 : index
      %swap3A_821 = tpu.vector_load %arg5[%swap3A_820] {strides = array<i32>} : memref<128xf32, #tpu.memory_space<vmem>>, vector<16xf32>,
      %swap3A_822 = vector.shape_cast %swap3A_821 : vector<16xf32> to vector<16xf32>
      %swap3A_823 = vector.shape_cast %select_n3A_819 : vector<16xf32> to vector<16xf32>
      tpu.vector_store %arg5[%swap3A_820], %swap3A_823 {strides = array<i32>} : memref<128xf32, #tpu.memory_space<vmem>>, vector<16xf32>,
      %run_scoped3A_824 = arith.constant 2 : i32
      "tpu.region"() ({
        %run_scoped3A_1087 = tpu.sem_alloc : memref<!tpu.dma_semaphore, #tpu.memory_space<semaphore_mem>>
        %dma_start3A = arith.constant 0 : i32
        %dma_start3A_1088 = tpu.memref_slice %arg3[%run_scoped3A_824, %dma_start3A] : memref<8x128xf32, #tpu.memory_space<hbm>> -> memref<1x128xf32, #tpu.memory_space<hbm>>
        %dma_start3A_1089 = tpu.memref_squeeze %dma_start3A_1088 : memref<1x128xf32, #tpu.memory_space<hbm>> -> memref<128xf32, #tpu.memory_space<hbm>>
        %dma_start3A_1090 = arith.constant 0 : i32
        %dma_start3A_1091 = tpu.memref_slice %arg3[%run_scoped3A_824, %dma_start3A_1090] : memref<8x128xf32, #tpu.memory_space<hbm>> -> memref<1x128xf32, #tpu.memory_space<hbm>>
        %dma_start3A_1092 = tpu.memref_squeeze %dma_start3A_1091 : memref<1x128xf32, #tpu.memory_space<hbm>> -> memref<128xf32, #tpu.memory_space<hbm>>
        tpu.enqueue_dma source(%arg5 : memref<128xf32, #tpu.memory_space<vmem>>) target(%dma_start3A_1092 : memref<128xf32, #tpu.memory_space<hbm>>) target_semaphore(%run_scoped3A_1087 : memref<!tpu.dma_semaphore, #tpu.memory_space<semaphore_mem>>)
        %dma_wait3A = arith.constant 0 : i32
        %dma_wait3A_1093 = tpu.memref_slice %arg3[%run_scoped3A_824, %dma_wait3A] : memref<8x128xf32, #tpu.memory_space<hbm>> -> memref<1x128xf32, #tpu.memory_space<hbm>>
        %dma_wait3A_1094 = tpu.memref_squeeze %dma_wait3A_1093 : memref<1x128xf32, #tpu.memory_space<hbm>> -> memref<128xf32, #tpu.memory_space<hbm>>
        %dma_wait3A_1095 = arith.constant 0 : i32
        %dma_wait3A_1096 = tpu.memref_slice %arg3[%run_scoped3A_824, %dma_wait3A_1095] : memref<8x128xf32, #tpu.memory_space<hbm>> -> memref<1x128xf32, #tpu.memory_space<hbm>>
        %dma_wait3A_1097 = tpu.memref_squeeze %dma_wait3A_1096 : memref<1x128xf32, #tpu.memory_space<hbm>> -> memref<128xf32, #tpu.memory_space<hbm>>
        tpu.wait_dma2 semaphore(%run_scoped3A_1087 : memref<!tpu.dma_semaphore, #tpu.memory_space<semaphore_mem>>) src(%arg5 : memref<128xf32, #tpu.memory_space<vmem>>) dst(%dma_wait3A_1097 : memref<128xf32, #tpu.memory_space<hbm>>)
        tpu.yield
      }) : () -> ()
      %run_scoped3A_825 = arith.constant 3 : i32
      "tpu.region"() ({
        %run_scoped3A_1087 = tpu.sem_alloc : memref<!tpu.dma_semaphore, #tpu.memory_space<semaphore_mem>>
        %dma_start3A = arith.constant 0 : i32
        %dma_start3A_1088 = tpu.memref_slice %arg2[%run_scoped3A_825, %dma_start3A] : memref<8x128xf32, #tpu.memory_space<hbm>> -> memref<1x128xf32, #tpu.memory_space<hbm>>
        %dma_start3A_1089 = tpu.memref_squeeze %dma_start3A_1088 : memref<1x128xf32, #tpu.memory_space<hbm>> -> memref<128xf32, #tpu.memory_space<hbm>>
        %dma_start3A_1090 = arith.constant 0 : i32
        %dma_start3A_1091 = tpu.memref_slice %arg2[%run_scoped3A_825, %dma_start3A_1090] : memref<8x128xf32, #tpu.memory_space<hbm>> -> memref<1x128xf32, #tpu.memory_space<hbm>>
        %dma_start3A_1092 = tpu.memref_squeeze %dma_start3A_1091 : memref<1x128xf32, #tpu.memory_space<hbm>> -> memref<128xf32, #tpu.memory_space<hbm>>
        tpu.enqueue_dma source(%dma_start3A_1092 : memref<128xf32, #tpu.memory_space<hbm>>) target(%arg4 : memref<128xf32, #tpu.memory_space<vmem>>) target_semaphore(%run_scoped3A_1087 : memref<!tpu.dma_semaphore, #tpu.memory_space<semaphore_mem>>)
        %dma_wait3A = arith.constant 0 : i32
        %dma_wait3A_1093 = tpu.memref_slice %arg2[%run_scoped3A_825, %dma_wait3A] : memref<8x128xf32, #tpu.memory_space<hbm>> -> memref<1x128xf32, #tpu.memory_space<hbm>>
        %dma_wait3A_1094 = tpu.memref_squeeze %dma_wait3A_1093 : memref<1x128xf32, #tpu.memory_space<hbm>> -> memref<128xf32, #tpu.memory_space<hbm>>
        %dma_wait3A_1095 = arith.constant 0 : i32
        %dma_wait3A_1096 = tpu.memref_slice %arg2[%run_scoped3A_825, %dma_wait3A_1095] : memref<8x128xf32, #tpu.memory_space<hbm>> -> memref<1x128xf32, #tpu.memory_space<hbm>>
        %dma_wait3A_1097 = tpu.memref_squeeze %dma_wait3A_1096 : memref<1x128xf32, #tpu.memory_space<hbm>> -> memref<128xf32, #tpu.memory_space<hbm>>
        tpu.wait_dma2 semaphore(%run_scoped3A_1087 : memref<!tpu.dma_semaphore, #tpu.memory_space<semaphore_mem>>) src(%dma_wait3A_1097 : memref<128xf32, #tpu.memory_space<hbm>>) dst(%arg4 : memref<128xf32, #tpu.memory_space<vmem>>)
        tpu.yield
      }) : () -> ()
      %get3A_826 = arith.constant 0 : index
      %get3A_827 = tpu.vector_load %arg4[%get3A_826] {strides = array<i32>} : memref<128xf32, #tpu.memory_space<vmem>>, vector<16xf32>,
      %get3A_828 = vector.shape_cast %get3A_827 : vector<16xf32> to vector<16xf32>
      %swap3A_829 = arith.constant 0 : index
      %swap3A_830 = tpu.vector_load %arg6[%swap3A_829] {strides = array<i32>} : memref<32xf32, #tpu.memory_space<vmem>>, vector<16xf32>,
      %swap3A_831 = vector.shape_cast %swap3A_830 : vector<16xf32> to vector<16xf32>
      %swap3A_832 = vector.shape_cast %get3A_828 : vector<16xf32> to vector<16xf32>
      tpu.vector_store %arg6[%swap3A_829], %swap3A_832 {strides = array<i32>} : memref<32xf32, #tpu.memory_space<vmem>>, vector<16xf32>,
      %swap3A_833 = arith.constant 16 : index
      %swap3A_834 = tpu.vector_load %arg6[%swap3A_833] {strides = array<i32>} : memref<32xf32, #tpu.memory_space<vmem>>, vector<16xf32>,
      %swap3A_835 = vector.shape_cast %swap3A_834 : vector<16xf32> to vector<16xf32>
      %swap3A_836 = vector.shape_cast %get3A_828 : vector<16xf32> to vector<16xf32>
      tpu.vector_store %arg6[%swap3A_833], %swap3A_836 {strides = array<i32>} : memref<32xf32, #tpu.memory_space<vmem>>, vector<16xf32>,
      %swap3A_837 = arith.constant 0 : index
      %swap3A_838 = tpu.vector_load %arg7[%swap3A_837] {strides = array<i32>} : memref<32xi32, #tpu.memory_space<vmem>>, vector<16xi32>,
      %swap3A_839 = vector.shape_cast %swap3A_838 : vector<16xi32> to vector<16xi32>
      %swap3A_840 = vector.shape_cast %iota3A : vector<16xi32> to vector<16xi32>
      tpu.vector_store %arg7[%swap3A_837], %swap3A_840 {strides = array<i32>} : memref<32xi32, #tpu.memory_space<vmem>>, vector<16xi32>,
      %swap3A_841 = arith.constant 16 : index
      %swap3A_842 = tpu.vector_load %arg7[%swap3A_841] {strides = array<i32>} : memref<32xi32, #tpu.memory_space<vmem>>, vector<16xi32>,
      %swap3A_843 = vector.shape_cast %swap3A_842 : vector<16xi32> to vector<16xi32>
      %swap3A_844 = vector.shape_cast %iota3A : vector<16xi32> to vector<16xi32>
      tpu.vector_store %arg7[%swap3A_841], %swap3A_844 {strides = array<i32>} : memref<32xi32, #tpu.memory_space<vmem>>, vector<16xi32>,
      %get3A_845 = arith.constant 1 : index
      %get3A_846 = tpu.vector_load %arg6[%get3A_845] {strides = array<i32>} : memref<32xf32, #tpu.memory_space<vmem>>, vector<16xf32>,
      %get3A_847 = vector.shape_cast %get3A_846 : vector<16xf32> to vector<16xf32>
      %get3A_848 = arith.constant 1 : index
      %get3A_849 = tpu.vector_load %arg7[%get3A_848] {strides = array<i32>} : memref<32xi32, #tpu.memory_space<vmem>>, vector<16xi32>,
      %get3A_850 = vector.shape_cast %get3A_849 : vector<16xi32> to vector<16xi32>
      %gt3A_851 = arith.cmpf ogt, %get3A_847, %get3A_828 : vector<16xf32>
      %eq3A_852 = arith.cmpf oeq, %get3A_847, %get3A_828 : vector<16xf32>
      %lt3A_853 = arith.cmpi slt, %get3A_850, %iota3A : vector<16xi32>
      %and3A_854 = arith.andi %eq3A_852, %lt3A_853 : vector<16xi1>
      %or3A_855 = arith.ori %gt3A_851, %and3A_854 : vector<16xi1>
      %select_n3A_856 = arith.select %or3A_855, %get3A_847, %get3A_828 : vector<16xi1>, vector<16xf32>
      %select_n3A_857 = arith.select %or3A_855, %get3A_850, %iota3A : vector<16xi1>, vector<16xi32>
      %swap3A_858 = arith.constant 0 : index
      %swap3A_859 = tpu.vector_load %arg6[%swap3A_858] {strides = array<i32>} : memref<32xf32, #tpu.memory_space<vmem>>, vector<16xf32>,
      %swap3A_860 = vector.shape_cast %swap3A_859 : vector<16xf32> to vector<16xf32>
      %swap3A_861 = vector.shape_cast %select_n3A_856 : vector<16xf32> to vector<16xf32>
      tpu.vector_store %arg6[%swap3A_858], %swap3A_861 {strides = array<i32>} : memref<32xf32, #tpu.memory_space<vmem>>, vector<16xf32>,
      %swap3A_862 = arith.constant 16 : index
      %swap3A_863 = tpu.vector_load %arg6[%swap3A_862] {strides = array<i32>} : memref<32xf32, #tpu.memory_space<vmem>>, vector<16xf32>,
      %swap3A_864 = vector.shape_cast %swap3A_863 : vector<16xf32> to vector<16xf32>
      %swap3A_865 = vector.shape_cast %select_n3A_856 : vector<16xf32> to vector<16xf32>
      tpu.vector_store %arg6[%swap3A_862], %swap3A_865 {strides = array<i32>} : memref<32xf32, #tpu.memory_space<vmem>>, vector<16xf32>,
      %swap3A_866 = arith.constant 0 : index
      %swap3A_867 = tpu.vector_load %arg7[%swap3A_866] {strides = array<i32>} : memref<32xi32, #tpu.memory_space<vmem>>, vector<16xi32>,
      %swap3A_868 = vector.shape_cast %swap3A_867 : vector<16xi32> to vector<16xi32>
      %swap3A_869 = vector.shape_cast %select_n3A_857 : vector<16xi32> to vector<16xi32>
      tpu.vector_store %arg7[%swap3A_866], %swap3A_869 {strides = array<i32>} : memref<32xi32, #tpu.memory_space<vmem>>, vector<16xi32>,
      %swap3A_870 = arith.constant 16 : index
      %swap3A_871 = tpu.vector_load %arg7[%swap3A_870] {strides = array<i32>} : memref<32xi32, #tpu.memory_space<vmem>>, vector<16xi32>,
      %swap3A_872 = vector.shape_cast %swap3A_871 : vector<16xi32> to vector<16xi32>
      %swap3A_873 = vector.shape_cast %select_n3A_857 : vector<16xi32> to vector<16xi32>
      tpu.vector_store %arg7[%swap3A_870], %swap3A_873 {strides = array<i32>} : memref<32xi32, #tpu.memory_space<vmem>>, vector<16xi32>,
      %get3A_874 = arith.constant 2 : index
      %get3A_875 = tpu.vector_load %arg6[%get3A_874] {strides = array<i32>} : memref<32xf32, #tpu.memory_space<vmem>>, vector<16xf32>,
      %get3A_876 = vector.shape_cast %get3A_875 : vector<16xf32> to vector<16xf32>
      %get3A_877 = arith.constant 2 : index
      %get3A_878 = tpu.vector_load %arg7[%get3A_877] {strides = array<i32>} : memref<32xi32, #tpu.memory_space<vmem>>, vector<16xi32>,
      %get3A_879 = vector.shape_cast %get3A_878 : vector<16xi32> to vector<16xi32>
      %gt3A_880 = arith.cmpf ogt, %get3A_876, %select_n3A_856 : vector<16xf32>
      %eq3A_881 = arith.cmpf oeq, %get3A_876, %select_n3A_856 : vector<16xf32>
      %lt3A_882 = arith.cmpi slt, %get3A_879, %select_n3A_857 : vector<16xi32>
      %and3A_883 = arith.andi %eq3A_881, %lt3A_882 : vector<16xi1>
      %or3A_884 = arith.ori %gt3A_880, %and3A_883 : vector<16xi1>
      %select_n3A_885 = arith.select %or3A_884, %get3A_876, %select_n3A_856 : vector<16xi1>, vector<16xf32>
      %select_n3A_886 = arith.select %or3A_884, %get3A_879, %select_n3A_857 : vector<16xi1>, vector<16xi32>
      %swap3A_887 = arith.constant 0 : index
      %swap3A_888 = tpu.vector_load %arg6[%swap3A_887] {strides = array<i32>} : memref<32xf32, #tpu.memory_space<vmem>>, vector<16xf32>,
      %swap3A_889 = vector.shape_cast %swap3A_888 : vector<16xf32> to vector<16xf32>
      %swap3A_890 = vector.shape_cast %select_n3A_885 : vector<16xf32> to vector<16xf32>
      tpu.vector_store %arg6[%swap3A_887], %swap3A_890 {strides = array<i32>} : memref<32xf32, #tpu.memory_space<vmem>>, vector<16xf32>,
      %swap3A_891 = arith.constant 16 : index
      %swap3A_892 = tpu.vector_load %arg6[%swap3A_891] {strides = array<i32>} : memref<32xf32, #tpu.memory_space<vmem>>, vector<16xf32>,
      %swap3A_893 = vector.shape_cast %swap3A_892 : vector<16xf32> to vector<16xf32>
      %swap3A_894 = vector.shape_cast %select_n3A_885 : vector<16xf32> to vector<16xf32>
      tpu.vector_store %arg6[%swap3A_891], %swap3A_894 {strides = array<i32>} : memref<32xf32, #tpu.memory_space<vmem>>, vector<16xf32>,
      %swap3A_895 = arith.constant 0 : index
      %swap3A_896 = tpu.vector_load %arg7[%swap3A_895] {strides = array<i32>} : memref<32xi32, #tpu.memory_space<vmem>>, vector<16xi32>,
      %swap3A_897 = vector.shape_cast %swap3A_896 : vector<16xi32> to vector<16xi32>
      %swap3A_898 = vector.shape_cast %select_n3A_886 : vector<16xi32> to vector<16xi32>
      tpu.vector_store %arg7[%swap3A_895], %swap3A_898 {strides = array<i32>} : memref<32xi32, #tpu.memory_space<vmem>>, vector<16xi32>,
      %swap3A_899 = arith.constant 16 : index
      %swap3A_900 = tpu.vector_load %arg7[%swap3A_899] {strides = array<i32>} : memref<32xi32, #tpu.memory_space<vmem>>, vector<16xi32>,
      %swap3A_901 = vector.shape_cast %swap3A_900 : vector<16xi32> to vector<16xi32>
      %swap3A_902 = vector.shape_cast %select_n3A_886 : vector<16xi32> to vector<16xi32>
      tpu.vector_store %arg7[%swap3A_899], %swap3A_902 {strides = array<i32>} : memref<32xi32, #tpu.memory_space<vmem>>, vector<16xi32>,
      %get3A_903 = arith.constant 4 : index
      %get3A_904 = tpu.vector_load %arg6[%get3A_903] {strides = array<i32>} : memref<32xf32, #tpu.memory_space<vmem>>, vector<16xf32>,
      %get3A_905 = vector.shape_cast %get3A_904 : vector<16xf32> to vector<16xf32>
      %get3A_906 = arith.constant 4 : index
      %get3A_907 = tpu.vector_load %arg7[%get3A_906] {strides = array<i32>} : memref<32xi32, #tpu.memory_space<vmem>>, vector<16xi32>,
      %get3A_908 = vector.shape_cast %get3A_907 : vector<16xi32> to vector<16xi32>
      %gt3A_909 = arith.cmpf ogt, %get3A_905, %select_n3A_885 : vector<16xf32>
      %eq3A_910 = arith.cmpf oeq, %get3A_905, %select_n3A_885 : vector<16xf32>
      %lt3A_911 = arith.cmpi slt, %get3A_908, %select_n3A_886 : vector<16xi32>
      %and3A_912 = arith.andi %eq3A_910, %lt3A_911 : vector<16xi1>
      %or3A_913 = arith.ori %gt3A_909, %and3A_912 : vector<16xi1>
      %select_n3A_914 = arith.select %or3A_913, %get3A_905, %select_n3A_885 : vector<16xi1>, vector<16xf32>
      %select_n3A_915 = arith.select %or3A_913, %get3A_908, %select_n3A_886 : vector<16xi1>, vector<16xi32>
      %swap3A_916 = arith.constant 0 : index
      %swap3A_917 = tpu.vector_load %arg6[%swap3A_916] {strides = array<i32>} : memref<32xf32, #tpu.memory_space<vmem>>, vector<16xf32>,
      %swap3A_918 = vector.shape_cast %swap3A_917 : vector<16xf32> to vector<16xf32>
      %swap3A_919 = vector.shape_cast %select_n3A_914 : vector<16xf32> to vector<16xf32>
      tpu.vector_store %arg6[%swap3A_916], %swap3A_919 {strides = array<i32>} : memref<32xf32, #tpu.memory_space<vmem>>, vector<16xf32>,
      %swap3A_920 = arith.constant 16 : index
      %swap3A_921 = tpu.vector_load %arg6[%swap3A_920] {strides = array<i32>} : memref<32xf32, #tpu.memory_space<vmem>>, vector<16xf32>,
      %swap3A_922 = vector.shape_cast %swap3A_921 : vector<16xf32> to vector<16xf32>
      %swap3A_923 = vector.shape_cast %select_n3A_914 : vector<16xf32> to vector<16xf32>
      tpu.vector_store %arg6[%swap3A_920], %swap3A_923 {strides = array<i32>} : memref<32xf32, #tpu.memory_space<vmem>>, vector<16xf32>,
      %swap3A_924 = arith.constant 0 : index
      %swap3A_925 = tpu.vector_load %arg7[%swap3A_924] {strides = array<i32>} : memref<32xi32, #tpu.memory_space<vmem>>, vector<16xi32>,
      %swap3A_926 = vector.shape_cast %swap3A_925 : vector<16xi32> to vector<16xi32>
      %swap3A_927 = vector.shape_cast %select_n3A_915 : vector<16xi32> to vector<16xi32>
      tpu.vector_store %arg7[%swap3A_924], %swap3A_927 {strides = array<i32>} : memref<32xi32, #tpu.memory_space<vmem>>, vector<16xi32>,
      %swap3A_928 = arith.constant 16 : index
      %swap3A_929 = tpu.vector_load %arg7[%swap3A_928] {strides = array<i32>} : memref<32xi32, #tpu.memory_space<vmem>>, vector<16xi32>,
      %swap3A_930 = vector.shape_cast %swap3A_929 : vector<16xi32> to vector<16xi32>
      %swap3A_931 = vector.shape_cast %select_n3A_915 : vector<16xi32> to vector<16xi32>
      tpu.vector_store %arg7[%swap3A_928], %swap3A_931 {strides = array<i32>} : memref<32xi32, #tpu.memory_space<vmem>>, vector<16xi32>,
      %get3A_932 = arith.constant 8 : index
      %get3A_933 = tpu.vector_load %arg6[%get3A_932] {strides = array<i32>} : memref<32xf32, #tpu.memory_space<vmem>>, vector<16xf32>,
      %get3A_934 = vector.shape_cast %get3A_933 : vector<16xf32> to vector<16xf32>
      %get3A_935 = arith.constant 8 : index
      %get3A_936 = tpu.vector_load %arg7[%get3A_935] {strides = array<i32>} : memref<32xi32, #tpu.memory_space<vmem>>, vector<16xi32>,
      %get3A_937 = vector.shape_cast %get3A_936 : vector<16xi32> to vector<16xi32>
      %gt3A_938 = arith.cmpf ogt, %get3A_934, %select_n3A_914 : vector<16xf32>
      %eq3A_939 = arith.cmpf oeq, %get3A_934, %select_n3A_914 : vector<16xf32>
      %lt3A_940 = arith.cmpi slt, %get3A_937, %select_n3A_915 : vector<16xi32>
      %and3A_941 = arith.andi %eq3A_939, %lt3A_940 : vector<16xi1>
      %or3A_942 = arith.ori %gt3A_938, %and3A_941 : vector<16xi1>
      %select_n3A_943 = arith.select %or3A_942, %get3A_934, %select_n3A_914 : vector<16xi1>, vector<16xf32>
      %select_n3A_944 = arith.select %or3A_942, %get3A_937, %select_n3A_915 : vector<16xi1>, vector<16xi32>
      %eq3A_945 = arith.cmpi eq, %iota3A, %select_n3A_944 : vector<16xi32>
      %jit3A_946 = arith.constant -1.000000e+30 : f32
      %broadcast_in_dim3A_947 = vector.broadcast %jit3A_946 : f32 to vector<16xf32>
      %select_n3A_948 = arith.select %eq3A_945, %broadcast_in_dim3A_947, %get3A_828 : vector<16xi1>, vector<16xf32>
      %swap3A_949 = arith.constant 0 : index
      %swap3A_950 = tpu.vector_load %arg6[%swap3A_949] {strides = array<i32>} : memref<32xf32, #tpu.memory_space<vmem>>, vector<16xf32>,
      %swap3A_951 = vector.shape_cast %swap3A_950 : vector<16xf32> to vector<16xf32>
      %swap3A_952 = vector.shape_cast %select_n3A_948 : vector<16xf32> to vector<16xf32>
      tpu.vector_store %arg6[%swap3A_949], %swap3A_952 {strides = array<i32>} : memref<32xf32, #tpu.memory_space<vmem>>, vector<16xf32>,
      %swap3A_953 = arith.constant 16 : index
      %swap3A_954 = tpu.vector_load %arg6[%swap3A_953] {strides = array<i32>} : memref<32xf32, #tpu.memory_space<vmem>>, vector<16xf32>,
      %swap3A_955 = vector.shape_cast %swap3A_954 : vector<16xf32> to vector<16xf32>
      %swap3A_956 = vector.shape_cast %select_n3A_948 : vector<16xf32> to vector<16xf32>
      tpu.vector_store %arg6[%swap3A_953], %swap3A_956 {strides = array<i32>} : memref<32xf32, #tpu.memory_space<vmem>>, vector<16xf32>,
      %swap3A_957 = arith.constant 0 : index
      %swap3A_958 = tpu.vector_load %arg7[%swap3A_957] {strides = array<i32>} : memref<32xi32, #tpu.memory_space<vmem>>, vector<16xi32>,
      %swap3A_959 = vector.shape_cast %swap3A_958 : vector<16xi32> to vector<16xi32>
      %swap3A_960 = vector.shape_cast %iota3A : vector<16xi32> to vector<16xi32>
      tpu.vector_store %arg7[%swap3A_957], %swap3A_960 {strides = array<i32>} : memref<32xi32, #tpu.memory_space<vmem>>, vector<16xi32>,
      %swap3A_961 = arith.constant 16 : index
      %swap3A_962 = tpu.vector_load %arg7[%swap3A_961] {strides = array<i32>} : memref<32xi32, #tpu.memory_space<vmem>>, vector<16xi32>,
      %swap3A_963 = vector.shape_cast %swap3A_962 : vector<16xi32> to vector<16xi32>
      %swap3A_964 = vector.shape_cast %iota3A : vector<16xi32> to vector<16xi32>
      tpu.vector_store %arg7[%swap3A_961], %swap3A_964 {strides = array<i32>} : memref<32xi32, #tpu.memory_space<vmem>>, vector<16xi32>,
      %get3A_965 = arith.constant 1 : index
      %get3A_966 = tpu.vector_load %arg6[%get3A_965] {strides = array<i32>} : memref<32xf32, #tpu.memory_space<vmem>>, vector<16xf32>,
      %get3A_967 = vector.shape_cast %get3A_966 : vector<16xf32> to vector<16xf32>
      %get3A_968 = arith.constant 1 : index
      %get3A_969 = tpu.vector_load %arg7[%get3A_968] {strides = array<i32>} : memref<32xi32, #tpu.memory_space<vmem>>, vector<16xi32>,
      %get3A_970 = vector.shape_cast %get3A_969 : vector<16xi32> to vector<16xi32>
      %gt3A_971 = arith.cmpf ogt, %get3A_967, %select_n3A_948 : vector<16xf32>
      %eq3A_972 = arith.cmpf oeq, %get3A_967, %select_n3A_948 : vector<16xf32>
      %lt3A_973 = arith.cmpi slt, %get3A_970, %iota3A : vector<16xi32>
      %and3A_974 = arith.andi %eq3A_972, %lt3A_973 : vector<16xi1>
      %or3A_975 = arith.ori %gt3A_971, %and3A_974 : vector<16xi1>
      %select_n3A_976 = arith.select %or3A_975, %get3A_967, %select_n3A_948 : vector<16xi1>, vector<16xf32>
      %select_n3A_977 = arith.select %or3A_975, %get3A_970, %iota3A : vector<16xi1>, vector<16xi32>
      %swap3A_978 = arith.constant 0 : index
      %swap3A_979 = tpu.vector_load %arg6[%swap3A_978] {strides = array<i32>} : memref<32xf32, #tpu.memory_space<vmem>>, vector<16xf32>,
      %swap3A_980 = vector.shape_cast %swap3A_979 : vector<16xf32> to vector<16xf32>
      %swap3A_981 = vector.shape_cast %select_n3A_976 : vector<16xf32> to vector<16xf32>
      tpu.vector_store %arg6[%swap3A_978], %swap3A_981 {strides = array<i32>} : memref<32xf32, #tpu.memory_space<vmem>>, vector<16xf32>,
      %swap3A_982 = arith.constant 16 : index
      %swap3A_983 = tpu.vector_load %arg6[%swap3A_982] {strides = array<i32>} : memref<32xf32, #tpu.memory_space<vmem>>, vector<16xf32>,
      %swap3A_984 = vector.shape_cast %swap3A_983 : vector<16xf32> to vector<16xf32>
      %swap3A_985 = vector.shape_cast %select_n3A_976 : vector<16xf32> to vector<16xf32>
      tpu.vector_store %arg6[%swap3A_982], %swap3A_985 {strides = array<i32>} : memref<32xf32, #tpu.memory_space<vmem>>, vector<16xf32>,
      %swap3A_986 = arith.constant 0 : index
      %swap3A_987 = tpu.vector_load %arg7[%swap3A_986] {strides = array<i32>} : memref<32xi32, #tpu.memory_space<vmem>>, vector<16xi32>,
      %swap3A_988 = vector.shape_cast %swap3A_987 : vector<16xi32> to vector<16xi32>
      %swap3A_989 = vector.shape_cast %select_n3A_977 : vector<16xi32> to vector<16xi32>
      tpu.vector_store %arg7[%swap3A_986], %swap3A_989 {strides = array<i32>} : memref<32xi32, #tpu.memory_space<vmem>>, vector<16xi32>,
      %swap3A_990 = arith.constant 16 : index
      %swap3A_991 = tpu.vector_load %arg7[%swap3A_990] {strides = array<i32>} : memref<32xi32, #tpu.memory_space<vmem>>, vector<16xi32>,
      %swap3A_992 = vector.shape_cast %swap3A_991 : vector<16xi32> to vector<16xi32>
      %swap3A_993 = vector.shape_cast %select_n3A_977 : vector<16xi32> to vector<16xi32>
      tpu.vector_store %arg7[%swap3A_990], %swap3A_993 {strides = array<i32>} : memref<32xi32, #tpu.memory_space<vmem>>, vector<16xi32>,
      %get3A_994 = arith.constant 2 : index
      %get3A_995 = tpu.vector_load %arg6[%get3A_994] {strides = array<i32>} : memref<32xf32, #tpu.memory_space<vmem>>, vector<16xf32>,
      %get3A_996 = vector.shape_cast %get3A_995 : vector<16xf32> to vector<16xf32>
      %get3A_997 = arith.constant 2 : index
      %get3A_998 = tpu.vector_load %arg7[%get3A_997] {strides = array<i32>} : memref<32xi32, #tpu.memory_space<vmem>>, vector<16xi32>,
      %get3A_999 = vector.shape_cast %get3A_998 : vector<16xi32> to vector<16xi32>
      %gt3A_1000 = arith.cmpf ogt, %get3A_996, %select_n3A_976 : vector<16xf32>
      %eq3A_1001 = arith.cmpf oeq, %get3A_996, %select_n3A_976 : vector<16xf32>
      %lt3A_1002 = arith.cmpi slt, %get3A_999, %select_n3A_977 : vector<16xi32>
      %and3A_1003 = arith.andi %eq3A_1001, %lt3A_1002 : vector<16xi1>
      %or3A_1004 = arith.ori %gt3A_1000, %and3A_1003 : vector<16xi1>
      %select_n3A_1005 = arith.select %or3A_1004, %get3A_996, %select_n3A_976 : vector<16xi1>, vector<16xf32>
      %select_n3A_1006 = arith.select %or3A_1004, %get3A_999, %select_n3A_977 : vector<16xi1>, vector<16xi32>
      %swap3A_1007 = arith.constant 0 : index
      %swap3A_1008 = tpu.vector_load %arg6[%swap3A_1007] {strides = array<i32>} : memref<32xf32, #tpu.memory_space<vmem>>, vector<16xf32>,
      %swap3A_1009 = vector.shape_cast %swap3A_1008 : vector<16xf32> to vector<16xf32>
      %swap3A_1010 = vector.shape_cast %select_n3A_1005 : vector<16xf32> to vector<16xf32>
      tpu.vector_store %arg6[%swap3A_1007], %swap3A_1010 {strides = array<i32>} : memref<32xf32, #tpu.memory_space<vmem>>, vector<16xf32>,
      %swap3A_1011 = arith.constant 16 : index
      %swap3A_1012 = tpu.vector_load %arg6[%swap3A_1011] {strides = array<i32>} : memref<32xf32, #tpu.memory_space<vmem>>, vector<16xf32>,
      %swap3A_1013 = vector.shape_cast %swap3A_1012 : vector<16xf32> to vector<16xf32>
      %swap3A_1014 = vector.shape_cast %select_n3A_1005 : vector<16xf32> to vector<16xf32>
      tpu.vector_store %arg6[%swap3A_1011], %swap3A_1014 {strides = array<i32>} : memref<32xf32, #tpu.memory_space<vmem>>, vector<16xf32>,
      %swap3A_1015 = arith.constant 0 : index
      %swap3A_1016 = tpu.vector_load %arg7[%swap3A_1015] {strides = array<i32>} : memref<32xi32, #tpu.memory_space<vmem>>, vector<16xi32>,
      %swap3A_1017 = vector.shape_cast %swap3A_1016 : vector<16xi32> to vector<16xi32>
      %swap3A_1018 = vector.shape_cast %select_n3A_1006 : vector<16xi32> to vector<16xi32>
      tpu.vector_store %arg7[%swap3A_1015], %swap3A_1018 {strides = array<i32>} : memref<32xi32, #tpu.memory_space<vmem>>, vector<16xi32>,
      %swap3A_1019 = arith.constant 16 : index
      %swap3A_1020 = tpu.vector_load %arg7[%swap3A_1019] {strides = array<i32>} : memref<32xi32, #tpu.memory_space<vmem>>, vector<16xi32>,
      %swap3A_1021 = vector.shape_cast %swap3A_1020 : vector<16xi32> to vector<16xi32>
      %swap3A_1022 = vector.shape_cast %select_n3A_1006 : vector<16xi32> to vector<16xi32>
      tpu.vector_store %arg7[%swap3A_1019], %swap3A_1022 {strides = array<i32>} : memref<32xi32, #tpu.memory_space<vmem>>, vector<16xi32>,
      %get3A_1023 = arith.constant 4 : index
      %get3A_1024 = tpu.vector_load %arg6[%get3A_1023] {strides = array<i32>} : memref<32xf32, #tpu.memory_space<vmem>>, vector<16xf32>,
      %get3A_1025 = vector.shape_cast %get3A_1024 : vector<16xf32> to vector<16xf32>
      %get3A_1026 = arith.constant 4 : index
      %get3A_1027 = tpu.vector_load %arg7[%get3A_1026] {strides = array<i32>} : memref<32xi32, #tpu.memory_space<vmem>>, vector<16xi32>,
      %get3A_1028 = vector.shape_cast %get3A_1027 : vector<16xi32> to vector<16xi32>
      %gt3A_1029 = arith.cmpf ogt, %get3A_1025, %select_n3A_1005 : vector<16xf32>
      %eq3A_1030 = arith.cmpf oeq, %get3A_1025, %select_n3A_1005 : vector<16xf32>
      %lt3A_1031 = arith.cmpi slt, %get3A_1028, %select_n3A_1006 : vector<16xi32>
      %and3A_1032 = arith.andi %eq3A_1030, %lt3A_1031 : vector<16xi1>
      %or3A_1033 = arith.ori %gt3A_1029, %and3A_1032 : vector<16xi1>
      %select_n3A_1034 = arith.select %or3A_1033, %get3A_1025, %select_n3A_1005 : vector<16xi1>, vector<16xf32>
      %select_n3A_1035 = arith.select %or3A_1033, %get3A_1028, %select_n3A_1006 : vector<16xi1>, vector<16xi32>
      %swap3A_1036 = arith.constant 0 : index
      %swap3A_1037 = tpu.vector_load %arg6[%swap3A_1036] {strides = array<i32>} : memref<32xf32, #tpu.memory_space<vmem>>, vector<16xf32>,
      %swap3A_1038 = vector.shape_cast %swap3A_1037 : vector<16xf32> to vector<16xf32>
      %swap3A_1039 = vector.shape_cast %select_n3A_1034 : vector<16xf32> to vector<16xf32>
      tpu.vector_store %arg6[%swap3A_1036], %swap3A_1039 {strides = array<i32>} : memref<32xf32, #tpu.memory_space<vmem>>, vector<16xf32>,
      %swap3A_1040 = arith.constant 16 : index
      %swap3A_1041 = tpu.vector_load %arg6[%swap3A_1040] {strides = array<i32>} : memref<32xf32, #tpu.memory_space<vmem>>, vector<16xf32>,
      %swap3A_1042 = vector.shape_cast %swap3A_1041 : vector<16xf32> to vector<16xf32>
      %swap3A_1043 = vector.shape_cast %select_n3A_1034 : vector<16xf32> to vector<16xf32>
      tpu.vector_store %arg6[%swap3A_1040], %swap3A_1043 {strides = array<i32>} : memref<32xf32, #tpu.memory_space<vmem>>, vector<16xf32>,
      %swap3A_1044 = arith.constant 0 : index
      %swap3A_1045 = tpu.vector_load %arg7[%swap3A_1044] {strides = array<i32>} : memref<32xi32, #tpu.memory_space<vmem>>, vector<16xi32>,
      %swap3A_1046 = vector.shape_cast %swap3A_1045 : vector<16xi32> to vector<16xi32>
      %swap3A_1047 = vector.shape_cast %select_n3A_1035 : vector<16xi32> to vector<16xi32>
      tpu.vector_store %arg7[%swap3A_1044], %swap3A_1047 {strides = array<i32>} : memref<32xi32, #tpu.memory_space<vmem>>, vector<16xi32>,
      %swap3A_1048 = arith.constant 16 : index
      %swap3A_1049 = tpu.vector_load %arg7[%swap3A_1048] {strides = array<i32>} : memref<32xi32, #tpu.memory_space<vmem>>, vector<16xi32>,
      %swap3A_1050 = vector.shape_cast %swap3A_1049 : vector<16xi32> to vector<16xi32>
      %swap3A_1051 = vector.shape_cast %select_n3A_1035 : vector<16xi32> to vector<16xi32>
      tpu.vector_store %arg7[%swap3A_1048], %swap3A_1051 {strides = array<i32>} : memref<32xi32, #tpu.memory_space<vmem>>, vector<16xi32>,
      %get3A_1052 = arith.constant 8 : index
      %get3A_1053 = tpu.vector_load %arg6[%get3A_1052] {strides = array<i32>} : memref<32xf32, #tpu.memory_space<vmem>>, vector<16xf32>,
      %get3A_1054 = vector.shape_cast %get3A_1053 : vector<16xf32> to vector<16xf32>
      %get3A_1055 = arith.constant 8 : index
      %get3A_1056 = tpu.vector_load %arg7[%get3A_1055] {strides = array<i32>} : memref<32xi32, #tpu.memory_space<vmem>>, vector<16xi32>,
      %get3A_1057 = vector.shape_cast %get3A_1056 : vector<16xi32> to vector<16xi32>
      %gt3A_1058 = arith.cmpf ogt, %get3A_1054, %select_n3A_1034 : vector<16xf32>
      %eq3A_1059 = arith.cmpf oeq, %get3A_1054, %select_n3A_1034 : vector<16xf32>
      %lt3A_1060 = arith.cmpi slt, %get3A_1057, %select_n3A_1035 : vector<16xi32>
      %and3A_1061 = arith.andi %eq3A_1059, %lt3A_1060 : vector<16xi1>
      %or3A_1062 = arith.ori %gt3A_1058, %and3A_1061 : vector<16xi1>
      %select_n3A_1063 = arith.select %or3A_1062, %get3A_1054, %select_n3A_1034 : vector<16xi1>, vector<16xf32>
      %select_n3A_1064 = arith.select %or3A_1062, %get3A_1057, %select_n3A_1035 : vector<16xi1>, vector<16xi32>
      %sub3A_1065 = arith.subf %select_n3A_1063, %select_n3A_943 : vector<16xf32>
      %exp3A_1066 = math.exp %sub3A_1065 : vector<16xf32>
      %add3A_1067 = arith.constant 1.000000e+00 : f32
      %add3A_1068 = vector.broadcast %add3A_1067 : f32 to vector<16xf32>
      %add3A_1069 = arith.addf %add3A_1068, %exp3A_1066 : vector<16xf32>
      %div3A_1070 = arith.constant 1.000000e+00 : f32
      %div3A_1071 = vector.broadcast %div3A_1070 : f32 to vector<16xf32>
      %div3A_1072 = arith.divf %div3A_1071, %add3A_1069 : vector<16xf32>
      %eq3A_1073 = arith.cmpi eq, %iota3A, %select_n3A_944 : vector<16xi32>
      %eq3A_1074 = arith.cmpi eq, %iota3A, %select_n3A_1064 : vector<16xi32>
      %sub3A_1075 = arith.constant 1.000000e+00 : f32
      %sub3A_1076 = vector.broadcast %sub3A_1075 : f32 to vector<16xf32>
      %sub3A_1077 = arith.subf %sub3A_1076, %div3A_1072 : vector<16xf32>
      %jit3A_1078 = arith.constant 0.000000e+00 : f32
      %broadcast_in_dim3A_1079 = vector.broadcast %jit3A_1078 : f32 to vector<16xf32>
      %select_n3A_1080 = arith.select %eq3A_1074, %sub3A_1077, %broadcast_in_dim3A_1079 : vector<16xi1>, vector<16xf32>
      %select_n3A_1081 = arith.select %eq3A_1073, %div3A_1072, %select_n3A_1080 : vector<16xi1>, vector<16xf32>
      %swap3A_1082 = arith.constant 0 : index
      %swap3A_1083 = tpu.vector_load %arg5[%swap3A_1082] {strides = array<i32>} : memref<128xf32, #tpu.memory_space<vmem>>, vector<16xf32>,
      %swap3A_1084 = vector.shape_cast %swap3A_1083 : vector<16xf32> to vector<16xf32>
      %swap3A_1085 = vector.shape_cast %select_n3A_1081 : vector<16xf32> to vector<16xf32>
      tpu.vector_store %arg5[%swap3A_1082], %swap3A_1085 {strides = array<i32>} : memref<128xf32, #tpu.memory_space<vmem>>, vector<16xf32>,
      %run_scoped3A_1086 = arith.constant 3 : i32
      "tpu.region"() ({
        %run_scoped3A_1087 = tpu.sem_alloc : memref<!tpu.dma_semaphore, #tpu.memory_space<semaphore_mem>>
        %dma_start3A = arith.constant 0 : i32
        %dma_start3A_1088 = tpu.memref_slice %arg3[%run_scoped3A_1086, %dma_start3A] : memref<8x128xf32, #tpu.memory_space<hbm>> -> memref<1x128xf32, #tpu.memory_space<hbm>>
        %dma_start3A_1089 = tpu.memref_squeeze %dma_start3A_1088 : memref<1x128xf32, #tpu.memory_space<hbm>> -> memref<128xf32, #tpu.memory_space<hbm>>
        %dma_start3A_1090 = arith.constant 0 : i32
        %dma_start3A_1091 = tpu.memref_slice %arg3[%run_scoped3A_1086, %dma_start3A_1090] : memref<8x128xf32, #tpu.memory_space<hbm>> -> memref<1x128xf32, #tpu.memory_space<hbm>>
        %dma_start3A_1092 = tpu.memref_squeeze %dma_start3A_1091 : memref<1x128xf32, #tpu.memory_space<hbm>> -> memref<128xf32, #tpu.memory_space<hbm>>
        tpu.enqueue_dma source(%arg5 : memref<128xf32, #tpu.memory_space<vmem>>) target(%dma_start3A_1092 : memref<128xf32, #tpu.memory_space<hbm>>) target_semaphore(%run_scoped3A_1087 : memref<!tpu.dma_semaphore, #tpu.memory_space<semaphore_mem>>)
        %dma_wait3A = arith.constant 0 : i32
        %dma_wait3A_1093 = tpu.memref_slice %arg3[%run_scoped3A_1086, %dma_wait3A] : memref<8x128xf32, #tpu.memory_space<hbm>> -> memref<1x128xf32, #tpu.memory_space<hbm>>
        %dma_wait3A_1094 = tpu.memref_squeeze %dma_wait3A_1093 : memref<1x128xf32, #tpu.memory_space<hbm>> -> memref<128xf32, #tpu.memory_space<hbm>>
        %dma_wait3A_1095 = arith.constant 0 : i32
        %dma_wait3A_1096 = tpu.memref_slice %arg3[%run_scoped3A_1086, %dma_wait3A_1095] : memref<8x128xf32, #tpu.memory_space<hbm>> -> memref<1x128xf32, #tpu.memory_space<hbm>>
        %dma_wait3A_1097 = tpu.memref_squeeze %dma_wait3A_1096 : memref<1x128xf32, #tpu.memory_space<hbm>> -> memref<128xf32, #tpu.memory_space<hbm>>
        tpu.wait_dma2 semaphore(%run_scoped3A_1087 : memref<!tpu.dma_semaphore, #tpu.memory_space<semaphore_mem>>) src(%arg5 : memref<128xf32, #tpu.memory_space<vmem>>) dst(%dma_wait3A_1097 : memref<128xf32, #tpu.memory_space<hbm>>)
        tpu.yield
      }) : () -> ()
    } else {
    }
    return
  }
}

module attributes {stable_mosaic.version = 14 : i64} {
  func.func @_ssa_router_kernel(%arg0: memref<4096x192xf32, #tpu.memory_space<vmem>>, %arg1: memref<192x192xf32, #tpu.memory_space<vmem>>, %arg2: memref<192x192xf32, #tpu.memory_space<vmem>>, %arg3: memref<192x192xf32, #tpu.memory_space<vmem>>, %arg4: memref<192x192xf32, #tpu.memory_space<vmem>>, %arg5: memref<8x192xf32, #tpu.memory_space<vmem>>, %arg6: memref<4096x192xf32, #tpu.memory_space<vmem>>, %arg7: memref<8x128xf32, #tpu.memory_space<vmem>>, %arg8: memref<4096x192xf32, #tpu.memory_space<vmem>>, %arg9: memref<4096x576xf32, #tpu.memory_space<vmem>>, %arg10: memref<4096x192xf32, #tpu.memory_space<vmem>>) attributes {dimension_semantics = [], scalar_prefetch = 0 : i64, scratch_operands = 3 : i64, tpu.core_type = #tpu.core_type<tc>} {
    %get3A = arith.constant 0 : index
    %get3A_0 = arith.constant 0 : index
    %get3A_1 = vector.load %arg0[%get3A, %get3A_0] : memref<4096x192xf32, #tpu.memory_space<vmem>>, vector<4096x192xf32>
    %slice3A = vector.extract_strided_slice %get3A_1 {offsets = [0, 0], sizes = [1024, 192], strides = [1, 1]} : vector<4096x192xf32> to vector<1024x192xf32>
    %ge3A = arith.constant 2.000000e+00 : f32
    %ge3A_2 = vector.broadcast %ge3A : f32 to vector<1024x192xf32>
    %ge3A_3 = arith.cmpf oge, %slice3A, %ge3A_2 : vector<1024x192xf32>
    %jit3A = arith.constant 1.000000e+00 : f32
    %jit3A_4 = arith.constant 0.000000e+00 : f32
    %broadcast_in_dim3A = vector.broadcast %jit3A : f32 to vector<1024x192xf32>
    %broadcast_in_dim3A_5 = vector.broadcast %jit3A_4 : f32 to vector<1024x192xf32>
    %select_n3A = arith.select %ge3A_3, %broadcast_in_dim3A, %broadcast_in_dim3A_5 : vector<1024x192xi1>, vector<1024x192xf32>
    %swap3A = arith.constant 0 : index
    %swap3A_6 = arith.constant 0 : index
    %swap3A_7 = vector.load %arg8[%swap3A, %swap3A_6] : memref<4096x192xf32, #tpu.memory_space<vmem>>, vector<1024x192xf32>
    tpu.vector_store %arg8[%swap3A, %swap3A_6], %select_n3A {strides = array<i32>} : memref<4096x192xf32, #tpu.memory_space<vmem>>, vector<1024x192xf32>,
    %jit3A_8 = arith.constant 0.000000e+00 : f32
    %broadcast_in_dim3A_9 = vector.broadcast %jit3A_8 : f32 to vector<1024x192xf32>
    %select_n3A_10 = arith.select %ge3A_3, %broadcast_in_dim3A_9, %slice3A : vector<1024x192xi1>, vector<1024x192xf32>
    %slice3A_11 = vector.extract_strided_slice %get3A_1 {offsets = [1024, 0], sizes = [1024, 192], strides = [1, 1]} : vector<4096x192xf32> to vector<1024x192xf32>
    %mul3A = arith.constant 5.000000e-01 : f32
    %mul3A_12 = vector.broadcast %mul3A : f32 to vector<1024x192xf32>
    %mul3A_13 = arith.mulf %mul3A_12, %select_n3A_10 : vector<1024x192xf32>
    %add3A = arith.addf %mul3A_13, %slice3A_11 : vector<1024x192xf32>
    %ge3A_14 = arith.constant 2.000000e+00 : f32
    %ge3A_15 = vector.broadcast %ge3A_14 : f32 to vector<1024x192xf32>
    %ge3A_16 = arith.cmpf oge, %add3A, %ge3A_15 : vector<1024x192xf32>
    %jit3A_17 = arith.constant 1.000000e+00 : f32
    %jit3A_18 = arith.constant 0.000000e+00 : f32
    %broadcast_in_dim3A_19 = vector.broadcast %jit3A_17 : f32 to vector<1024x192xf32>
    %broadcast_in_dim3A_20 = vector.broadcast %jit3A_18 : f32 to vector<1024x192xf32>
    %select_n3A_21 = arith.select %ge3A_16, %broadcast_in_dim3A_19, %broadcast_in_dim3A_20 : vector<1024x192xi1>, vector<1024x192xf32>
    %swap3A_22 = arith.constant 1024 : index
    %swap3A_23 = arith.constant 0 : index
    %swap3A_24 = vector.load %arg8[%swap3A_22, %swap3A_23] : memref<4096x192xf32, #tpu.memory_space<vmem>>, vector<1024x192xf32>
    tpu.vector_store %arg8[%swap3A_22, %swap3A_23], %select_n3A_21 {strides = array<i32>} : memref<4096x192xf32, #tpu.memory_space<vmem>>, vector<1024x192xf32>,
    %jit3A_25 = arith.constant 0.000000e+00 : f32
    %broadcast_in_dim3A_26 = vector.broadcast %jit3A_25 : f32 to vector<1024x192xf32>
    %select_n3A_27 = arith.select %ge3A_16, %broadcast_in_dim3A_26, %add3A : vector<1024x192xi1>, vector<1024x192xf32>
    %slice3A_28 = vector.extract_strided_slice %get3A_1 {offsets = [2048, 0], sizes = [1024, 192], strides = [1, 1]} : vector<4096x192xf32> to vector<1024x192xf32>
    %mul3A_29 = arith.constant 5.000000e-01 : f32
    %mul3A_30 = vector.broadcast %mul3A_29 : f32 to vector<1024x192xf32>
    %mul3A_31 = arith.mulf %mul3A_30, %select_n3A_27 : vector<1024x192xf32>
    %add3A_32 = arith.addf %mul3A_31, %slice3A_28 : vector<1024x192xf32>
    %ge3A_33 = arith.constant 2.000000e+00 : f32
    %ge3A_34 = vector.broadcast %ge3A_33 : f32 to vector<1024x192xf32>
    %ge3A_35 = arith.cmpf oge, %add3A_32, %ge3A_34 : vector<1024x192xf32>
    %jit3A_36 = arith.constant 1.000000e+00 : f32
    %jit3A_37 = arith.constant 0.000000e+00 : f32
    %broadcast_in_dim3A_38 = vector.broadcast %jit3A_36 : f32 to vector<1024x192xf32>
    %broadcast_in_dim3A_39 = vector.broadcast %jit3A_37 : f32 to vector<1024x192xf32>
    %select_n3A_40 = arith.select %ge3A_35, %broadcast_in_dim3A_38, %broadcast_in_dim3A_39 : vector<1024x192xi1>, vector<1024x192xf32>
    %swap3A_41 = arith.constant 2048 : index
    %swap3A_42 = arith.constant 0 : index
    %swap3A_43 = vector.load %arg8[%swap3A_41, %swap3A_42] : memref<4096x192xf32, #tpu.memory_space<vmem>>, vector<1024x192xf32>
    tpu.vector_store %arg8[%swap3A_41, %swap3A_42], %select_n3A_40 {strides = array<i32>} : memref<4096x192xf32, #tpu.memory_space<vmem>>, vector<1024x192xf32>,
    %jit3A_44 = arith.constant 0.000000e+00 : f32
    %broadcast_in_dim3A_45 = vector.broadcast %jit3A_44 : f32 to vector<1024x192xf32>
    %select_n3A_46 = arith.select %ge3A_35, %broadcast_in_dim3A_45, %add3A_32 : vector<1024x192xi1>, vector<1024x192xf32>
    %slice3A_47 = vector.extract_strided_slice %get3A_1 {offsets = [3072, 0], sizes = [1024, 192], strides = [1, 1]} : vector<4096x192xf32> to vector<1024x192xf32>
    %mul3A_48 = arith.constant 5.000000e-01 : f32
    %mul3A_49 = vector.broadcast %mul3A_48 : f32 to vector<1024x192xf32>
    %mul3A_50 = arith.mulf %mul3A_49, %select_n3A_46 : vector<1024x192xf32>
    %add3A_51 = arith.addf %mul3A_50, %slice3A_47 : vector<1024x192xf32>
    %ge3A_52 = arith.constant 2.000000e+00 : f32
    %ge3A_53 = vector.broadcast %ge3A_52 : f32 to vector<1024x192xf32>
    %ge3A_54 = arith.cmpf oge, %add3A_51, %ge3A_53 : vector<1024x192xf32>
    %jit3A_55 = arith.constant 1.000000e+00 : f32
    %jit3A_56 = arith.constant 0.000000e+00 : f32
    %broadcast_in_dim3A_57 = vector.broadcast %jit3A_55 : f32 to vector<1024x192xf32>
    %broadcast_in_dim3A_58 = vector.broadcast %jit3A_56 : f32 to vector<1024x192xf32>
    %select_n3A_59 = arith.select %ge3A_54, %broadcast_in_dim3A_57, %broadcast_in_dim3A_58 : vector<1024x192xi1>, vector<1024x192xf32>
    %swap3A_60 = arith.constant 3072 : index
    %swap3A_61 = arith.constant 0 : index
    %swap3A_62 = vector.load %arg8[%swap3A_60, %swap3A_61] : memref<4096x192xf32, #tpu.memory_space<vmem>>, vector<1024x192xf32>
    tpu.vector_store %arg8[%swap3A_60, %swap3A_61], %select_n3A_59 {strides = array<i32>} : memref<4096x192xf32, #tpu.memory_space<vmem>>, vector<1024x192xf32>,
    %get3A_63 = arith.constant 0 : index
    %get3A_64 = arith.constant 0 : index
    %get3A_65 = vector.load %arg8[%get3A_63, %get3A_64] : memref<4096x192xf32, #tpu.memory_space<vmem>>, vector<4096x192xf32>
    %get3A_66 = arith.constant 0 : index
    %get3A_67 = arith.constant 0 : index
    %get3A_68 = vector.load %arg1[%get3A_66, %get3A_67] : memref<192x192xf32, #tpu.memory_space<vmem>>, vector<192x192xf32>
    %dot_general3A = arith.constant dense<0.000000e+00> : vector<4096x192xf32>
    %dot_general3A_69 = tpu.matmul %get3A_65, %get3A_68, %dot_general3A {dimension_numbers = #tpu.dot_dimension_numbers<[1], [1], [0], [0], [0, 0, 1, 0], [], []>, transpose_lhs_hint = false} : vector<4096x192xf32>, vector<192x192xf32>, vector<4096x192xf32> -> vector<4096x192xf32>
    %get3A_70 = arith.constant 0 : index
    %get3A_71 = arith.constant 0 : index
    %get3A_72 = vector.load %arg2[%get3A_70, %get3A_71] : memref<192x192xf32, #tpu.memory_space<vmem>>, vector<192x192xf32>
    %dot_general3A_73 = arith.constant dense<0.000000e+00> : vector<4096x192xf32>
    %dot_general3A_74 = tpu.matmul %get3A_65, %get3A_72, %dot_general3A_73 {dimension_numbers = #tpu.dot_dimension_numbers<[1], [1], [0], [0], [0, 0, 1, 0], [], []>, transpose_lhs_hint = false} : vector<4096x192xf32>, vector<192x192xf32>, vector<4096x192xf32> -> vector<4096x192xf32>
    %get3A_75 = arith.constant 0 : index
    %get3A_76 = arith.constant 0 : index
    %get3A_77 = vector.load %arg3[%get3A_75, %get3A_76] : memref<192x192xf32, #tpu.memory_space<vmem>>, vector<192x192xf32>
    %dot_general3A_78 = arith.constant dense<0.000000e+00> : vector<4096x192xf32>
    %dot_general3A_79 = tpu.matmul %get3A_65, %get3A_77, %dot_general3A_78 {dimension_numbers = #tpu.dot_dimension_numbers<[1], [1], [0], [0], [0, 0, 1, 0], [], []>, transpose_lhs_hint = false} : vector<4096x192xf32>, vector<192x192xf32>, vector<4096x192xf32> -> vector<4096x192xf32>
    %concatenate3A = tpu.concatenate %dot_general3A_69, %dot_general3A_74, %dot_general3A_79 in 1 : vector<4096x192xf32>, vector<4096x192xf32>, vector<4096x192xf32> -> vector<4096x576xf32>
    %reduce_sum3A = arith.constant dense<0.000000e+00> : vector<576xf32>
    %reduce_sum3A_80 = vector.multi_reduction <add>, %concatenate3A, %reduce_sum3A [0] : vector<4096x576xf32> to vector<576xf32>
    %broadcast_in_dim3A_81 = vector.shape_cast %reduce_sum3A_80 : vector<576xf32> to vector<1x576xf32>
    %mul3A_82 = arith.constant 2.44140625E-4 : f32
    %mul3A_83 = vector.broadcast %mul3A_82 : f32 to vector<1x576xf32>
    %mul3A_84 = arith.mulf %broadcast_in_dim3A_81, %mul3A_83 : vector<1x576xf32>
    %mul3A_85 = arith.mulf %concatenate3A, %concatenate3A : vector<4096x576xf32>
    %reduce_sum3A_86 = arith.constant dense<0.000000e+00> : vector<576xf32>
    %reduce_sum3A_87 = vector.multi_reduction <add>, %mul3A_85, %reduce_sum3A_86 [0] : vector<4096x576xf32> to vector<576xf32>
    %broadcast_in_dim3A_88 = vector.shape_cast %reduce_sum3A_87 : vector<576xf32> to vector<1x576xf32>
    %mul3A_89 = arith.constant 2.44140625E-4 : f32
    %mul3A_90 = vector.broadcast %mul3A_89 : f32 to vector<1x576xf32>
    %mul3A_91 = arith.mulf %broadcast_in_dim3A_88, %mul3A_90 : vector<1x576xf32>
    %mul3A_92 = arith.mulf %mul3A_84, %mul3A_84 : vector<1x576xf32>
    %sub3A = arith.subf %mul3A_91, %mul3A_92 : vector<1x576xf32>
    %add3A_93 = arith.constant 9.99999974E-6 : f32
    %add3A_94 = vector.broadcast %add3A_93 : f32 to vector<1x576xf32>
    %add3A_95 = arith.addf %sub3A, %add3A_94 : vector<1x576xf32>
    %rsqrt3A = math.rsqrt %add3A_95 : vector<1x576xf32>
    %neg3A = arith.constant 0.000000e+00 : f32
    %neg3A_96 = vector.broadcast %neg3A : f32 to vector<1x576xf32>
    %neg3A_97 = arith.subf %neg3A_96, %mul3A_84 : vector<1x576xf32>
    %mul3A_98 = arith.mulf %neg3A_97, %rsqrt3A : vector<1x576xf32>
    %mul3A_99 = arith.constant 5.000000e-01 : f32
    %mul3A_100 = vector.broadcast %mul3A_99 : f32 to vector<1x576xf32>
    %mul3A_101 = arith.mulf %mul3A_100, %rsqrt3A : vector<1x576xf32>
    %sub3A_102 = arith.constant 1.000000e+00 : f32
    %sub3A_103 = vector.broadcast %sub3A_102 : f32 to vector<1x576xf32>
    %sub3A_104 = arith.subf %sub3A_103, %mul3A_98 : vector<1x576xf32>
    %div3A = arith.divf %sub3A_104, %mul3A_101 : vector<1x576xf32>
    %neg3A_105 = arith.constant 0.000000e+00 : f32
    %neg3A_106 = vector.broadcast %neg3A_105 : f32 to vector<1x576xf32>
    %neg3A_107 = arith.subf %neg3A_106, %mul3A_101 : vector<1x576xf32>
    %div3A_108 = arith.divf %mul3A_98, %neg3A_107 : vector<1x576xf32>
    %mul3A_109 = arith.constant 5.000000e-01 : f32
    %mul3A_110 = vector.broadcast %mul3A_109 : f32 to vector<1x576xf32>
    %mul3A_111 = arith.mulf %mul3A_110, %div3A_108 : vector<1x576xf32>
    %slice3A_112 = vector.extract_strided_slice %concatenate3A {offsets = [0, 0], sizes = [1024, 576], strides = [1, 1]} : vector<4096x576xf32> to vector<1024x576xf32>
    %add3A_113 = vector.broadcast %mul3A_111 : vector<1x576xf32> to vector<1024x576xf32>
    %add3A_114 = arith.addf %add3A_113, %slice3A_112 : vector<1024x576xf32>
    %ge3A_115 = vector.broadcast %div3A : vector<1x576xf32> to vector<1024x576xf32>
    %ge3A_116 = arith.cmpf oge, %add3A_114, %ge3A_115 : vector<1024x576xf32>
    %jit3A_117 = arith.constant 1.000000e+00 : f32
    %jit3A_118 = arith.constant 0.000000e+00 : f32
    %broadcast_in_dim3A_119 = vector.broadcast %jit3A_117 : f32 to vector<1024x576xf32>
    %broadcast_in_dim3A_120 = vector.broadcast %jit3A_118 : f32 to vector<1024x576xf32>
    %select_n3A_121 = arith.select %ge3A_116, %broadcast_in_dim3A_119, %broadcast_in_dim3A_120 : vector<1024x576xi1>, vector<1024x576xf32>
    %swap3A_122 = arith.constant 0 : index
    %swap3A_123 = arith.constant 0 : index
    %swap3A_124 = vector.load %arg9[%swap3A_122, %swap3A_123] : memref<4096x576xf32, #tpu.memory_space<vmem>>, vector<1024x576xf32>
    tpu.vector_store %arg9[%swap3A_122, %swap3A_123], %select_n3A_121 {strides = array<i32>} : memref<4096x576xf32, #tpu.memory_space<vmem>>, vector<1024x576xf32>,
    %broadcast_in_dim3A_125 = vector.shape_cast %div3A_108 : vector<1x576xf32> to vector<1x576xf32>
    %broadcast_in_dim3A_126 = vector.broadcast %broadcast_in_dim3A_125 : vector<1x576xf32> to vector<1024x576xf32>
    %select_n3A_127 = arith.select %ge3A_116, %broadcast_in_dim3A_126, %add3A_114 : vector<1024x576xi1>, vector<1024x576xf32>
    %slice3A_128 = vector.extract_strided_slice %concatenate3A {offsets = [1024, 0], sizes = [1024, 576], strides = [1, 1]} : vector<4096x576xf32> to vector<1024x576xf32>
    %mul3A_129 = arith.constant 5.000000e-01 : f32
    %mul3A_130 = vector.broadcast %mul3A_129 : f32 to vector<1024x576xf32>
    %mul3A_131 = arith.mulf %mul3A_130, %select_n3A_127 : vector<1024x576xf32>
    %add3A_132 = arith.addf %mul3A_131, %slice3A_128 : vector<1024x576xf32>
    %ge3A_133 = vector.broadcast %div3A : vector<1x576xf32> to vector<1024x576xf32>
    %ge3A_134 = arith.cmpf oge, %add3A_132, %ge3A_133 : vector<1024x576xf32>
    %jit3A_135 = arith.constant 1.000000e+00 : f32
    %jit3A_136 = arith.constant 0.000000e+00 : f32
    %broadcast_in_dim3A_137 = vector.broadcast %jit3A_135 : f32 to vector<1024x576xf32>
    %broadcast_in_dim3A_138 = vector.broadcast %jit3A_136 : f32 to vector<1024x576xf32>
    %select_n3A_139 = arith.select %ge3A_134, %broadcast_in_dim3A_137, %broadcast_in_dim3A_138 : vector<1024x576xi1>, vector<1024x576xf32>
    %swap3A_140 = arith.constant 1024 : index
    %swap3A_141 = arith.constant 0 : index
    %swap3A_142 = vector.load %arg9[%swap3A_140, %swap3A_141] : memref<4096x576xf32, #tpu.memory_space<vmem>>, vector<1024x576xf32>
    tpu.vector_store %arg9[%swap3A_140, %swap3A_141], %select_n3A_139 {strides = array<i32>} : memref<4096x576xf32, #tpu.memory_space<vmem>>, vector<1024x576xf32>,
    %broadcast_in_dim3A_143 = vector.shape_cast %div3A_108 : vector<1x576xf32> to vector<1x576xf32>
    %broadcast_in_dim3A_144 = vector.broadcast %broadcast_in_dim3A_143 : vector<1x576xf32> to vector<1024x576xf32>
    %select_n3A_145 = arith.select %ge3A_134, %broadcast_in_dim3A_144, %add3A_132 : vector<1024x576xi1>, vector<1024x576xf32>
    %slice3A_146 = vector.extract_strided_slice %concatenate3A {offsets = [2048, 0], sizes = [1024, 576], strides = [1, 1]} : vector<4096x576xf32> to vector<1024x576xf32>
    %mul3A_147 = arith.constant 5.000000e-01 : f32
    %mul3A_148 = vector.broadcast %mul3A_147 : f32 to vector<1024x576xf32>
    %mul3A_149 = arith.mulf %mul3A_148, %select_n3A_145 : vector<1024x576xf32>
    %add3A_150 = arith.addf %mul3A_149, %slice3A_146 : vector<1024x576xf32>
    %ge3A_151 = vector.broadcast %div3A : vector<1x576xf32> to vector<1024x576xf32>
    %ge3A_152 = arith.cmpf oge, %add3A_150, %ge3A_151 : vector<1024x576xf32>
    %jit3A_153 = arith.constant 1.000000e+00 : f32
    %jit3A_154 = arith.constant 0.000000e+00 : f32
    %broadcast_in_dim3A_155 = vector.broadcast %jit3A_153 : f32 to vector<1024x576xf32>
    %broadcast_in_dim3A_156 = vector.broadcast %jit3A_154 : f32 to vector<1024x576xf32>
    %select_n3A_157 = arith.select %ge3A_152, %broadcast_in_dim3A_155, %broadcast_in_dim3A_156 : vector<1024x576xi1>, vector<1024x576xf32>
    %swap3A_158 = arith.constant 2048 : index
    %swap3A_159 = arith.constant 0 : index
    %swap3A_160 = vector.load %arg9[%swap3A_158, %swap3A_159] : memref<4096x576xf32, #tpu.memory_space<vmem>>, vector<1024x576xf32>
    tpu.vector_store %arg9[%swap3A_158, %swap3A_159], %select_n3A_157 {strides = array<i32>} : memref<4096x576xf32, #tpu.memory_space<vmem>>, vector<1024x576xf32>,
    %broadcast_in_dim3A_161 = vector.shape_cast %div3A_108 : vector<1x576xf32> to vector<1x576xf32>
    %broadcast_in_dim3A_162 = vector.broadcast %broadcast_in_dim3A_161 : vector<1x576xf32> to vector<1024x576xf32>
    %select_n3A_163 = arith.select %ge3A_152, %broadcast_in_dim3A_162, %add3A_150 : vector<1024x576xi1>, vector<1024x576xf32>
    %slice3A_164 = vector.extract_strided_slice %concatenate3A {offsets = [3072, 0], sizes = [1024, 576], strides = [1, 1]} : vector<4096x576xf32> to vector<1024x576xf32>
    %mul3A_165 = arith.constant 5.000000e-01 : f32
    %mul3A_166 = vector.broadcast %mul3A_165 : f32 to vector<1024x576xf32>
    %mul3A_167 = arith.mulf %mul3A_166, %select_n3A_163 : vector<1024x576xf32>
    %add3A_168 = arith.addf %mul3A_167, %slice3A_164 : vector<1024x576xf32>
    %ge3A_169 = vector.broadcast %div3A : vector<1x576xf32> to vector<1024x576xf32>
    %ge3A_170 = arith.cmpf oge, %add3A_168, %ge3A_169 : vector<1024x576xf32>
    %jit3A_171 = arith.constant 1.000000e+00 : f32
    %jit3A_172 = arith.constant 0.000000e+00 : f32
    %broadcast_in_dim3A_173 = vector.broadcast %jit3A_171 : f32 to vector<1024x576xf32>
    %broadcast_in_dim3A_174 = vector.broadcast %jit3A_172 : f32 to vector<1024x576xf32>
    %select_n3A_175 = arith.select %ge3A_170, %broadcast_in_dim3A_173, %broadcast_in_dim3A_174 : vector<1024x576xi1>, vector<1024x576xf32>
    %swap3A_176 = arith.constant 3072 : index
    %swap3A_177 = arith.constant 0 : index
    %swap3A_178 = vector.load %arg9[%swap3A_176, %swap3A_177] : memref<4096x576xf32, #tpu.memory_space<vmem>>, vector<1024x576xf32>
    tpu.vector_store %arg9[%swap3A_176, %swap3A_177], %select_n3A_175 {strides = array<i32>} : memref<4096x576xf32, #tpu.memory_space<vmem>>, vector<1024x576xf32>,
    %scan3A = arith.constant 0 : i32
    %scan3A_179 = arith.constant 16 : i32
    %scan3A_180 = arith.addi %scan3A, %scan3A_179 : i32
    %scan3A_181 = arith.constant 1 : i32
    scf.for %scan3A_370 = %scan3A to %scan3A_180 step %scan3A_181  : i32 {
      %mul3A_371 = arith.constant 256 : i32
      %mul3A_372 = arith.muli %scan3A_370, %mul3A_371 : i32
      %get3A_373 = arith.index_cast %mul3A_372 : i32 to index
      %get3A_374 = arith.constant 0 : index
      %get3A_375 = vector.load %arg9[%get3A_373, %get3A_374] : memref<4096x576xf32, #tpu.memory_space<vmem>>, vector<256x576xf32>
      %slice3A_376 = vector.extract_strided_slice %get3A_375 {offsets = [0, 0], sizes = [256, 24], strides = [1, 1]} : vector<256x576xf32> to vector<256x24xf32>
      %slice3A_377 = vector.extract_strided_slice %get3A_375 {offsets = [0, 192], sizes = [256, 24], strides = [1, 1]} : vector<256x576xf32> to vector<256x24xf32>
      %dot_general3A_378 = arith.constant dense<0.000000e+00> : vector<256x256xf32>
      %dot_general3A_379 = tpu.matmul %slice3A_376, %slice3A_377, %dot_general3A_378 {dimension_numbers = #tpu.dot_dimension_numbers<[1], [1], [0], [0], [0, 0, 1, 0], [], []>, transpose_lhs_hint = false} : vector<256x24xf32>, vector<256x24xf32>, vector<256x256xf32> -> vector<256x256xf32>
      %mul3A_380 = arith.constant 1.250000e-01 : f32
      %mul3A_381 = vector.broadcast %mul3A_380 : f32 to vector<256x256xf32>
      %mul3A_382 = arith.mulf %dot_general3A_379, %mul3A_381 : vector<256x256xf32>
      %slice3A_383 = vector.extract_strided_slice %get3A_375 {offsets = [0, 384], sizes = [256, 24], strides = [1, 1]} : vector<256x576xf32> to vector<256x24xf32>
      %dot_general3A_384 = arith.constant dense<0.000000e+00> : vector<256x24xf32>
      %dot_general3A_385 = tpu.matmul %mul3A_382, %slice3A_383, %dot_general3A_384 {dimension_numbers = #tpu.dot_dimension_numbers<[1], [0], [0], [1], [0, 0, 1, 1], [], []>, transpose_lhs_hint = false} : vector<256x256xf32>, vector<256x24xf32>, vector<256x24xf32> -> vector<256x24xf32>
      %slice3A_386 = vector.extract_strided_slice %get3A_375 {offsets = [0, 24], sizes = [256, 24], strides = [1, 1]} : vector<256x576xf32> to vector<256x24xf32>
      %slice3A_387 = vector.extract_strided_slice %get3A_375 {offsets = [0, 216], sizes = [256, 24], strides = [1, 1]} : vector<256x576xf32> to vector<256x24xf32>
      %dot_general3A_388 = arith.constant dense<0.000000e+00> : vector<256x256xf32>
      %dot_general3A_389 = tpu.matmul %slice3A_386, %slice3A_387, %dot_general3A_388 {dimension_numbers = #tpu.dot_dimension_numbers<[1], [1], [0], [0], [0, 0, 1, 0], [], []>, transpose_lhs_hint = false} : vector<256x24xf32>, vector<256x24xf32>, vector<256x256xf32> -> vector<256x256xf32>
      %mul3A_390 = arith.constant 1.250000e-01 : f32
      %mul3A_391 = vector.broadcast %mul3A_390 : f32 to vector<256x256xf32>
      %mul3A_392 = arith.mulf %dot_general3A_389, %mul3A_391 : vector<256x256xf32>
      %slice3A_393 = vector.extract_strided_slice %get3A_375 {offsets = [0, 408], sizes = [256, 24], strides = [1, 1]} : vector<256x576xf32> to vector<256x24xf32>
      %dot_general3A_394 = arith.constant dense<0.000000e+00> : vector<256x24xf32>
      %dot_general3A_395 = tpu.matmul %mul3A_392, %slice3A_393, %dot_general3A_394 {dimension_numbers = #tpu.dot_dimension_numbers<[1], [0], [0], [1], [0, 0, 1, 1], [], []>, transpose_lhs_hint = false} : vector<256x256xf32>, vector<256x24xf32>, vector<256x24xf32> -> vector<256x24xf32>
      %slice3A_396 = vector.extract_strided_slice %get3A_375 {offsets = [0, 48], sizes = [256, 24], strides = [1, 1]} : vector<256x576xf32> to vector<256x24xf32>
      %slice3A_397 = vector.extract_strided_slice %get3A_375 {offsets = [0, 240], sizes = [256, 24], strides = [1, 1]} : vector<256x576xf32> to vector<256x24xf32>
      %dot_general3A_398 = arith.constant dense<0.000000e+00> : vector<256x256xf32>
      %dot_general3A_399 = tpu.matmul %slice3A_396, %slice3A_397, %dot_general3A_398 {dimension_numbers = #tpu.dot_dimension_numbers<[1], [1], [0], [0], [0, 0, 1, 0], [], []>, transpose_lhs_hint = false} : vector<256x24xf32>, vector<256x24xf32>, vector<256x256xf32> -> vector<256x256xf32>
      %mul3A_400 = arith.constant 1.250000e-01 : f32
      %mul3A_401 = vector.broadcast %mul3A_400 : f32 to vector<256x256xf32>
      %mul3A_402 = arith.mulf %dot_general3A_399, %mul3A_401 : vector<256x256xf32>
      %slice3A_403 = vector.extract_strided_slice %get3A_375 {offsets = [0, 432], sizes = [256, 24], strides = [1, 1]} : vector<256x576xf32> to vector<256x24xf32>
      %dot_general3A_404 = arith.constant dense<0.000000e+00> : vector<256x24xf32>
      %dot_general3A_405 = tpu.matmul %mul3A_402, %slice3A_403, %dot_general3A_404 {dimension_numbers = #tpu.dot_dimension_numbers<[1], [0], [0], [1], [0, 0, 1, 1], [], []>, transpose_lhs_hint = false} : vector<256x256xf32>, vector<256x24xf32>, vector<256x24xf32> -> vector<256x24xf32>
      %slice3A_406 = vector.extract_strided_slice %get3A_375 {offsets = [0, 72], sizes = [256, 24], strides = [1, 1]} : vector<256x576xf32> to vector<256x24xf32>
      %slice3A_407 = vector.extract_strided_slice %get3A_375 {offsets = [0, 264], sizes = [256, 24], strides = [1, 1]} : vector<256x576xf32> to vector<256x24xf32>
      %dot_general3A_408 = arith.constant dense<0.000000e+00> : vector<256x256xf32>
      %dot_general3A_409 = tpu.matmul %slice3A_406, %slice3A_407, %dot_general3A_408 {dimension_numbers = #tpu.dot_dimension_numbers<[1], [1], [0], [0], [0, 0, 1, 0], [], []>, transpose_lhs_hint = false} : vector<256x24xf32>, vector<256x24xf32>, vector<256x256xf32> -> vector<256x256xf32>
      %mul3A_410 = arith.constant 1.250000e-01 : f32
      %mul3A_411 = vector.broadcast %mul3A_410 : f32 to vector<256x256xf32>
      %mul3A_412 = arith.mulf %dot_general3A_409, %mul3A_411 : vector<256x256xf32>
      %slice3A_413 = vector.extract_strided_slice %get3A_375 {offsets = [0, 456], sizes = [256, 24], strides = [1, 1]} : vector<256x576xf32> to vector<256x24xf32>
      %dot_general3A_414 = arith.constant dense<0.000000e+00> : vector<256x24xf32>
      %dot_general3A_415 = tpu.matmul %mul3A_412, %slice3A_413, %dot_general3A_414 {dimension_numbers = #tpu.dot_dimension_numbers<[1], [0], [0], [1], [0, 0, 1, 1], [], []>, transpose_lhs_hint = false} : vector<256x256xf32>, vector<256x24xf32>, vector<256x24xf32> -> vector<256x24xf32>
      %slice3A_416 = vector.extract_strided_slice %get3A_375 {offsets = [0, 96], sizes = [256, 24], strides = [1, 1]} : vector<256x576xf32> to vector<256x24xf32>
      %slice3A_417 = vector.extract_strided_slice %get3A_375 {offsets = [0, 288], sizes = [256, 24], strides = [1, 1]} : vector<256x576xf32> to vector<256x24xf32>
      %dot_general3A_418 = arith.constant dense<0.000000e+00> : vector<256x256xf32>
      %dot_general3A_419 = tpu.matmul %slice3A_416, %slice3A_417, %dot_general3A_418 {dimension_numbers = #tpu.dot_dimension_numbers<[1], [1], [0], [0], [0, 0, 1, 0], [], []>, transpose_lhs_hint = false} : vector<256x24xf32>, vector<256x24xf32>, vector<256x256xf32> -> vector<256x256xf32>
      %mul3A_420 = arith.constant 1.250000e-01 : f32
      %mul3A_421 = vector.broadcast %mul3A_420 : f32 to vector<256x256xf32>
      %mul3A_422 = arith.mulf %dot_general3A_419, %mul3A_421 : vector<256x256xf32>
      %slice3A_423 = vector.extract_strided_slice %get3A_375 {offsets = [0, 480], sizes = [256, 24], strides = [1, 1]} : vector<256x576xf32> to vector<256x24xf32>
      %dot_general3A_424 = arith.constant dense<0.000000e+00> : vector<256x24xf32>
      %dot_general3A_425 = tpu.matmul %mul3A_422, %slice3A_423, %dot_general3A_424 {dimension_numbers = #tpu.dot_dimension_numbers<[1], [0], [0], [1], [0, 0, 1, 1], [], []>, transpose_lhs_hint = false} : vector<256x256xf32>, vector<256x24xf32>, vector<256x24xf32> -> vector<256x24xf32>
      %slice3A_426 = vector.extract_strided_slice %get3A_375 {offsets = [0, 120], sizes = [256, 24], strides = [1, 1]} : vector<256x576xf32> to vector<256x24xf32>
      %slice3A_427 = vector.extract_strided_slice %get3A_375 {offsets = [0, 312], sizes = [256, 24], strides = [1, 1]} : vector<256x576xf32> to vector<256x24xf32>
      %dot_general3A_428 = arith.constant dense<0.000000e+00> : vector<256x256xf32>
      %dot_general3A_429 = tpu.matmul %slice3A_426, %slice3A_427, %dot_general3A_428 {dimension_numbers = #tpu.dot_dimension_numbers<[1], [1], [0], [0], [0, 0, 1, 0], [], []>, transpose_lhs_hint = false} : vector<256x24xf32>, vector<256x24xf32>, vector<256x256xf32> -> vector<256x256xf32>
      %mul3A_430 = arith.constant 1.250000e-01 : f32
      %mul3A_431 = vector.broadcast %mul3A_430 : f32 to vector<256x256xf32>
      %mul3A_432 = arith.mulf %dot_general3A_429, %mul3A_431 : vector<256x256xf32>
      %slice3A_433 = vector.extract_strided_slice %get3A_375 {offsets = [0, 504], sizes = [256, 24], strides = [1, 1]} : vector<256x576xf32> to vector<256x24xf32>
      %dot_general3A_434 = arith.constant dense<0.000000e+00> : vector<256x24xf32>
      %dot_general3A_435 = tpu.matmul %mul3A_432, %slice3A_433, %dot_general3A_434 {dimension_numbers = #tpu.dot_dimension_numbers<[1], [0], [0], [1], [0, 0, 1, 1], [], []>, transpose_lhs_hint = false} : vector<256x256xf32>, vector<256x24xf32>, vector<256x24xf32> -> vector<256x24xf32>
      %slice3A_436 = vector.extract_strided_slice %get3A_375 {offsets = [0, 144], sizes = [256, 24], strides = [1, 1]} : vector<256x576xf32> to vector<256x24xf32>
      %slice3A_437 = vector.extract_strided_slice %get3A_375 {offsets = [0, 336], sizes = [256, 24], strides = [1, 1]} : vector<256x576xf32> to vector<256x24xf32>
      %dot_general3A_438 = arith.constant dense<0.000000e+00> : vector<256x256xf32>
      %dot_general3A_439 = tpu.matmul %slice3A_436, %slice3A_437, %dot_general3A_438 {dimension_numbers = #tpu.dot_dimension_numbers<[1], [1], [0], [0], [0, 0, 1, 0], [], []>, transpose_lhs_hint = false} : vector<256x24xf32>, vector<256x24xf32>, vector<256x256xf32> -> vector<256x256xf32>
      %mul3A_440 = arith.constant 1.250000e-01 : f32
      %mul3A_441 = vector.broadcast %mul3A_440 : f32 to vector<256x256xf32>
      %mul3A_442 = arith.mulf %dot_general3A_439, %mul3A_441 : vector<256x256xf32>
      %slice3A_443 = vector.extract_strided_slice %get3A_375 {offsets = [0, 528], sizes = [256, 24], strides = [1, 1]} : vector<256x576xf32> to vector<256x24xf32>
      %dot_general3A_444 = arith.constant dense<0.000000e+00> : vector<256x24xf32>
      %dot_general3A_445 = tpu.matmul %mul3A_442, %slice3A_443, %dot_general3A_444 {dimension_numbers = #tpu.dot_dimension_numbers<[1], [0], [0], [1], [0, 0, 1, 1], [], []>, transpose_lhs_hint = false} : vector<256x256xf32>, vector<256x24xf32>, vector<256x24xf32> -> vector<256x24xf32>
      %slice3A_446 = vector.extract_strided_slice %get3A_375 {offsets = [0, 168], sizes = [256, 24], strides = [1, 1]} : vector<256x576xf32> to vector<256x24xf32>
      %slice3A_447 = vector.extract_strided_slice %get3A_375 {offsets = [0, 360], sizes = [256, 24], strides = [1, 1]} : vector<256x576xf32> to vector<256x24xf32>
      %dot_general3A_448 = arith.constant dense<0.000000e+00> : vector<256x256xf32>
      %dot_general3A_449 = tpu.matmul %slice3A_446, %slice3A_447, %dot_general3A_448 {dimension_numbers = #tpu.dot_dimension_numbers<[1], [1], [0], [0], [0, 0, 1, 0], [], []>, transpose_lhs_hint = false} : vector<256x24xf32>, vector<256x24xf32>, vector<256x256xf32> -> vector<256x256xf32>
      %mul3A_450 = arith.constant 1.250000e-01 : f32
      %mul3A_451 = vector.broadcast %mul3A_450 : f32 to vector<256x256xf32>
      %mul3A_452 = arith.mulf %dot_general3A_449, %mul3A_451 : vector<256x256xf32>
      %slice3A_453 = vector.extract_strided_slice %get3A_375 {offsets = [0, 552], sizes = [256, 24], strides = [1, 1]} : vector<256x576xf32> to vector<256x24xf32>
      %dot_general3A_454 = arith.constant dense<0.000000e+00> : vector<256x24xf32>
      %dot_general3A_455 = tpu.matmul %mul3A_452, %slice3A_453, %dot_general3A_454 {dimension_numbers = #tpu.dot_dimension_numbers<[1], [0], [0], [1], [0, 0, 1, 1], [], []>, transpose_lhs_hint = false} : vector<256x256xf32>, vector<256x24xf32>, vector<256x24xf32> -> vector<256x24xf32>
      %concatenate3A_456 = tpu.concatenate %dot_general3A_385, %dot_general3A_395, %dot_general3A_405, %dot_general3A_415, %dot_general3A_425, %dot_general3A_435, %dot_general3A_445, %dot_general3A_455 in 1 : vector<256x24xf32>, vector<256x24xf32>, vector<256x24xf32>, vector<256x24xf32>, vector<256x24xf32>, vector<256x24xf32>, vector<256x24xf32>, vector<256x24xf32> -> vector<256x192xf32>
      %swap3A_457 = arith.index_cast %mul3A_372 : i32 to index
      %swap3A_458 = arith.constant 0 : index
      %swap3A_459 = vector.load %arg10[%swap3A_457, %swap3A_458] : memref<4096x192xf32, #tpu.memory_space<vmem>>, vector<256x192xf32>
      tpu.vector_store %arg10[%swap3A_457, %swap3A_458], %concatenate3A_456 {strides = array<i32>} : memref<4096x192xf32, #tpu.memory_space<vmem>>, vector<256x192xf32>,
    }
    %scan3A_182 = arith.constant 16 : i32
    %get3A_183 = arith.constant 0 : index
    %get3A_184 = arith.constant 0 : index
    %get3A_185 = vector.load %arg10[%get3A_183, %get3A_184] : memref<4096x192xf32, #tpu.memory_space<vmem>>, vector<4096x192xf32>
    %slice3A_186 = vector.extract_strided_slice %get3A_185 {offsets = [0, 0], sizes = [1024, 192], strides = [1, 1]} : vector<4096x192xf32> to vector<1024x192xf32>
    %ge3A_187 = arith.constant 2.000000e+00 : f32
    %ge3A_188 = vector.broadcast %ge3A_187 : f32 to vector<1024x192xf32>
    %ge3A_189 = arith.cmpf oge, %slice3A_186, %ge3A_188 : vector<1024x192xf32>
    %jit3A_190 = arith.constant 1.000000e+00 : f32
    %jit3A_191 = arith.constant 0.000000e+00 : f32
    %broadcast_in_dim3A_192 = vector.broadcast %jit3A_190 : f32 to vector<1024x192xf32>
    %broadcast_in_dim3A_193 = vector.broadcast %jit3A_191 : f32 to vector<1024x192xf32>
    %select_n3A_194 = arith.select %ge3A_189, %broadcast_in_dim3A_192, %broadcast_in_dim3A_193 : vector<1024x192xi1>, vector<1024x192xf32>
    %swap3A_195 = arith.constant 0 : index
    %swap3A_196 = arith.constant 0 : index
    %swap3A_197 = vector.load %arg8[%swap3A_195, %swap3A_196] : memref<4096x192xf32, #tpu.memory_space<vmem>>, vector<1024x192xf32>
    tpu.vector_store %arg8[%swap3A_195, %swap3A_196], %select_n3A_194 {strides = array<i32>} : memref<4096x192xf32, #tpu.memory_space<vmem>>, vector<1024x192xf32>,
    %jit3A_198 = arith.constant 0.000000e+00 : f32
    %broadcast_in_dim3A_199 = vector.broadcast %jit3A_198 : f32 to vector<1024x192xf32>
    %select_n3A_200 = arith.select %ge3A_189, %broadcast_in_dim3A_199, %slice3A_186 : vector<1024x192xi1>, vector<1024x192xf32>
    %slice3A_201 = vector.extract_strided_slice %get3A_185 {offsets = [1024, 0], sizes = [1024, 192], strides = [1, 1]} : vector<4096x192xf32> to vector<1024x192xf32>
    %mul3A_202 = arith.constant 5.000000e-01 : f32
    %mul3A_203 = vector.broadcast %mul3A_202 : f32 to vector<1024x192xf32>
    %mul3A_204 = arith.mulf %mul3A_203, %select_n3A_200 : vector<1024x192xf32>
    %add3A_205 = arith.addf %mul3A_204, %slice3A_201 : vector<1024x192xf32>
    %ge3A_206 = arith.constant 2.000000e+00 : f32
    %ge3A_207 = vector.broadcast %ge3A_206 : f32 to vector<1024x192xf32>
    %ge3A_208 = arith.cmpf oge, %add3A_205, %ge3A_207 : vector<1024x192xf32>
    %jit3A_209 = arith.constant 1.000000e+00 : f32
    %jit3A_210 = arith.constant 0.000000e+00 : f32
    %broadcast_in_dim3A_211 = vector.broadcast %jit3A_209 : f32 to vector<1024x192xf32>
    %broadcast_in_dim3A_212 = vector.broadcast %jit3A_210 : f32 to vector<1024x192xf32>
    %select_n3A_213 = arith.select %ge3A_208, %broadcast_in_dim3A_211, %broadcast_in_dim3A_212 : vector<1024x192xi1>, vector<1024x192xf32>
    %swap3A_214 = arith.constant 1024 : index
    %swap3A_215 = arith.constant 0 : index
    %swap3A_216 = vector.load %arg8[%swap3A_214, %swap3A_215] : memref<4096x192xf32, #tpu.memory_space<vmem>>, vector<1024x192xf32>
    tpu.vector_store %arg8[%swap3A_214, %swap3A_215], %select_n3A_213 {strides = array<i32>} : memref<4096x192xf32, #tpu.memory_space<vmem>>, vector<1024x192xf32>,
    %jit3A_217 = arith.constant 0.000000e+00 : f32
    %broadcast_in_dim3A_218 = vector.broadcast %jit3A_217 : f32 to vector<1024x192xf32>
    %select_n3A_219 = arith.select %ge3A_208, %broadcast_in_dim3A_218, %add3A_205 : vector<1024x192xi1>, vector<1024x192xf32>
    %slice3A_220 = vector.extract_strided_slice %get3A_185 {offsets = [2048, 0], sizes = [1024, 192], strides = [1, 1]} : vector<4096x192xf32> to vector<1024x192xf32>
    %mul3A_221 = arith.constant 5.000000e-01 : f32
    %mul3A_222 = vector.broadcast %mul3A_221 : f32 to vector<1024x192xf32>
    %mul3A_223 = arith.mulf %mul3A_222, %select_n3A_219 : vector<1024x192xf32>
    %add3A_224 = arith.addf %mul3A_223, %slice3A_220 : vector<1024x192xf32>
    %ge3A_225 = arith.constant 2.000000e+00 : f32
    %ge3A_226 = vector.broadcast %ge3A_225 : f32 to vector<1024x192xf32>
    %ge3A_227 = arith.cmpf oge, %add3A_224, %ge3A_226 : vector<1024x192xf32>
    %jit3A_228 = arith.constant 1.000000e+00 : f32
    %jit3A_229 = arith.constant 0.000000e+00 : f32
    %broadcast_in_dim3A_230 = vector.broadcast %jit3A_228 : f32 to vector<1024x192xf32>
    %broadcast_in_dim3A_231 = vector.broadcast %jit3A_229 : f32 to vector<1024x192xf32>
    %select_n3A_232 = arith.select %ge3A_227, %broadcast_in_dim3A_230, %broadcast_in_dim3A_231 : vector<1024x192xi1>, vector<1024x192xf32>
    %swap3A_233 = arith.constant 2048 : index
    %swap3A_234 = arith.constant 0 : index
    %swap3A_235 = vector.load %arg8[%swap3A_233, %swap3A_234] : memref<4096x192xf32, #tpu.memory_space<vmem>>, vector<1024x192xf32>
    tpu.vector_store %arg8[%swap3A_233, %swap3A_234], %select_n3A_232 {strides = array<i32>} : memref<4096x192xf32, #tpu.memory_space<vmem>>, vector<1024x192xf32>,
    %jit3A_236 = arith.constant 0.000000e+00 : f32
    %broadcast_in_dim3A_237 = vector.broadcast %jit3A_236 : f32 to vector<1024x192xf32>
    %select_n3A_238 = arith.select %ge3A_227, %broadcast_in_dim3A_237, %add3A_224 : vector<1024x192xi1>, vector<1024x192xf32>
    %slice3A_239 = vector.extract_strided_slice %get3A_185 {offsets = [3072, 0], sizes = [1024, 192], strides = [1, 1]} : vector<4096x192xf32> to vector<1024x192xf32>
    %mul3A_240 = arith.constant 5.000000e-01 : f32
    %mul3A_241 = vector.broadcast %mul3A_240 : f32 to vector<1024x192xf32>
    %mul3A_242 = arith.mulf %mul3A_241, %select_n3A_238 : vector<1024x192xf32>
    %add3A_243 = arith.addf %mul3A_242, %slice3A_239 : vector<1024x192xf32>
    %ge3A_244 = arith.constant 2.000000e+00 : f32
    %ge3A_245 = vector.broadcast %ge3A_244 : f32 to vector<1024x192xf32>
    %ge3A_246 = arith.cmpf oge, %add3A_243, %ge3A_245 : vector<1024x192xf32>
    %jit3A_247 = arith.constant 1.000000e+00 : f32
    %jit3A_248 = arith.constant 0.000000e+00 : f32
    %broadcast_in_dim3A_249 = vector.broadcast %jit3A_247 : f32 to vector<1024x192xf32>
    %broadcast_in_dim3A_250 = vector.broadcast %jit3A_248 : f32 to vector<1024x192xf32>
    %select_n3A_251 = arith.select %ge3A_246, %broadcast_in_dim3A_249, %broadcast_in_dim3A_250 : vector<1024x192xi1>, vector<1024x192xf32>
    %swap3A_252 = arith.constant 3072 : index
    %swap3A_253 = arith.constant 0 : index
    %swap3A_254 = vector.load %arg8[%swap3A_252, %swap3A_253] : memref<4096x192xf32, #tpu.memory_space<vmem>>, vector<1024x192xf32>
    tpu.vector_store %arg8[%swap3A_252, %swap3A_253], %select_n3A_251 {strides = array<i32>} : memref<4096x192xf32, #tpu.memory_space<vmem>>, vector<1024x192xf32>,
    %get3A_255 = arith.constant 0 : index
    %get3A_256 = arith.constant 0 : index
    %get3A_257 = vector.load %arg8[%get3A_255, %get3A_256] : memref<4096x192xf32, #tpu.memory_space<vmem>>, vector<4096x192xf32>
    %get3A_258 = arith.constant 0 : index
    %get3A_259 = arith.constant 0 : index
    %get3A_260 = vector.load %arg4[%get3A_258, %get3A_259] : memref<192x192xf32, #tpu.memory_space<vmem>>, vector<192x192xf32>
    %dot_general3A_261 = arith.constant dense<0.000000e+00> : vector<4096x192xf32>
    %dot_general3A_262 = tpu.matmul %get3A_257, %get3A_260, %dot_general3A_261 {dimension_numbers = #tpu.dot_dimension_numbers<[1], [1], [0], [0], [0, 0, 1, 0], [], []>, transpose_lhs_hint = false} : vector<4096x192xf32>, vector<192x192xf32>, vector<4096x192xf32> -> vector<4096x192xf32>
    %reduce_sum3A_263 = arith.constant dense<0.000000e+00> : vector<192xf32>
    %reduce_sum3A_264 = vector.multi_reduction <add>, %dot_general3A_262, %reduce_sum3A_263 [0] : vector<4096x192xf32> to vector<192xf32>
    %broadcast_in_dim3A_265 = vector.shape_cast %reduce_sum3A_264 : vector<192xf32> to vector<1x192xf32>
    %mul3A_266 = arith.constant 2.44140625E-4 : f32
    %mul3A_267 = vector.broadcast %mul3A_266 : f32 to vector<1x192xf32>
    %mul3A_268 = arith.mulf %broadcast_in_dim3A_265, %mul3A_267 : vector<1x192xf32>
    %mul3A_269 = arith.mulf %dot_general3A_262, %dot_general3A_262 : vector<4096x192xf32>
    %reduce_sum3A_270 = arith.constant dense<0.000000e+00> : vector<192xf32>
    %reduce_sum3A_271 = vector.multi_reduction <add>, %mul3A_269, %reduce_sum3A_270 [0] : vector<4096x192xf32> to vector<192xf32>
    %broadcast_in_dim3A_272 = vector.shape_cast %reduce_sum3A_271 : vector<192xf32> to vector<1x192xf32>
    %mul3A_273 = arith.constant 2.44140625E-4 : f32
    %mul3A_274 = vector.broadcast %mul3A_273 : f32 to vector<1x192xf32>
    %mul3A_275 = arith.mulf %broadcast_in_dim3A_272, %mul3A_274 : vector<1x192xf32>
    %mul3A_276 = arith.mulf %mul3A_268, %mul3A_268 : vector<1x192xf32>
    %sub3A_277 = arith.subf %mul3A_275, %mul3A_276 : vector<1x192xf32>
    %add3A_278 = arith.constant 9.99999974E-6 : f32
    %add3A_279 = vector.broadcast %add3A_278 : f32 to vector<1x192xf32>
    %add3A_280 = arith.addf %sub3A_277, %add3A_279 : vector<1x192xf32>
    %rsqrt3A_281 = math.rsqrt %add3A_280 : vector<1x192xf32>
    %neg3A_282 = arith.constant 0.000000e+00 : f32
    %neg3A_283 = vector.broadcast %neg3A_282 : f32 to vector<1x192xf32>
    %neg3A_284 = arith.subf %neg3A_283, %mul3A_268 : vector<1x192xf32>
    %mul3A_285 = arith.mulf %neg3A_284, %rsqrt3A_281 : vector<1x192xf32>
    %mul3A_286 = vector.broadcast %rsqrt3A_281 : vector<1x192xf32> to vector<4096x192xf32>
    %mul3A_287 = arith.mulf %dot_general3A_262, %mul3A_286 : vector<4096x192xf32>
    %add3A_288 = vector.broadcast %mul3A_285 : vector<1x192xf32> to vector<4096x192xf32>
    %add3A_289 = arith.addf %mul3A_287, %add3A_288 : vector<4096x192xf32>
    %add3A_290 = arith.addf %get3A_1, %add3A_289 : vector<4096x192xf32>
    %swap3A_291 = arith.constant 0 : index
    %swap3A_292 = arith.constant 0 : index
    %swap3A_293 = vector.load %arg6[%swap3A_291, %swap3A_292] : memref<4096x192xf32, #tpu.memory_space<vmem>>, vector<4096x192xf32>
    tpu.vector_store %arg6[%swap3A_291, %swap3A_292], %add3A_290 {strides = array<i32>} : memref<4096x192xf32, #tpu.memory_space<vmem>>, vector<4096x192xf32>,
    %slice3A_294 = vector.extract_strided_slice %add3A_290 {offsets = [0, 0], sizes = [1024, 192], strides = [1, 1]} : vector<4096x192xf32> to vector<1024x192xf32>
    %slice3A_295 = vector.extract_strided_slice %add3A_290 {offsets = [1024, 0], sizes = [1024, 192], strides = [1, 1]} : vector<4096x192xf32> to vector<1024x192xf32>
    %add3A_296 = arith.addf %slice3A_294, %slice3A_295 : vector<1024x192xf32>
    %slice3A_297 = vector.extract_strided_slice %add3A_290 {offsets = [2048, 0], sizes = [1024, 192], strides = [1, 1]} : vector<4096x192xf32> to vector<1024x192xf32>
    %add3A_298 = arith.addf %add3A_296, %slice3A_297 : vector<1024x192xf32>
    %slice3A_299 = vector.extract_strided_slice %add3A_290 {offsets = [3072, 0], sizes = [1024, 192], strides = [1, 1]} : vector<4096x192xf32> to vector<1024x192xf32>
    %add3A_300 = arith.addf %add3A_298, %slice3A_299 : vector<1024x192xf32>
    %mul3A_301 = arith.constant 2.500000e-01 : f32
    %mul3A_302 = vector.broadcast %mul3A_301 : f32 to vector<1024x192xf32>
    %mul3A_303 = arith.mulf %mul3A_302, %add3A_300 : vector<1024x192xf32>
    %get3A_304 = arith.constant 0 : index
    %get3A_305 = arith.constant 0 : index
    %get3A_306 = vector.load %arg5[%get3A_304, %get3A_305] : memref<8x192xf32, #tpu.memory_space<vmem>>, vector<8x192xf32>
    %dot_general3A_307 = arith.constant dense<0.000000e+00> : vector<1024x8xf32>
    %dot_general3A_308 = tpu.matmul %mul3A_303, %get3A_306, %dot_general3A_307 {dimension_numbers = #tpu.dot_dimension_numbers<[1], [1], [0], [0], [0, 0, 1, 0], [], []>, transpose_lhs_hint = false} : vector<1024x192xf32>, vector<8x192xf32>, vector<1024x8xf32> -> vector<1024x8xf32>
    %reduce_sum3A_309 = arith.constant dense<0.000000e+00> : vector<8xf32>
    %reduce_sum3A_310 = vector.multi_reduction <add>, %dot_general3A_308, %reduce_sum3A_309 [0] : vector<1024x8xf32> to vector<8xf32>
    %broadcast_in_dim3A_311 = vector.shape_cast %reduce_sum3A_310 : vector<8xf32> to vector<1x8xf32>
    %mul3A_312 = arith.constant 9.765625E-4 : f32
    %mul3A_313 = vector.broadcast %mul3A_312 : f32 to vector<1x8xf32>
    %mul3A_314 = arith.mulf %broadcast_in_dim3A_311, %mul3A_313 : vector<1x8xf32>
    %mul3A_315 = arith.mulf %dot_general3A_308, %dot_general3A_308 : vector<1024x8xf32>
    %reduce_sum3A_316 = arith.constant dense<0.000000e+00> : vector<8xf32>
    %reduce_sum3A_317 = vector.multi_reduction <add>, %mul3A_315, %reduce_sum3A_316 [0] : vector<1024x8xf32> to vector<8xf32>
    %broadcast_in_dim3A_318 = vector.shape_cast %reduce_sum3A_317 : vector<8xf32> to vector<1x8xf32>
    %mul3A_319 = arith.constant 9.765625E-4 : f32
    %mul3A_320 = vector.broadcast %mul3A_319 : f32 to vector<1x8xf32>
    %mul3A_321 = arith.mulf %broadcast_in_dim3A_318, %mul3A_320 : vector<1x8xf32>
    %mul3A_322 = arith.mulf %mul3A_314, %mul3A_314 : vector<1x8xf32>
    %sub3A_323 = arith.subf %mul3A_321, %mul3A_322 : vector<1x8xf32>
    %add3A_324 = arith.constant 9.99999974E-6 : f32
    %add3A_325 = vector.broadcast %add3A_324 : f32 to vector<1x8xf32>
    %add3A_326 = arith.addf %sub3A_323, %add3A_325 : vector<1x8xf32>
    %rsqrt3A_327 = math.rsqrt %add3A_326 : vector<1x8xf32>
    %slice3A_328 = vector.extract_strided_slice %dot_general3A_308 {offsets = [0, 0], sizes = [256, 8], strides = [1, 1]} : vector<1024x8xf32> to vector<256x8xf32>
    %reduce_sum3A_329 = arith.constant dense<0.000000e+00> : vector<8xf32>
    %reduce_sum3A_330 = vector.multi_reduction <add>, %slice3A_328, %reduce_sum3A_329 [0] : vector<256x8xf32> to vector<8xf32>
    %broadcast_in_dim3A_331 = vector.shape_cast %reduce_sum3A_330 : vector<8xf32> to vector<1x8xf32>
    %mul3A_332 = arith.constant 3.906250e-03 : f32
    %mul3A_333 = vector.broadcast %mul3A_332 : f32 to vector<1x8xf32>
    %mul3A_334 = arith.mulf %broadcast_in_dim3A_331, %mul3A_333 : vector<1x8xf32>
    %slice3A_335 = vector.extract_strided_slice %dot_general3A_308 {offsets = [256, 0], sizes = [256, 8], strides = [1, 1]} : vector<1024x8xf32> to vector<256x8xf32>
    %reduce_sum3A_336 = arith.constant dense<0.000000e+00> : vector<8xf32>
    %reduce_sum3A_337 = vector.multi_reduction <add>, %slice3A_335, %reduce_sum3A_336 [0] : vector<256x8xf32> to vector<8xf32>
    %broadcast_in_dim3A_338 = vector.shape_cast %reduce_sum3A_337 : vector<8xf32> to vector<1x8xf32>
    %mul3A_339 = arith.constant 3.906250e-03 : f32
    %mul3A_340 = vector.broadcast %mul3A_339 : f32 to vector<1x8xf32>
    %mul3A_341 = arith.mulf %broadcast_in_dim3A_338, %mul3A_340 : vector<1x8xf32>
    %slice3A_342 = vector.extract_strided_slice %dot_general3A_308 {offsets = [512, 0], sizes = [256, 8], strides = [1, 1]} : vector<1024x8xf32> to vector<256x8xf32>
    %reduce_sum3A_343 = arith.constant dense<0.000000e+00> : vector<8xf32>
    %reduce_sum3A_344 = vector.multi_reduction <add>, %slice3A_342, %reduce_sum3A_343 [0] : vector<256x8xf32> to vector<8xf32>
    %broadcast_in_dim3A_345 = vector.shape_cast %reduce_sum3A_344 : vector<8xf32> to vector<1x8xf32>
    %mul3A_346 = arith.constant 3.906250e-03 : f32
    %mul3A_347 = vector.broadcast %mul3A_346 : f32 to vector<1x8xf32>
    %mul3A_348 = arith.mulf %broadcast_in_dim3A_345, %mul3A_347 : vector<1x8xf32>
    %slice3A_349 = vector.extract_strided_slice %dot_general3A_308 {offsets = [768, 0], sizes = [256, 8], strides = [1, 1]} : vector<1024x8xf32> to vector<256x8xf32>
    %reduce_sum3A_350 = arith.constant dense<0.000000e+00> : vector<8xf32>
    %reduce_sum3A_351 = vector.multi_reduction <add>, %slice3A_349, %reduce_sum3A_350 [0] : vector<256x8xf32> to vector<8xf32>
    %broadcast_in_dim3A_352 = vector.shape_cast %reduce_sum3A_351 : vector<8xf32> to vector<1x8xf32>
    %mul3A_353 = arith.constant 3.906250e-03 : f32
    %mul3A_354 = vector.broadcast %mul3A_353 : f32 to vector<1x8xf32>
    %mul3A_355 = arith.mulf %broadcast_in_dim3A_352, %mul3A_354 : vector<1x8xf32>
    %concatenate3A_356 = tpu.concatenate %mul3A_334, %mul3A_341, %mul3A_348, %mul3A_355 in 0 : vector<1x8xf32>, vector<1x8xf32>, vector<1x8xf32>, vector<1x8xf32> -> vector<4x8xf32>
    %sub3A_357 = vector.broadcast %mul3A_314 : vector<1x8xf32> to vector<4x8xf32>
    %sub3A_358 = arith.subf %concatenate3A_356, %sub3A_357 : vector<4x8xf32>
    %mul3A_359 = vector.broadcast %rsqrt3A_327 : vector<1x8xf32> to vector<4x8xf32>
    %mul3A_360 = arith.mulf %sub3A_358, %mul3A_359 : vector<4x8xf32>
    %broadcast_in_dim3A_361 = arith.constant -1.000000e+30 : f32
    %broadcast_in_dim3A_362 = vector.broadcast %broadcast_in_dim3A_361 : f32 to vector<4x120xf32>
    %concatenate3A_363 = tpu.concatenate %mul3A_360, %broadcast_in_dim3A_362 in 1 : vector<4x8xf32>, vector<4x120xf32> -> vector<4x128xf32>
    %broadcast_in_dim3A_364 = arith.constant -1.000000e+30 : f32
    %broadcast_in_dim3A_365 = vector.broadcast %broadcast_in_dim3A_364 : f32 to vector<4x128xf32>
    %concatenate3A_366 = tpu.concatenate %concatenate3A_363, %broadcast_in_dim3A_365 in 0 : vector<4x128xf32>, vector<4x128xf32> -> vector<8x128xf32>
    %swap3A_367 = arith.constant 0 : index
    %swap3A_368 = arith.constant 0 : index
    %swap3A_369 = vector.load %arg7[%swap3A_367, %swap3A_368] : memref<8x128xf32, #tpu.memory_space<vmem>>, vector<8x128xf32>
    tpu.vector_store %arg7[%swap3A_367, %swap3A_368], %concatenate3A_366 {strides = array<i32>} : memref<8x128xf32, #tpu.memory_space<vmem>>, vector<8x128xf32>,
    return
  }
}

module attributes {stable_mosaic.version = 14 : i64} {
  func.func @_experts_kernel(%arg0: i32, %arg1: memref<1x8xf32, #tpu.memory_space<smem>>, %arg2: memref<8x128xf32, #tpu.memory_space<smem>>, %arg3: memref<4096x192xf32, #tpu.memory_space<vmem>>, %arg4: memref<1x768x192xf32, #tpu.memory_space<vmem>>, %arg5: memref<1x192x768xf32, #tpu.memory_space<vmem>>, %arg6: memref<4096x192xf32, #tpu.memory_space<vmem>>, %arg7: memref<4096x192xf32, #tpu.memory_space<vmem>>, %arg8: memref<4096x768xf32, #tpu.memory_space<vmem>>) attributes {dimension_semantics = [#tpu.dimension_semantics<arbitrary>], iteration_bounds = array<i64: 8>, scalar_prefetch = 0 : i64, scratch_operands = 2 : i64, tpu.core_type = #tpu.core_type<tc>, window_params = [{transform_indices = @transform_0, window_bounds = array<i64: 1, 8>}, {transform_indices = @transform_1, window_bounds = array<i64: 8, 128>}, {pipeline_mode = #tpu.pipeline_mode<synchronous>, transform_indices = @transform_2, window_bounds = array<i64: 4096, 192>}, {transform_indices = @transform_3, window_bounds = array<i64: 1, 768, 192>}, {transform_indices = @transform_4, window_bounds = array<i64: 1, 192, 768>}, {pipeline_mode = #tpu.pipeline_mode<synchronous>, transform_indices = @transform_5, window_bounds = array<i64: 4096, 192>}]} {
    %eq3A = arith.constant 0 : i32
    %eq3A_0 = arith.cmpi eq, %arg0, %eq3A : i32
    %convert_element_type3A = arith.extui %eq3A_0 : i1 to i32
    %cond3A = arith.constant 0 : i32
    %cond3A_1 = arith.cmpi ne, %convert_element_type3A, %cond3A : i32
    scf.if %cond3A_1 {
      %get3A_25 = arith.constant 0 : index
      %get3A_26 = arith.constant 0 : index
      %get3A_27 = vector.load %arg3[%get3A_25, %get3A_26] : memref<4096x192xf32, #tpu.memory_space<vmem>>, vector<4096x192xf32>
      %swap3A = arith.constant 0 : index
      %swap3A_28 = arith.constant 0 : index
      %swap3A_29 = vector.load %arg6[%swap3A, %swap3A_28] : memref<4096x192xf32, #tpu.memory_space<vmem>>, vector<4096x192xf32>
      tpu.vector_store %arg6[%swap3A, %swap3A_28], %get3A_27 {strides = array<i32>} : memref<4096x192xf32, #tpu.memory_space<vmem>>, vector<4096x192xf32>,
    } else {
    }
    %get3A = arith.constant 0 : index
    %get3A_2 = arith.index_cast %arg0 : i32 to index
    %get3A_3 = memref.load %arg2[%get3A, %get3A_2] : memref<8x128xf32, #tpu.memory_space<smem>>
    %get3A_4 = arith.constant 1 : index
    %get3A_5 = arith.index_cast %arg0 : i32 to index
    %get3A_6 = memref.load %arg2[%get3A_4, %get3A_5] : memref<8x128xf32, #tpu.memory_space<smem>>
    %get3A_7 = arith.constant 2 : index
    %get3A_8 = arith.index_cast %arg0 : i32 to index
    %get3A_9 = memref.load %arg2[%get3A_7, %get3A_8] : memref<8x128xf32, #tpu.memory_space<smem>>
    %get3A_10 = arith.constant 3 : index
    %get3A_11 = arith.index_cast %arg0 : i32 to index
    %get3A_12 = memref.load %arg2[%get3A_10, %get3A_11] : memref<8x128xf32, #tpu.memory_space<smem>>
    %gt3A = arith.constant 0.000000e+00 : f32
    %gt3A_13 = arith.cmpf ogt, %get3A_3, %gt3A : f32
    %gt3A_14 = arith.constant 0.000000e+00 : f32
    %gt3A_15 = arith.cmpf ogt, %get3A_6, %gt3A_14 : f32
    %or3A = arith.ori %gt3A_13, %gt3A_15 : i1
    %gt3A_16 = arith.constant 0.000000e+00 : f32
    %gt3A_17 = arith.cmpf ogt, %get3A_9, %gt3A_16 : f32
    %or3A_18 = arith.ori %or3A, %gt3A_17 : i1
    %gt3A_19 = arith.constant 0.000000e+00 : f32
    %gt3A_20 = arith.cmpf ogt, %get3A_12, %gt3A_19 : f32
    %or3A_21 = arith.ori %or3A_18, %gt3A_20 : i1
    %convert_element_type3A_22 = arith.extui %or3A_21 : i1 to i32
    %cond3A_23 = arith.constant 0 : i32
    %cond3A_24 = arith.cmpi ne, %convert_element_type3A_22, %cond3A_23 : i32
    scf.if %cond3A_24 {
      %get3A_25 = arith.constant 0 : index
      %get3A_26 = arith.index_cast %arg0 : i32 to index
      %get3A_27 = memref.load %arg1[%get3A_25, %get3A_26] : memref<1x8xf32, #tpu.memory_space<smem>>
      %get3A_28 = arith.constant 0 : index
      %get3A_29 = arith.constant 0 : index
      %get3A_30 = vector.load %arg3[%get3A_28, %get3A_29] : memref<4096x192xf32, #tpu.memory_space<vmem>>, vector<4096x192xf32>
      %div3A = arith.constant 1.000000e+00 : f32
      %div3A_31 = arith.divf %div3A, %get3A_27 : f32
      %sub3A = arith.constant 1.000000e+00 : f32
      %sub3A_32 = arith.subf %sub3A, %div3A_31 : f32
      %slice3A = vector.extract_strided_slice %get3A_30 {offsets = [0, 0], sizes = [1024, 192], strides = [1, 1]} : vector<4096x192xf32> to vector<1024x192xf32>
      %ge3A = vector.broadcast %get3A_27 : f32 to vector<1024x192xf32>
      %ge3A_33 = arith.cmpf oge, %slice3A, %ge3A : vector<1024x192xf32>
      %jit3A = arith.constant 1.000000e+00 : f32
      %jit3A_34 = arith.constant 0.000000e+00 : f32
      %broadcast_in_dim3A = vector.broadcast %jit3A : f32 to vector<1024x192xf32>
      %broadcast_in_dim3A_35 = vector.broadcast %jit3A_34 : f32 to vector<1024x192xf32>
      %select_n3A = arith.select %ge3A_33, %broadcast_in_dim3A, %broadcast_in_dim3A_35 : vector<1024x192xi1>, vector<1024x192xf32>
      %swap3A = arith.constant 0 : index
      %swap3A_36 = arith.constant 0 : index
      %swap3A_37 = vector.load %arg7[%swap3A, %swap3A_36] : memref<4096x192xf32, #tpu.memory_space<vmem>>, vector<1024x192xf32>
      tpu.vector_store %arg7[%swap3A, %swap3A_36], %select_n3A {strides = array<i32>} : memref<4096x192xf32, #tpu.memory_space<vmem>>, vector<1024x192xf32>,
      %jit3A_38 = arith.constant 0.000000e+00 : f32
      %broadcast_in_dim3A_39 = vector.broadcast %jit3A_38 : f32 to vector<1024x192xf32>
      %select_n3A_40 = arith.select %ge3A_33, %broadcast_in_dim3A_39, %slice3A : vector<1024x192xi1>, vector<1024x192xf32>
      %slice3A_41 = vector.extract_strided_slice %get3A_30 {offsets = [1024, 0], sizes = [1024, 192], strides = [1, 1]} : vector<4096x192xf32> to vector<1024x192xf32>
      %mul3A = vector.broadcast %sub3A_32 : f32 to vector<1024x192xf32>
      %mul3A_42 = arith.mulf %mul3A, %select_n3A_40 : vector<1024x192xf32>
      %add3A = arith.addf %mul3A_42, %slice3A_41 : vector<1024x192xf32>
      %ge3A_43 = vector.broadcast %get3A_27 : f32 to vector<1024x192xf32>
      %ge3A_44 = arith.cmpf oge, %add3A, %ge3A_43 : vector<1024x192xf32>
      %jit3A_45 = arith.constant 1.000000e+00 : f32
      %jit3A_46 = arith.constant 0.000000e+00 : f32
      %broadcast_in_dim3A_47 = vector.broadcast %jit3A_45 : f32 to vector<1024x192xf32>
      %broadcast_in_dim3A_48 = vector.broadcast %jit3A_46 : f32 to vector<1024x192xf32>
      %select_n3A_49 = arith.select %ge3A_44, %broadcast_in_dim3A_47, %broadcast_in_dim3A_48 : vector<1024x192xi1>, vector<1024x192xf32>
      %swap3A_50 = arith.constant 1024 : index
      %swap3A_51 = arith.constant 0 : index
      %swap3A_52 = vector.load %arg7[%swap3A_50, %swap3A_51] : memref<4096x192xf32, #tpu.memory_space<vmem>>, vector<1024x192xf32>
      tpu.vector_store %arg7[%swap3A_50, %swap3A_51], %select_n3A_49 {strides = array<i32>} : memref<4096x192xf32, #tpu.memory_space<vmem>>, vector<1024x192xf32>,
      %jit3A_53 = arith.constant 0.000000e+00 : f32
      %broadcast_in_dim3A_54 = vector.broadcast %jit3A_53 : f32 to vector<1024x192xf32>
      %select_n3A_55 = arith.select %ge3A_44, %broadcast_in_dim3A_54, %add3A : vector<1024x192xi1>, vector<1024x192xf32>
      %slice3A_56 = vector.extract_strided_slice %get3A_30 {offsets = [2048, 0], sizes = [1024, 192], strides = [1, 1]} : vector<4096x192xf32> to vector<1024x192xf32>
      %mul3A_57 = vector.broadcast %sub3A_32 : f32 to vector<1024x192xf32>
      %mul3A_58 = arith.mulf %mul3A_57, %select_n3A_55 : vector<1024x192xf32>
      %add3A_59 = arith.addf %mul3A_58, %slice3A_56 : vector<1024x192xf32>
      %ge3A_60 = vector.broadcast %get3A_27 : f32 to vector<1024x192xf32>
      %ge3A_61 = arith.cmpf oge, %add3A_59, %ge3A_60 : vector<1024x192xf32>
      %jit3A_62 = arith.constant 1.000000e+00 : f32
      %jit3A_63 = arith.constant 0.000000e+00 : f32
      %broadcast_in_dim3A_64 = vector.broadcast %jit3A_62 : f32 to vector<1024x192xf32>
      %broadcast_in_dim3A_65 = vector.broadcast %jit3A_63 : f32 to vector<1024x192xf32>
      %select_n3A_66 = arith.select %ge3A_61, %broadcast_in_dim3A_64, %broadcast_in_dim3A_65 : vector<1024x192xi1>, vector<1024x192xf32>
      %swap3A_67 = arith.constant 2048 : index
      %swap3A_68 = arith.constant 0 : index
      %swap3A_69 = vector.load %arg7[%swap3A_67, %swap3A_68] : memref<4096x192xf32, #tpu.memory_space<vmem>>, vector<1024x192xf32>
      tpu.vector_store %arg7[%swap3A_67, %swap3A_68], %select_n3A_66 {strides = array<i32>} : memref<4096x192xf32, #tpu.memory_space<vmem>>, vector<1024x192xf32>,
      %jit3A_70 = arith.constant 0.000000e+00 : f32
      %broadcast_in_dim3A_71 = vector.broadcast %jit3A_70 : f32 to vector<1024x192xf32>
      %select_n3A_72 = arith.select %ge3A_61, %broadcast_in_dim3A_71, %add3A_59 : vector<1024x192xi1>, vector<1024x192xf32>
      %slice3A_73 = vector.extract_strided_slice %get3A_30 {offsets = [3072, 0], sizes = [1024, 192], strides = [1, 1]} : vector<4096x192xf32> to vector<1024x192xf32>
      %mul3A_74 = vector.broadcast %sub3A_32 : f32 to vector<1024x192xf32>
      %mul3A_75 = arith.mulf %mul3A_74, %select_n3A_72 : vector<1024x192xf32>
      %add3A_76 = arith.addf %mul3A_75, %slice3A_73 : vector<1024x192xf32>
      %ge3A_77 = vector.broadcast %get3A_27 : f32 to vector<1024x192xf32>
      %ge3A_78 = arith.cmpf oge, %add3A_76, %ge3A_77 : vector<1024x192xf32>
      %jit3A_79 = arith.constant 1.000000e+00 : f32
      %jit3A_80 = arith.constant 0.000000e+00 : f32
      %broadcast_in_dim3A_81 = vector.broadcast %jit3A_79 : f32 to vector<1024x192xf32>
      %broadcast_in_dim3A_82 = vector.broadcast %jit3A_80 : f32 to vector<1024x192xf32>
      %select_n3A_83 = arith.select %ge3A_78, %broadcast_in_dim3A_81, %broadcast_in_dim3A_82 : vector<1024x192xi1>, vector<1024x192xf32>
      %swap3A_84 = arith.constant 3072 : index
      %swap3A_85 = arith.constant 0 : index
      %swap3A_86 = vector.load %arg7[%swap3A_84, %swap3A_85] : memref<4096x192xf32, #tpu.memory_space<vmem>>, vector<1024x192xf32>
      tpu.vector_store %arg7[%swap3A_84, %swap3A_85], %select_n3A_83 {strides = array<i32>} : memref<4096x192xf32, #tpu.memory_space<vmem>>, vector<1024x192xf32>,
      %get3A_87 = arith.constant 0 : index
      %get3A_88 = arith.constant 0 : index
      %get3A_89 = vector.load %arg7[%get3A_87, %get3A_88] : memref<4096x192xf32, #tpu.memory_space<vmem>>, vector<4096x192xf32>
      %get3A_90 = arith.constant 0 : index
      %get3A_91 = arith.constant 0 : index
      %get3A_92 = arith.constant 0 : index
      %get3A_93 = vector.load %arg4[%get3A_90, %get3A_91, %get3A_92] : memref<1x768x192xf32, #tpu.memory_space<vmem>>, vector<1x768x192xf32>
      %get3A_94 = vector.shape_cast %get3A_93 : vector<1x768x192xf32> to vector<768x192xf32>
      %dot_general3A = arith.constant dense<0.000000e+00> : vector<4096x768xf32>
      %dot_general3A_95 = tpu.matmul %get3A_89, %get3A_94, %dot_general3A {dimension_numbers = #tpu.dot_dimension_numbers<[1], [1], [0], [0], [0, 0, 1, 0], [], []>, transpose_lhs_hint = false} : vector<4096x192xf32>, vector<768x192xf32>, vector<4096x768xf32> -> vector<4096x768xf32>
      %reduce_sum3A = arith.constant dense<0.000000e+00> : vector<768xf32>
      %reduce_sum3A_96 = vector.multi_reduction <add>, %dot_general3A_95, %reduce_sum3A [0] : vector<4096x768xf32> to vector<768xf32>
      %broadcast_in_dim3A_97 = vector.shape_cast %reduce_sum3A_96 : vector<768xf32> to vector<1x768xf32>
      %mul3A_98 = arith.constant 2.44140625E-4 : f32
      %mul3A_99 = vector.broadcast %mul3A_98 : f32 to vector<1x768xf32>
      %mul3A_100 = arith.mulf %broadcast_in_dim3A_97, %mul3A_99 : vector<1x768xf32>
      %mul3A_101 = arith.mulf %dot_general3A_95, %dot_general3A_95 : vector<4096x768xf32>
      %reduce_sum3A_102 = arith.constant dense<0.000000e+00> : vector<768xf32>
      %reduce_sum3A_103 = vector.multi_reduction <add>, %mul3A_101, %reduce_sum3A_102 [0] : vector<4096x768xf32> to vector<768xf32>
      %broadcast_in_dim3A_104 = vector.shape_cast %reduce_sum3A_103 : vector<768xf32> to vector<1x768xf32>
      %mul3A_105 = arith.constant 2.44140625E-4 : f32
      %mul3A_106 = vector.broadcast %mul3A_105 : f32 to vector<1x768xf32>
      %mul3A_107 = arith.mulf %broadcast_in_dim3A_104, %mul3A_106 : vector<1x768xf32>
      %mul3A_108 = arith.mulf %mul3A_100, %mul3A_100 : vector<1x768xf32>
      %sub3A_109 = arith.subf %mul3A_107, %mul3A_108 : vector<1x768xf32>
      %add3A_110 = arith.constant 9.99999974E-6 : f32
      %add3A_111 = vector.broadcast %add3A_110 : f32 to vector<1x768xf32>
      %add3A_112 = arith.addf %sub3A_109, %add3A_111 : vector<1x768xf32>
      %rsqrt3A = math.rsqrt %add3A_112 : vector<1x768xf32>
      %neg3A = arith.constant 0.000000e+00 : f32
      %neg3A_113 = vector.broadcast %neg3A : f32 to vector<1x768xf32>
      %neg3A_114 = arith.subf %neg3A_113, %mul3A_100 : vector<1x768xf32>
      %mul3A_115 = arith.mulf %neg3A_114, %rsqrt3A : vector<1x768xf32>
      %div3A_116 = arith.constant 1.000000e+00 : f32
      %div3A_117 = arith.divf %div3A_116, %get3A_27 : f32
      %sub3A_118 = arith.constant 1.000000e+00 : f32
      %sub3A_119 = arith.subf %sub3A_118, %div3A_117 : f32
      %mul3A_120 = vector.broadcast %div3A_117 : f32 to vector<1x768xf32>
      %mul3A_121 = arith.mulf %mul3A_120, %rsqrt3A : vector<1x768xf32>
      %sub3A_122 = arith.constant 1.000000e+00 : f32
      %sub3A_123 = vector.broadcast %sub3A_122 : f32 to vector<1x768xf32>
      %sub3A_124 = arith.subf %sub3A_123, %mul3A_115 : vector<1x768xf32>
      %div3A_125 = arith.divf %sub3A_124, %mul3A_121 : vector<1x768xf32>
      %neg3A_126 = arith.constant 0.000000e+00 : f32
      %neg3A_127 = vector.broadcast %neg3A_126 : f32 to vector<1x768xf32>
      %neg3A_128 = arith.subf %neg3A_127, %mul3A_121 : vector<1x768xf32>
      %div3A_129 = arith.divf %mul3A_115, %neg3A_128 : vector<1x768xf32>
      %mul3A_130 = vector.broadcast %sub3A_119 : f32 to vector<1x768xf32>
      %mul3A_131 = arith.mulf %mul3A_130, %div3A_129 : vector<1x768xf32>
      %slice3A_132 = vector.extract_strided_slice %dot_general3A_95 {offsets = [0, 0], sizes = [1024, 768], strides = [1, 1]} : vector<4096x768xf32> to vector<1024x768xf32>
      %add3A_133 = vector.broadcast %mul3A_131 : vector<1x768xf32> to vector<1024x768xf32>
      %add3A_134 = arith.addf %add3A_133, %slice3A_132 : vector<1024x768xf32>
      %ge3A_135 = vector.broadcast %div3A_125 : vector<1x768xf32> to vector<1024x768xf32>
      %ge3A_136 = arith.cmpf oge, %add3A_134, %ge3A_135 : vector<1024x768xf32>
      %jit3A_137 = arith.constant 1.000000e+00 : f32
      %jit3A_138 = arith.constant 0.000000e+00 : f32
      %broadcast_in_dim3A_139 = vector.broadcast %jit3A_137 : f32 to vector<1024x768xf32>
      %broadcast_in_dim3A_140 = vector.broadcast %jit3A_138 : f32 to vector<1024x768xf32>
      %select_n3A_141 = arith.select %ge3A_136, %broadcast_in_dim3A_139, %broadcast_in_dim3A_140 : vector<1024x768xi1>, vector<1024x768xf32>
      %swap3A_142 = arith.constant 0 : index
      %swap3A_143 = arith.constant 0 : index
      %swap3A_144 = vector.load %arg8[%swap3A_142, %swap3A_143] : memref<4096x768xf32, #tpu.memory_space<vmem>>, vector<1024x768xf32>
      tpu.vector_store %arg8[%swap3A_142, %swap3A_143], %select_n3A_141 {strides = array<i32>} : memref<4096x768xf32, #tpu.memory_space<vmem>>, vector<1024x768xf32>,
      %broadcast_in_dim3A_145 = vector.shape_cast %div3A_129 : vector<1x768xf32> to vector<1x768xf32>
      %broadcast_in_dim3A_146 = vector.broadcast %broadcast_in_dim3A_145 : vector<1x768xf32> to vector<1024x768xf32>
      %select_n3A_147 = arith.select %ge3A_136, %broadcast_in_dim3A_146, %add3A_134 : vector<1024x768xi1>, vector<1024x768xf32>
      %slice3A_148 = vector.extract_strided_slice %dot_general3A_95 {offsets = [1024, 0], sizes = [1024, 768], strides = [1, 1]} : vector<4096x768xf32> to vector<1024x768xf32>
      %mul3A_149 = vector.broadcast %sub3A_119 : f32 to vector<1024x768xf32>
      %mul3A_150 = arith.mulf %mul3A_149, %select_n3A_147 : vector<1024x768xf32>
      %add3A_151 = arith.addf %mul3A_150, %slice3A_148 : vector<1024x768xf32>
      %ge3A_152 = vector.broadcast %div3A_125 : vector<1x768xf32> to vector<1024x768xf32>
      %ge3A_153 = arith.cmpf oge, %add3A_151, %ge3A_152 : vector<1024x768xf32>
      %jit3A_154 = arith.constant 1.000000e+00 : f32
      %jit3A_155 = arith.constant 0.000000e+00 : f32
      %broadcast_in_dim3A_156 = vector.broadcast %jit3A_154 : f32 to vector<1024x768xf32>
      %broadcast_in_dim3A_157 = vector.broadcast %jit3A_155 : f32 to vector<1024x768xf32>
      %select_n3A_158 = arith.select %ge3A_153, %broadcast_in_dim3A_156, %broadcast_in_dim3A_157 : vector<1024x768xi1>, vector<1024x768xf32>
      %swap3A_159 = arith.constant 1024 : index
      %swap3A_160 = arith.constant 0 : index
      %swap3A_161 = vector.load %arg8[%swap3A_159, %swap3A_160] : memref<4096x768xf32, #tpu.memory_space<vmem>>, vector<1024x768xf32>
      tpu.vector_store %arg8[%swap3A_159, %swap3A_160], %select_n3A_158 {strides = array<i32>} : memref<4096x768xf32, #tpu.memory_space<vmem>>, vector<1024x768xf32>,
      %broadcast_in_dim3A_162 = vector.shape_cast %div3A_129 : vector<1x768xf32> to vector<1x768xf32>
      %broadcast_in_dim3A_163 = vector.broadcast %broadcast_in_dim3A_162 : vector<1x768xf32> to vector<1024x768xf32>
      %select_n3A_164 = arith.select %ge3A_153, %broadcast_in_dim3A_163, %add3A_151 : vector<1024x768xi1>, vector<1024x768xf32>
      %slice3A_165 = vector.extract_strided_slice %dot_general3A_95 {offsets = [2048, 0], sizes = [1024, 768], strides = [1, 1]} : vector<4096x768xf32> to vector<1024x768xf32>
      %mul3A_166 = vector.broadcast %sub3A_119 : f32 to vector<1024x768xf32>
      %mul3A_167 = arith.mulf %mul3A_166, %select_n3A_164 : vector<1024x768xf32>
      %add3A_168 = arith.addf %mul3A_167, %slice3A_165 : vector<1024x768xf32>
      %ge3A_169 = vector.broadcast %div3A_125 : vector<1x768xf32> to vector<1024x768xf32>
      %ge3A_170 = arith.cmpf oge, %add3A_168, %ge3A_169 : vector<1024x768xf32>
      %jit3A_171 = arith.constant 1.000000e+00 : f32
      %jit3A_172 = arith.constant 0.000000e+00 : f32
      %broadcast_in_dim3A_173 = vector.broadcast %jit3A_171 : f32 to vector<1024x768xf32>
      %broadcast_in_dim3A_174 = vector.broadcast %jit3A_172 : f32 to vector<1024x768xf32>
      %select_n3A_175 = arith.select %ge3A_170, %broadcast_in_dim3A_173, %broadcast_in_dim3A_174 : vector<1024x768xi1>, vector<1024x768xf32>
      %swap3A_176 = arith.constant 2048 : index
      %swap3A_177 = arith.constant 0 : index
      %swap3A_178 = vector.load %arg8[%swap3A_176, %swap3A_177] : memref<4096x768xf32, #tpu.memory_space<vmem>>, vector<1024x768xf32>
      tpu.vector_store %arg8[%swap3A_176, %swap3A_177], %select_n3A_175 {strides = array<i32>} : memref<4096x768xf32, #tpu.memory_space<vmem>>, vector<1024x768xf32>,
      %broadcast_in_dim3A_179 = vector.shape_cast %div3A_129 : vector<1x768xf32> to vector<1x768xf32>
      %broadcast_in_dim3A_180 = vector.broadcast %broadcast_in_dim3A_179 : vector<1x768xf32> to vector<1024x768xf32>
      %select_n3A_181 = arith.select %ge3A_170, %broadcast_in_dim3A_180, %add3A_168 : vector<1024x768xi1>, vector<1024x768xf32>
      %slice3A_182 = vector.extract_strided_slice %dot_general3A_95 {offsets = [3072, 0], sizes = [1024, 768], strides = [1, 1]} : vector<4096x768xf32> to vector<1024x768xf32>
      %mul3A_183 = vector.broadcast %sub3A_119 : f32 to vector<1024x768xf32>
      %mul3A_184 = arith.mulf %mul3A_183, %select_n3A_181 : vector<1024x768xf32>
      %add3A_185 = arith.addf %mul3A_184, %slice3A_182 : vector<1024x768xf32>
      %ge3A_186 = vector.broadcast %div3A_125 : vector<1x768xf32> to vector<1024x768xf32>
      %ge3A_187 = arith.cmpf oge, %add3A_185, %ge3A_186 : vector<1024x768xf32>
      %jit3A_188 = arith.constant 1.000000e+00 : f32
      %jit3A_189 = arith.constant 0.000000e+00 : f32
      %broadcast_in_dim3A_190 = vector.broadcast %jit3A_188 : f32 to vector<1024x768xf32>
      %broadcast_in_dim3A_191 = vector.broadcast %jit3A_189 : f32 to vector<1024x768xf32>
      %select_n3A_192 = arith.select %ge3A_187, %broadcast_in_dim3A_190, %broadcast_in_dim3A_191 : vector<1024x768xi1>, vector<1024x768xf32>
      %swap3A_193 = arith.constant 3072 : index
      %swap3A_194 = arith.constant 0 : index
      %swap3A_195 = vector.load %arg8[%swap3A_193, %swap3A_194] : memref<4096x768xf32, #tpu.memory_space<vmem>>, vector<1024x768xf32>
      tpu.vector_store %arg8[%swap3A_193, %swap3A_194], %select_n3A_192 {strides = array<i32>} : memref<4096x768xf32, #tpu.memory_space<vmem>>, vector<1024x768xf32>,
      %get3A_196 = arith.constant 0 : index
      %get3A_197 = arith.constant 0 : index
      %get3A_198 = vector.load %arg8[%get3A_196, %get3A_197] : memref<4096x768xf32, #tpu.memory_space<vmem>>, vector<4096x768xf32>
      %get3A_199 = arith.constant 0 : index
      %get3A_200 = arith.constant 0 : index
      %get3A_201 = arith.constant 0 : index
      %get3A_202 = vector.load %arg5[%get3A_199, %get3A_200, %get3A_201] : memref<1x192x768xf32, #tpu.memory_space<vmem>>, vector<1x192x768xf32>
      %get3A_203 = vector.shape_cast %get3A_202 : vector<1x192x768xf32> to vector<192x768xf32>
      %dot_general3A_204 = arith.constant dense<0.000000e+00> : vector<4096x192xf32>
      %dot_general3A_205 = tpu.matmul %get3A_198, %get3A_203, %dot_general3A_204 {dimension_numbers = #tpu.dot_dimension_numbers<[1], [1], [0], [0], [0, 0, 1, 0], [], []>, transpose_lhs_hint = false} : vector<4096x768xf32>, vector<192x768xf32>, vector<4096x192xf32> -> vector<4096x192xf32>
      %reduce_sum3A_206 = arith.constant dense<0.000000e+00> : vector<192xf32>
      %reduce_sum3A_207 = vector.multi_reduction <add>, %dot_general3A_205, %reduce_sum3A_206 [0] : vector<4096x192xf32> to vector<192xf32>
      %broadcast_in_dim3A_208 = vector.shape_cast %reduce_sum3A_207 : vector<192xf32> to vector<1x192xf32>
      %mul3A_209 = arith.constant 2.44140625E-4 : f32
      %mul3A_210 = vector.broadcast %mul3A_209 : f32 to vector<1x192xf32>
      %mul3A_211 = arith.mulf %broadcast_in_dim3A_208, %mul3A_210 : vector<1x192xf32>
      %mul3A_212 = arith.mulf %dot_general3A_205, %dot_general3A_205 : vector<4096x192xf32>
      %reduce_sum3A_213 = arith.constant dense<0.000000e+00> : vector<192xf32>
      %reduce_sum3A_214 = vector.multi_reduction <add>, %mul3A_212, %reduce_sum3A_213 [0] : vector<4096x192xf32> to vector<192xf32>
      %broadcast_in_dim3A_215 = vector.shape_cast %reduce_sum3A_214 : vector<192xf32> to vector<1x192xf32>
      %mul3A_216 = arith.constant 2.44140625E-4 : f32
      %mul3A_217 = vector.broadcast %mul3A_216 : f32 to vector<1x192xf32>
      %mul3A_218 = arith.mulf %broadcast_in_dim3A_215, %mul3A_217 : vector<1x192xf32>
      %mul3A_219 = arith.mulf %mul3A_211, %mul3A_211 : vector<1x192xf32>
      %sub3A_220 = arith.subf %mul3A_218, %mul3A_219 : vector<1x192xf32>
      %add3A_221 = arith.constant 9.99999974E-6 : f32
      %add3A_222 = vector.broadcast %add3A_221 : f32 to vector<1x192xf32>
      %add3A_223 = arith.addf %sub3A_220, %add3A_222 : vector<1x192xf32>
      %rsqrt3A_224 = math.rsqrt %add3A_223 : vector<1x192xf32>
      %neg3A_225 = arith.constant 0.000000e+00 : f32
      %neg3A_226 = vector.broadcast %neg3A_225 : f32 to vector<1x192xf32>
      %neg3A_227 = arith.subf %neg3A_226, %mul3A_211 : vector<1x192xf32>
      %mul3A_228 = arith.mulf %neg3A_227, %rsqrt3A_224 : vector<1x192xf32>
      %get3A_229 = arith.constant 0 : index
      %get3A_230 = arith.constant 0 : index
      %get3A_231 = vector.load %arg6[%get3A_229, %get3A_230] : memref<4096x192xf32, #tpu.memory_space<vmem>>, vector<256x192xf32>
      %slice3A_232 = vector.extract_strided_slice %dot_general3A_205 {offsets = [0, 0], sizes = [256, 192], strides = [1, 1]} : vector<4096x192xf32> to vector<256x192xf32>
      %mul3A_233 = vector.broadcast %get3A_3 : f32 to vector<1x192xf32>
      %mul3A_234 = arith.mulf %mul3A_233, %rsqrt3A_224 : vector<1x192xf32>
      %mul3A_235 = vector.broadcast %mul3A_234 : vector<1x192xf32> to vector<256x192xf32>
      %mul3A_236 = arith.mulf %slice3A_232, %mul3A_235 : vector<256x192xf32>
      %mul3A_237 = vector.broadcast %get3A_3 : f32 to vector<1x192xf32>
      %mul3A_238 = arith.mulf %mul3A_237, %mul3A_228 : vector<1x192xf32>
      %add3A_239 = vector.broadcast %mul3A_238 : vector<1x192xf32> to vector<256x192xf32>
      %add3A_240 = arith.addf %mul3A_236, %add3A_239 : vector<256x192xf32>
      %add3A_241 = arith.addf %get3A_231, %add3A_240 : vector<256x192xf32>
      %swap3A_242 = arith.constant 0 : index
      %swap3A_243 = arith.constant 0 : index
      %swap3A_244 = vector.load %arg6[%swap3A_242, %swap3A_243] : memref<4096x192xf32, #tpu.memory_space<vmem>>, vector<256x192xf32>
      tpu.vector_store %arg6[%swap3A_242, %swap3A_243], %add3A_241 {strides = array<i32>} : memref<4096x192xf32, #tpu.memory_space<vmem>>, vector<256x192xf32>,
      %get3A_245 = arith.constant 256 : index
      %get3A_246 = arith.constant 0 : index
      %get3A_247 = vector.load %arg6[%get3A_245, %get3A_246] : memref<4096x192xf32, #tpu.memory_space<vmem>>, vector<256x192xf32>
      %slice3A_248 = vector.extract_strided_slice %dot_general3A_205 {offsets = [256, 0], sizes = [256, 192], strides = [1, 1]} : vector<4096x192xf32> to vector<256x192xf32>
      %mul3A_249 = vector.broadcast %get3A_6 : f32 to vector<1x192xf32>
      %mul3A_250 = arith.mulf %mul3A_249, %rsqrt3A_224 : vector<1x192xf32>
      %mul3A_251 = vector.broadcast %mul3A_250 : vector<1x192xf32> to vector<256x192xf32>
      %mul3A_252 = arith.mulf %slice3A_248, %mul3A_251 : vector<256x192xf32>
      %mul3A_253 = vector.broadcast %get3A_6 : f32 to vector<1x192xf32>
      %mul3A_254 = arith.mulf %mul3A_253, %mul3A_228 : vector<1x192xf32>
      %add3A_255 = vector.broadcast %mul3A_254 : vector<1x192xf32> to vector<256x192xf32>
      %add3A_256 = arith.addf %mul3A_252, %add3A_255 : vector<256x192xf32>
      %add3A_257 = arith.addf %get3A_247, %add3A_256 : vector<256x192xf32>
      %swap3A_258 = arith.constant 256 : index
      %swap3A_259 = arith.constant 0 : index
      %swap3A_260 = vector.load %arg6[%swap3A_258, %swap3A_259] : memref<4096x192xf32, #tpu.memory_space<vmem>>, vector<256x192xf32>
      tpu.vector_store %arg6[%swap3A_258, %swap3A_259], %add3A_257 {strides = array<i32>} : memref<4096x192xf32, #tpu.memory_space<vmem>>, vector<256x192xf32>,
      %get3A_261 = arith.constant 512 : index
      %get3A_262 = arith.constant 0 : index
      %get3A_263 = vector.load %arg6[%get3A_261, %get3A_262] : memref<4096x192xf32, #tpu.memory_space<vmem>>, vector<256x192xf32>
      %slice3A_264 = vector.extract_strided_slice %dot_general3A_205 {offsets = [512, 0], sizes = [256, 192], strides = [1, 1]} : vector<4096x192xf32> to vector<256x192xf32>
      %mul3A_265 = vector.broadcast %get3A_9 : f32 to vector<1x192xf32>
      %mul3A_266 = arith.mulf %mul3A_265, %rsqrt3A_224 : vector<1x192xf32>
      %mul3A_267 = vector.broadcast %mul3A_266 : vector<1x192xf32> to vector<256x192xf32>
      %mul3A_268 = arith.mulf %slice3A_264, %mul3A_267 : vector<256x192xf32>
      %mul3A_269 = vector.broadcast %get3A_9 : f32 to vector<1x192xf32>
      %mul3A_270 = arith.mulf %mul3A_269, %mul3A_228 : vector<1x192xf32>
      %add3A_271 = vector.broadcast %mul3A_270 : vector<1x192xf32> to vector<256x192xf32>
      %add3A_272 = arith.addf %mul3A_268, %add3A_271 : vector<256x192xf32>
      %add3A_273 = arith.addf %get3A_263, %add3A_272 : vector<256x192xf32>
      %swap3A_274 = arith.constant 512 : index
      %swap3A_275 = arith.constant 0 : index
      %swap3A_276 = vector.load %arg6[%swap3A_274, %swap3A_275] : memref<4096x192xf32, #tpu.memory_space<vmem>>, vector<256x192xf32>
      tpu.vector_store %arg6[%swap3A_274, %swap3A_275], %add3A_273 {strides = array<i32>} : memref<4096x192xf32, #tpu.memory_space<vmem>>, vector<256x192xf32>,
      %get3A_277 = arith.constant 768 : index
      %get3A_278 = arith.constant 0 : index
      %get3A_279 = vector.load %arg6[%get3A_277, %get3A_278] : memref<4096x192xf32, #tpu.memory_space<vmem>>, vector<256x192xf32>
      %slice3A_280 = vector.extract_strided_slice %dot_general3A_205 {offsets = [768, 0], sizes = [256, 192], strides = [1, 1]} : vector<4096x192xf32> to vector<256x192xf32>
      %mul3A_281 = vector.broadcast %get3A_12 : f32 to vector<1x192xf32>
      %mul3A_282 = arith.mulf %mul3A_281, %rsqrt3A_224 : vector<1x192xf32>
      %mul3A_283 = vector.broadcast %mul3A_282 : vector<1x192xf32> to vector<256x192xf32>
      %mul3A_284 = arith.mulf %slice3A_280, %mul3A_283 : vector<256x192xf32>
      %mul3A_285 = vector.broadcast %get3A_12 : f32 to vector<1x192xf32>
      %mul3A_286 = arith.mulf %mul3A_285, %mul3A_228 : vector<1x192xf32>
      %add3A_287 = vector.broadcast %mul3A_286 : vector<1x192xf32> to vector<256x192xf32>
      %add3A_288 = arith.addf %mul3A_284, %add3A_287 : vector<256x192xf32>
      %add3A_289 = arith.addf %get3A_279, %add3A_288 : vector<256x192xf32>
      %swap3A_290 = arith.constant 768 : index
      %swap3A_291 = arith.constant 0 : index
      %swap3A_292 = vector.load %arg6[%swap3A_290, %swap3A_291] : memref<4096x192xf32, #tpu.memory_space<vmem>>, vector<256x192xf32>
      tpu.vector_store %arg6[%swap3A_290, %swap3A_291], %add3A_289 {strides = array<i32>} : memref<4096x192xf32, #tpu.memory_space<vmem>>, vector<256x192xf32>,
      %get3A_293 = arith.constant 1024 : index
      %get3A_294 = arith.constant 0 : index
      %get3A_295 = vector.load %arg6[%get3A_293, %get3A_294] : memref<4096x192xf32, #tpu.memory_space<vmem>>, vector<256x192xf32>
      %slice3A_296 = vector.extract_strided_slice %dot_general3A_205 {offsets = [1024, 0], sizes = [256, 192], strides = [1, 1]} : vector<4096x192xf32> to vector<256x192xf32>
      %mul3A_297 = vector.broadcast %get3A_3 : f32 to vector<1x192xf32>
      %mul3A_298 = arith.mulf %mul3A_297, %rsqrt3A_224 : vector<1x192xf32>
      %mul3A_299 = vector.broadcast %mul3A_298 : vector<1x192xf32> to vector<256x192xf32>
      %mul3A_300 = arith.mulf %slice3A_296, %mul3A_299 : vector<256x192xf32>
      %mul3A_301 = vector.broadcast %get3A_3 : f32 to vector<1x192xf32>
      %mul3A_302 = arith.mulf %mul3A_301, %mul3A_228 : vector<1x192xf32>
      %add3A_303 = vector.broadcast %mul3A_302 : vector<1x192xf32> to vector<256x192xf32>
      %add3A_304 = arith.addf %mul3A_300, %add3A_303 : vector<256x192xf32>
      %add3A_305 = arith.addf %get3A_295, %add3A_304 : vector<256x192xf32>
      %swap3A_306 = arith.constant 1024 : index
      %swap3A_307 = arith.constant 0 : index
      %swap3A_308 = vector.load %arg6[%swap3A_306, %swap3A_307] : memref<4096x192xf32, #tpu.memory_space<vmem>>, vector<256x192xf32>
      tpu.vector_store %arg6[%swap3A_306, %swap3A_307], %add3A_305 {strides = array<i32>} : memref<4096x192xf32, #tpu.memory_space<vmem>>, vector<256x192xf32>,
      %get3A_309 = arith.constant 1280 : index
      %get3A_310 = arith.constant 0 : index
      %get3A_311 = vector.load %arg6[%get3A_309, %get3A_310] : memref<4096x192xf32, #tpu.memory_space<vmem>>, vector<256x192xf32>
      %slice3A_312 = vector.extract_strided_slice %dot_general3A_205 {offsets = [1280, 0], sizes = [256, 192], strides = [1, 1]} : vector<4096x192xf32> to vector<256x192xf32>
      %mul3A_313 = vector.broadcast %get3A_6 : f32 to vector<1x192xf32>
      %mul3A_314 = arith.mulf %mul3A_313, %rsqrt3A_224 : vector<1x192xf32>
      %mul3A_315 = vector.broadcast %mul3A_314 : vector<1x192xf32> to vector<256x192xf32>
      %mul3A_316 = arith.mulf %slice3A_312, %mul3A_315 : vector<256x192xf32>
      %mul3A_317 = vector.broadcast %get3A_6 : f32 to vector<1x192xf32>
      %mul3A_318 = arith.mulf %mul3A_317, %mul3A_228 : vector<1x192xf32>
      %add3A_319 = vector.broadcast %mul3A_318 : vector<1x192xf32> to vector<256x192xf32>
      %add3A_320 = arith.addf %mul3A_316, %add3A_319 : vector<256x192xf32>
      %add3A_321 = arith.addf %get3A_311, %add3A_320 : vector<256x192xf32>
      %swap3A_322 = arith.constant 1280 : index
      %swap3A_323 = arith.constant 0 : index
      %swap3A_324 = vector.load %arg6[%swap3A_322, %swap3A_323] : memref<4096x192xf32, #tpu.memory_space<vmem>>, vector<256x192xf32>
      tpu.vector_store %arg6[%swap3A_322, %swap3A_323], %add3A_321 {strides = array<i32>} : memref<4096x192xf32, #tpu.memory_space<vmem>>, vector<256x192xf32>,
      %get3A_325 = arith.constant 1536 : index
      %get3A_326 = arith.constant 0 : index
      %get3A_327 = vector.load %arg6[%get3A_325, %get3A_326] : memref<4096x192xf32, #tpu.memory_space<vmem>>, vector<256x192xf32>
      %slice3A_328 = vector.extract_strided_slice %dot_general3A_205 {offsets = [1536, 0], sizes = [256, 192], strides = [1, 1]} : vector<4096x192xf32> to vector<256x192xf32>
      %mul3A_329 = vector.broadcast %get3A_9 : f32 to vector<1x192xf32>
      %mul3A_330 = arith.mulf %mul3A_329, %rsqrt3A_224 : vector<1x192xf32>
      %mul3A_331 = vector.broadcast %mul3A_330 : vector<1x192xf32> to vector<256x192xf32>
      %mul3A_332 = arith.mulf %slice3A_328, %mul3A_331 : vector<256x192xf32>
      %mul3A_333 = vector.broadcast %get3A_9 : f32 to vector<1x192xf32>
      %mul3A_334 = arith.mulf %mul3A_333, %mul3A_228 : vector<1x192xf32>
      %add3A_335 = vector.broadcast %mul3A_334 : vector<1x192xf32> to vector<256x192xf32>
      %add3A_336 = arith.addf %mul3A_332, %add3A_335 : vector<256x192xf32>
      %add3A_337 = arith.addf %get3A_327, %add3A_336 : vector<256x192xf32>
      %swap3A_338 = arith.constant 1536 : index
      %swap3A_339 = arith.constant 0 : index
      %swap3A_340 = vector.load %arg6[%swap3A_338, %swap3A_339] : memref<4096x192xf32, #tpu.memory_space<vmem>>, vector<256x192xf32>
      tpu.vector_store %arg6[%swap3A_338, %swap3A_339], %add3A_337 {strides = array<i32>} : memref<4096x192xf32, #tpu.memory_space<vmem>>, vector<256x192xf32>,
      %get3A_341 = arith.constant 1792 : index
      %get3A_342 = arith.constant 0 : index
      %get3A_343 = vector.load %arg6[%get3A_341, %get3A_342] : memref<4096x192xf32, #tpu.memory_space<vmem>>, vector<256x192xf32>
      %slice3A_344 = vector.extract_strided_slice %dot_general3A_205 {offsets = [1792, 0], sizes = [256, 192], strides = [1, 1]} : vector<4096x192xf32> to vector<256x192xf32>
      %mul3A_345 = vector.broadcast %get3A_12 : f32 to vector<1x192xf32>
      %mul3A_346 = arith.mulf %mul3A_345, %rsqrt3A_224 : vector<1x192xf32>
      %mul3A_347 = vector.broadcast %mul3A_346 : vector<1x192xf32> to vector<256x192xf32>
      %mul3A_348 = arith.mulf %slice3A_344, %mul3A_347 : vector<256x192xf32>
      %mul3A_349 = vector.broadcast %get3A_12 : f32 to vector<1x192xf32>
      %mul3A_350 = arith.mulf %mul3A_349, %mul3A_228 : vector<1x192xf32>
      %add3A_351 = vector.broadcast %mul3A_350 : vector<1x192xf32> to vector<256x192xf32>
      %add3A_352 = arith.addf %mul3A_348, %add3A_351 : vector<256x192xf32>
      %add3A_353 = arith.addf %get3A_343, %add3A_352 : vector<256x192xf32>
      %swap3A_354 = arith.constant 1792 : index
      %swap3A_355 = arith.constant 0 : index
      %swap3A_356 = vector.load %arg6[%swap3A_354, %swap3A_355] : memref<4096x192xf32, #tpu.memory_space<vmem>>, vector<256x192xf32>
      tpu.vector_store %arg6[%swap3A_354, %swap3A_355], %add3A_353 {strides = array<i32>} : memref<4096x192xf32, #tpu.memory_space<vmem>>, vector<256x192xf32>,
      %get3A_357 = arith.constant 2048 : index
      %get3A_358 = arith.constant 0 : index
      %get3A_359 = vector.load %arg6[%get3A_357, %get3A_358] : memref<4096x192xf32, #tpu.memory_space<vmem>>, vector<256x192xf32>
      %slice3A_360 = vector.extract_strided_slice %dot_general3A_205 {offsets = [2048, 0], sizes = [256, 192], strides = [1, 1]} : vector<4096x192xf32> to vector<256x192xf32>
      %mul3A_361 = vector.broadcast %get3A_3 : f32 to vector<1x192xf32>
      %mul3A_362 = arith.mulf %mul3A_361, %rsqrt3A_224 : vector<1x192xf32>
      %mul3A_363 = vector.broadcast %mul3A_362 : vector<1x192xf32> to vector<256x192xf32>
      %mul3A_364 = arith.mulf %slice3A_360, %mul3A_363 : vector<256x192xf32>
      %mul3A_365 = vector.broadcast %get3A_3 : f32 to vector<1x192xf32>
      %mul3A_366 = arith.mulf %mul3A_365, %mul3A_228 : vector<1x192xf32>
      %add3A_367 = vector.broadcast %mul3A_366 : vector<1x192xf32> to vector<256x192xf32>
      %add3A_368 = arith.addf %mul3A_364, %add3A_367 : vector<256x192xf32>
      %add3A_369 = arith.addf %get3A_359, %add3A_368 : vector<256x192xf32>
      %swap3A_370 = arith.constant 2048 : index
      %swap3A_371 = arith.constant 0 : index
      %swap3A_372 = vector.load %arg6[%swap3A_370, %swap3A_371] : memref<4096x192xf32, #tpu.memory_space<vmem>>, vector<256x192xf32>
      tpu.vector_store %arg6[%swap3A_370, %swap3A_371], %add3A_369 {strides = array<i32>} : memref<4096x192xf32, #tpu.memory_space<vmem>>, vector<256x192xf32>,
      %get3A_373 = arith.constant 2304 : index
      %get3A_374 = arith.constant 0 : index
      %get3A_375 = vector.load %arg6[%get3A_373, %get3A_374] : memref<4096x192xf32, #tpu.memory_space<vmem>>, vector<256x192xf32>
      %slice3A_376 = vector.extract_strided_slice %dot_general3A_205 {offsets = [2304, 0], sizes = [256, 192], strides = [1, 1]} : vector<4096x192xf32> to vector<256x192xf32>
      %mul3A_377 = vector.broadcast %get3A_6 : f32 to vector<1x192xf32>
      %mul3A_378 = arith.mulf %mul3A_377, %rsqrt3A_224 : vector<1x192xf32>
      %mul3A_379 = vector.broadcast %mul3A_378 : vector<1x192xf32> to vector<256x192xf32>
      %mul3A_380 = arith.mulf %slice3A_376, %mul3A_379 : vector<256x192xf32>
      %mul3A_381 = vector.broadcast %get3A_6 : f32 to vector<1x192xf32>
      %mul3A_382 = arith.mulf %mul3A_381, %mul3A_228 : vector<1x192xf32>
      %add3A_383 = vector.broadcast %mul3A_382 : vector<1x192xf32> to vector<256x192xf32>
      %add3A_384 = arith.addf %mul3A_380, %add3A_383 : vector<256x192xf32>
      %add3A_385 = arith.addf %get3A_375, %add3A_384 : vector<256x192xf32>
      %swap3A_386 = arith.constant 2304 : index
      %swap3A_387 = arith.constant 0 : index
      %swap3A_388 = vector.load %arg6[%swap3A_386, %swap3A_387] : memref<4096x192xf32, #tpu.memory_space<vmem>>, vector<256x192xf32>
      tpu.vector_store %arg6[%swap3A_386, %swap3A_387], %add3A_385 {strides = array<i32>} : memref<4096x192xf32, #tpu.memory_space<vmem>>, vector<256x192xf32>,
      %get3A_389 = arith.constant 2560 : index
      %get3A_390 = arith.constant 0 : index
      %get3A_391 = vector.load %arg6[%get3A_389, %get3A_390] : memref<4096x192xf32, #tpu.memory_space<vmem>>, vector<256x192xf32>
      %slice3A_392 = vector.extract_strided_slice %dot_general3A_205 {offsets = [2560, 0], sizes = [256, 192], strides = [1, 1]} : vector<4096x192xf32> to vector<256x192xf32>
      %mul3A_393 = vector.broadcast %get3A_9 : f32 to vector<1x192xf32>
      %mul3A_394 = arith.mulf %mul3A_393, %rsqrt3A_224 : vector<1x192xf32>
      %mul3A_395 = vector.broadcast %mul3A_394 : vector<1x192xf32> to vector<256x192xf32>
      %mul3A_396 = arith.mulf %slice3A_392, %mul3A_395 : vector<256x192xf32>
      %mul3A_397 = vector.broadcast %get3A_9 : f32 to vector<1x192xf32>
      %mul3A_398 = arith.mulf %mul3A_397, %mul3A_228 : vector<1x192xf32>
      %add3A_399 = vector.broadcast %mul3A_398 : vector<1x192xf32> to vector<256x192xf32>
      %add3A_400 = arith.addf %mul3A_396, %add3A_399 : vector<256x192xf32>
      %add3A_401 = arith.addf %get3A_391, %add3A_400 : vector<256x192xf32>
      %swap3A_402 = arith.constant 2560 : index
      %swap3A_403 = arith.constant 0 : index
      %swap3A_404 = vector.load %arg6[%swap3A_402, %swap3A_403] : memref<4096x192xf32, #tpu.memory_space<vmem>>, vector<256x192xf32>
      tpu.vector_store %arg6[%swap3A_402, %swap3A_403], %add3A_401 {strides = array<i32>} : memref<4096x192xf32, #tpu.memory_space<vmem>>, vector<256x192xf32>,
      %get3A_405 = arith.constant 2816 : index
      %get3A_406 = arith.constant 0 : index
      %get3A_407 = vector.load %arg6[%get3A_405, %get3A_406] : memref<4096x192xf32, #tpu.memory_space<vmem>>, vector<256x192xf32>
      %slice3A_408 = vector.extract_strided_slice %dot_general3A_205 {offsets = [2816, 0], sizes = [256, 192], strides = [1, 1]} : vector<4096x192xf32> to vector<256x192xf32>
      %mul3A_409 = vector.broadcast %get3A_12 : f32 to vector<1x192xf32>
      %mul3A_410 = arith.mulf %mul3A_409, %rsqrt3A_224 : vector<1x192xf32>
      %mul3A_411 = vector.broadcast %mul3A_410 : vector<1x192xf32> to vector<256x192xf32>
      %mul3A_412 = arith.mulf %slice3A_408, %mul3A_411 : vector<256x192xf32>
      %mul3A_413 = vector.broadcast %get3A_12 : f32 to vector<1x192xf32>
      %mul3A_414 = arith.mulf %mul3A_413, %mul3A_228 : vector<1x192xf32>
      %add3A_415 = vector.broadcast %mul3A_414 : vector<1x192xf32> to vector<256x192xf32>
      %add3A_416 = arith.addf %mul3A_412, %add3A_415 : vector<256x192xf32>
      %add3A_417 = arith.addf %get3A_407, %add3A_416 : vector<256x192xf32>
      %swap3A_418 = arith.constant 2816 : index
      %swap3A_419 = arith.constant 0 : index
      %swap3A_420 = vector.load %arg6[%swap3A_418, %swap3A_419] : memref<4096x192xf32, #tpu.memory_space<vmem>>, vector<256x192xf32>
      tpu.vector_store %arg6[%swap3A_418, %swap3A_419], %add3A_417 {strides = array<i32>} : memref<4096x192xf32, #tpu.memory_space<vmem>>, vector<256x192xf32>,
      %get3A_421 = arith.constant 3072 : index
      %get3A_422 = arith.constant 0 : index
      %get3A_423 = vector.load %arg6[%get3A_421, %get3A_422] : memref<4096x192xf32, #tpu.memory_space<vmem>>, vector<256x192xf32>
      %slice3A_424 = vector.extract_strided_slice %dot_general3A_205 {offsets = [3072, 0], sizes = [256, 192], strides = [1, 1]} : vector<4096x192xf32> to vector<256x192xf32>
      %mul3A_425 = vector.broadcast %get3A_3 : f32 to vector<1x192xf32>
      %mul3A_426 = arith.mulf %mul3A_425, %rsqrt3A_224 : vector<1x192xf32>
      %mul3A_427 = vector.broadcast %mul3A_426 : vector<1x192xf32> to vector<256x192xf32>
      %mul3A_428 = arith.mulf %slice3A_424, %mul3A_427 : vector<256x192xf32>
      %mul3A_429 = vector.broadcast %get3A_3 : f32 to vector<1x192xf32>
      %mul3A_430 = arith.mulf %mul3A_429, %mul3A_228 : vector<1x192xf32>
      %add3A_431 = vector.broadcast %mul3A_430 : vector<1x192xf32> to vector<256x192xf32>
      %add3A_432 = arith.addf %mul3A_428, %add3A_431 : vector<256x192xf32>
      %add3A_433 = arith.addf %get3A_423, %add3A_432 : vector<256x192xf32>
      %swap3A_434 = arith.constant 3072 : index
      %swap3A_435 = arith.constant 0 : index
      %swap3A_436 = vector.load %arg6[%swap3A_434, %swap3A_435] : memref<4096x192xf32, #tpu.memory_space<vmem>>, vector<256x192xf32>
      tpu.vector_store %arg6[%swap3A_434, %swap3A_435], %add3A_433 {strides = array<i32>} : memref<4096x192xf32, #tpu.memory_space<vmem>>, vector<256x192xf32>,
      %get3A_437 = arith.constant 3328 : index
      %get3A_438 = arith.constant 0 : index
      %get3A_439 = vector.load %arg6[%get3A_437, %get3A_438] : memref<4096x192xf32, #tpu.memory_space<vmem>>, vector<256x192xf32>
      %slice3A_440 = vector.extract_strided_slice %dot_general3A_205 {offsets = [3328, 0], sizes = [256, 192], strides = [1, 1]} : vector<4096x192xf32> to vector<256x192xf32>
      %mul3A_441 = vector.broadcast %get3A_6 : f32 to vector<1x192xf32>
      %mul3A_442 = arith.mulf %mul3A_441, %rsqrt3A_224 : vector<1x192xf32>
      %mul3A_443 = vector.broadcast %mul3A_442 : vector<1x192xf32> to vector<256x192xf32>
      %mul3A_444 = arith.mulf %slice3A_440, %mul3A_443 : vector<256x192xf32>
      %mul3A_445 = vector.broadcast %get3A_6 : f32 to vector<1x192xf32>
      %mul3A_446 = arith.mulf %mul3A_445, %mul3A_228 : vector<1x192xf32>
      %add3A_447 = vector.broadcast %mul3A_446 : vector<1x192xf32> to vector<256x192xf32>
      %add3A_448 = arith.addf %mul3A_444, %add3A_447 : vector<256x192xf32>
      %add3A_449 = arith.addf %get3A_439, %add3A_448 : vector<256x192xf32>
      %swap3A_450 = arith.constant 3328 : index
      %swap3A_451 = arith.constant 0 : index
      %swap3A_452 = vector.load %arg6[%swap3A_450, %swap3A_451] : memref<4096x192xf32, #tpu.memory_space<vmem>>, vector<256x192xf32>
      tpu.vector_store %arg6[%swap3A_450, %swap3A_451], %add3A_449 {strides = array<i32>} : memref<4096x192xf32, #tpu.memory_space<vmem>>, vector<256x192xf32>,
      %get3A_453 = arith.constant 3584 : index
      %get3A_454 = arith.constant 0 : index
      %get3A_455 = vector.load %arg6[%get3A_453, %get3A_454] : memref<4096x192xf32, #tpu.memory_space<vmem>>, vector<256x192xf32>
      %slice3A_456 = vector.extract_strided_slice %dot_general3A_205 {offsets = [3584, 0], sizes = [256, 192], strides = [1, 1]} : vector<4096x192xf32> to vector<256x192xf32>
      %mul3A_457 = vector.broadcast %get3A_9 : f32 to vector<1x192xf32>
      %mul3A_458 = arith.mulf %mul3A_457, %rsqrt3A_224 : vector<1x192xf32>
      %mul3A_459 = vector.broadcast %mul3A_458 : vector<1x192xf32> to vector<256x192xf32>
      %mul3A_460 = arith.mulf %slice3A_456, %mul3A_459 : vector<256x192xf32>
      %mul3A_461 = vector.broadcast %get3A_9 : f32 to vector<1x192xf32>
      %mul3A_462 = arith.mulf %mul3A_461, %mul3A_228 : vector<1x192xf32>
      %add3A_463 = vector.broadcast %mul3A_462 : vector<1x192xf32> to vector<256x192xf32>
      %add3A_464 = arith.addf %mul3A_460, %add3A_463 : vector<256x192xf32>
      %add3A_465 = arith.addf %get3A_455, %add3A_464 : vector<256x192xf32>
      %swap3A_466 = arith.constant 3584 : index
      %swap3A_467 = arith.constant 0 : index
      %swap3A_468 = vector.load %arg6[%swap3A_466, %swap3A_467] : memref<4096x192xf32, #tpu.memory_space<vmem>>, vector<256x192xf32>
      tpu.vector_store %arg6[%swap3A_466, %swap3A_467], %add3A_465 {strides = array<i32>} : memref<4096x192xf32, #tpu.memory_space<vmem>>, vector<256x192xf32>,
      %get3A_469 = arith.constant 3840 : index
      %get3A_470 = arith.constant 0 : index
      %get3A_471 = vector.load %arg6[%get3A_469, %get3A_470] : memref<4096x192xf32, #tpu.memory_space<vmem>>, vector<256x192xf32>
      %slice3A_472 = vector.extract_strided_slice %dot_general3A_205 {offsets = [3840, 0], sizes = [256, 192], strides = [1, 1]} : vector<4096x192xf32> to vector<256x192xf32>
      %mul3A_473 = vector.broadcast %get3A_12 : f32 to vector<1x192xf32>
      %mul3A_474 = arith.mulf %mul3A_473, %rsqrt3A_224 : vector<1x192xf32>
      %mul3A_475 = vector.broadcast %mul3A_474 : vector<1x192xf32> to vector<256x192xf32>
      %mul3A_476 = arith.mulf %slice3A_472, %mul3A_475 : vector<256x192xf32>
      %mul3A_477 = vector.broadcast %get3A_12 : f32 to vector<1x192xf32>
      %mul3A_478 = arith.mulf %mul3A_477, %mul3A_228 : vector<1x192xf32>
      %add3A_479 = vector.broadcast %mul3A_478 : vector<1x192xf32> to vector<256x192xf32>
      %add3A_480 = arith.addf %mul3A_476, %add3A_479 : vector<256x192xf32>
      %add3A_481 = arith.addf %get3A_471, %add3A_480 : vector<256x192xf32>
      %swap3A_482 = arith.constant 3840 : index
      %swap3A_483 = arith.constant 0 : index
      %swap3A_484 = vector.load %arg6[%swap3A_482, %swap3A_483] : memref<4096x192xf32, #tpu.memory_space<vmem>>, vector<256x192xf32>
      tpu.vector_store %arg6[%swap3A_482, %swap3A_483], %add3A_481 {strides = array<i32>} : memref<4096x192xf32, #tpu.memory_space<vmem>>, vector<256x192xf32>,
    } else {
    }
    return
  }
  func.func @transform_0(%arg0: i32) -> (i32, i32) {
    %c0_i32 = arith.constant 0 : i32
    %c0_i32_0 = arith.constant 0 : i32
    %c0_i32_1 = arith.constant 0 : i32
    return %c0_i32, %c0_i32_0 : i32, i32
  }
  func.func @transform_1(%arg0: i32) -> (i32, i32) {
    %c0_i32 = arith.constant 0 : i32
    %c0_i32_0 = arith.constant 0 : i32
    %c0_i32_1 = arith.constant 0 : i32
    return %c0_i32, %c0_i32_0 : i32, i32
  }
  func.func @transform_2(%arg0: i32) -> (i32, i32) {
    %c0_i32 = arith.constant 0 : i32
    %c0_i32_0 = arith.constant 0 : i32
    %c0_i32_1 = arith.constant 0 : i32
    return %c0_i32, %c0_i32_0 : i32, i32
  }
  func.func @transform_3(%arg0: i32) -> (i32, i32, i32) {
    %c0_i32 = arith.constant 0 : i32
    %c0_i32_0 = arith.constant 0 : i32
    %c0_i32_1 = arith.constant 0 : i32
    return %arg0, %c0_i32, %c0_i32_0 : i32, i32, i32
  }
  func.func @transform_4(%arg0: i32) -> (i32, i32, i32) {
    %c0_i32 = arith.constant 0 : i32
    %c0_i32_0 = arith.constant 0 : i32
    %c0_i32_1 = arith.constant 0 : i32
    return %arg0, %c0_i32, %c0_i32_0 : i32, i32, i32
  }
  func.func @transform_5(%arg0: i32) -> (i32, i32) {
    %c0_i32 = arith.constant 0 : i32
    %c0_i32_0 = arith.constant 0 : i32
    %c0_i32_1 = arith.constant 0 : i32
    return %c0_i32, %c0_i32_0 : i32, i32
  }
}

</mosaic_0001>

<sc_bundles>
// kernel: kernel.5.cloned.1.call-start
scs
__scs_entry_jumppad:
0x0: {  	(pc) =	sbr.rel $0x88, $3  }
0x1: {  	(tag) =	ssettag $0x0;
	lr =	simm.s32 $0x1  }
0x2: {  	[smem:$0x3F99] =	sst lr;
	_ =	strace $0xD0000000  }
0x3: {  	_ = 	snop  }
0x4: {  	_ = 	snop  }
0x5: {  	_ = 	snop  }
0x6: {  	_ = 	snop  }
0x7: {  	_ = 	snop  }
__scs_overlays_trampoline_lowered:
0x8: {  	[smem:$0x3FA8] =	sst s0  }
0x9: {  	[smem:$0x3FA9] =	sst s1  }
0xa: {  	[smem:$0x3FAA] =	sst s2  }
0xb: {  	[smem:$0x3FAB] =	sst s3  }
0xc: {  	[smem:$0x3FAC] =	sst s4  }
0xd: {  	[smem:$0x3FAD] =	sst s5  }
0xe: {  	[smem:$0x3FAE] =	sst s6  }
0xf: {  	[smem:$0x3FAF] =	sst s7  }
0x10: {  	[smem:$0x3FB0] =	sst s8  }
0x11: {  	[smem:$0x3FB1] =	sst s9;
	s0 =	simm.s32 @!p0 $0x0  }
0x12: {  	s1 =	sld [smem:$0x3F97];
	s0 =	simm.s32 @p0 $0x1  }
0x13: {  	[smem:$0x3FB2] =	sst s0;
	s0 =	simm.s32 @!p1 $0x0  }
0x14: {  	s2 =	sld [smem:$0x3F96];
	s0 =	simm.s32 @p1 $0x1  }
0x15: {  	[smem:$0x3FB3] =	sst s0;
	s0 =	simm.s32 @!p2 $0x0  }
0x16: {  	s3 =	sld [smem:$0x3FDB];
	s0 =	simm.s32 @p2 $0x1  }
0x17: {  	s4 =	simm.s32 $0x1BF5;
	[smem:$0x3FB5] =	sst s0  }
0x18: {  	s0 =	sld [smem:$0x3F98];
	_ =	swait.ge [sflag:s4], $0x0  }
0x19: {  	s7 =	sld [smem:$0x3F99]  }
0x1a: {  	s8 =	sadd.s32 $0xFFFFE003, lr  }
0x1b: {  	s9 =	sadd.s32 $0xFFFFFEF7, lr;
	s5 =	simm.s32 $0xFFFFFFFF;
	p2 =	slt.u32 s8, $0xFFFFF086  }
0x1c: {  	p1 =	slt.u32 s9, $0xF7A;
	s5 =	simm.s32 @!p2 $0x0  }
0x1d: {  	s5 =	simm.s32 @p1 $0x1;
	p0 =	seq.s32 s7, s2  }
0x1e: {  	s7 =	smul.u32 @!p0 $0xF7A, s2;
	p2 =	seq.s32 @!p0 s5, $0x0  }
0x1f: {  	s9 =	smul.u32 $0xF7A, s1;
	s8 =	simm.s32 @!p0 $0x1BF5;
	p2 =	por !p2, p0  }
0x20: {  	[sflag:s8] =	ssyncset.s32 @!p0 $0xFFFFF086;
	s6 =	sadd.s32 @!p0 s3, s7;
	s7 =	simm.s32 @!p0 $0x108  }
0x21: {  	s3 =	sadd.s32 s3, s9;
	s6 =	sadd.s32 @!p0 $0x88, s6;
	s7 =	simm.s32 @p2 $0x1082  }
0x22: {  	[simem:s7], [sflag:s8] =	dma.local @!p0 [hbm:s6], $0xF7A  }
0x23: {  	s9 =	sor.u32 $0xD0000000, s2;
	s6 =	simm.s32 $0x108;
	_ =	swait.ge @!p0 [sflag:s8], $0x0  }
0x24: {  	s3 =	sadd.s32 $0x88, s3;
	s6 =	simm.s32 @!p1 $0x1082;
	[sflag:s4] =	ssyncset.s32 $0xFFFFF086  }
0x25: {  	[simem:s6], [sflag:s4] =	dma.local [hbm:s3], $0xF7A  }
0x26: {  	[smem:$0x3F99] =	sst s1;
	(tag) =	ssettag s2;
	_ =	strace s9  }
0x27: {  	s1 =	sld [smem:$0x3FA9]  }
0x28: {  	s2 =	sld [smem:$0x3FAA]  }
0x29: {  	s4 =	sld [smem:$0x3FAC]  }
0x2a: {  	p0 =	seq.s32 s5, $0x0;
	s5 =	sld [smem:$0x3FAD]  }
0x2b: {  	s6 =	sld [smem:$0x3FAE]  }
0x2c: {  	s7 =	sld [smem:$0x3FAF]  }
0x2d: {  	s3 =	simm.s32 $0x108;
	s8 =	sld [smem:$0x3FB0]  }
0x2e: {  	s3 =	simm.s32 @!p0 $0x1082;
	s9 =	sld [smem:$0x3FB1]  }
0x2f: {  	lr =	sadd.s32 s0, s3;
	s0 =	sld [smem:$0x3FA8]  }
0x30: {  	s3 =	sld [smem:$0x3FAB]  }
0x31: {  	[smem:$0x3FB4] =	sst s10  }
0x32: {  	s10 =	sld [smem:$0x3FB2];
	_ =	sdelay $0x3  }
0x33: {  	p0 =	seq.s32 s10, $0x1;
	s10 =	sld [smem:$0x3FB4];
	_ =	sdelay $0x3  }
0x34: {  	[smem:$0x3FB4] =	sst s10  }
0x35: {  	s10 =	sld [smem:$0x3FB3];
	_ =	sdelay $0x3  }
0x36: {  	p1 =	seq.s32 s10, $0x1;
	s10 =	sld [smem:$0x3FB4];
	_ =	sdelay $0x3  }
0x37: {  	[smem:$0x3FB4] =	sst s10  }
0x38: {  	s10 =	sld [smem:$0x3FB5]  }
0x39: {  	_ = 	snop;
	(pc) =	sbr.ind lr, $3  }
0x3a: {  	_ = 	snop  }
0x3b: {  	_ = 	snop  }
0x3c: {  	p2 =	seq.s32 s10, $0x1;
	s10 =	sld [smem:$0x3FB4]  }
0x3d: {  	_ =	shalt  }
0x3e: {  	_ =	shalt  }
0x3f: {  	_ =	shalt  }
0x40: {  	_ =	shalt  }
0x41: {  	_ =	shalt  }
0x42: {  	_ =	shalt  }
0x43: {  	_ =	shalt  }
0x44: {  	_ =	shalt  }
0x45: {  	_ =	shalt  }
0x46: {  	_ =	shalt  }
0x47: {  	_ =	shalt  }
0x48: {  	_ =	shalt  }
0x49: {  	_ =	shalt  }
0x4a: {  	_ =	shalt  }
0x4b: {  	_ =	shalt  }
0x4c: {  	_ =	shalt  }
0x4d: {  	_ =	shalt  }
0x4e: {  	_ =	shalt  }
0x4f: {  	_ =	shalt  }
0x50: {  	_ =	shalt  }
0x51: {  	_ =	shalt  }
0x52: {  	_ =	shalt  }
0x53: {  	_ =	shalt  }
0x54: {  	_ =	shalt  }
0x55: {  	_ =	shalt  }
0x56: {  	_ =	shalt  }
0x57: {  	_ =	shalt  }
0x58: {  	_ =	shalt  }
0x59: {  	_ =	shalt  }
0x5a: {  	_ =	shalt  }
0x5b: {  	_ =	shalt  }
0x5c: {  	_ =	shalt  }
0x5d: {  	_ =	shalt  }
0x5e: {  	_ =	shalt  }
0x5f: {  	_ =	shalt  }
0x60: {  	_ =	shalt  }
0x61: {  	_ =	shalt  }
0x62: {  	_ =	shalt  }
0x63: {  	_ =	shalt  }
0x64: {  	_ =	shalt  }
0x65: {  	_ =	shalt  }
0x66: {  	_ =	shalt  }
0x67: {  	_ =	shalt  }
0x68: {  	_ =	shalt  }
0x69: {  	_ =	shalt  }
0x6a: {  	_ =	shalt  }
0x6b: {  	_ =	shalt  }
0x6c: {  	_ =	shalt  }
0x6d: {  	_ =	shalt  }
0x6e: {  	_ =	shalt  }
0x6f: {  	_ =	shalt  }
0x70: {  	_ =	shalt  }
0x71: {  	_ =	shalt  }
0x72: {  	_ =	shalt  }
0x73: {  	_ =	shalt  }
0x74: {  	_ =	shalt  }
0x75: {  	_ =	shalt  }
0x76: {  	_ =	shalt  }
0x77: {  	_ =	shalt  }
0x78: {  	_ =	shalt  }
0x79: {  	_ =	shalt  }
0x7a: {  	_ =	shalt  }
0x7b: {  	_ =	shalt  }
0x7c: {  	_ =	shalt  }
0x7d: {  	_ =	shalt  }
0x7e: {  	_ =	shalt  }
0x7f: {  	_ =	shalt  }
0x80: {  	_ =	shalt  }
0x81: {  	_ =	shalt  }
0x82: {  	_ =	shalt  }
0x83: {  	_ =	shalt  }
0x84: {  	_ =	shalt  }
0x85: {  	_ =	shalt  }
0x86: {  	_ =	shalt  }
0x87: {  	_ =	shalt  }
.Lfunc_end0:
.L_simem_size_0:
called_computation_lowered:
.L_overlay_start_0:
0x88: {  	s2 =	sld [smem:$0x3FD9]  }
0x89: {  	s3 =	sld [smem:$0x3FFE];
	_ =	sdelay $0x1  }
0x8a: {  	s1 =	srdreg.scid  }
0x8b: {  	s0 =	sand.u32 $0x1, s1  }
0x8c: {  	s17 =	sshll.u32 s0, $0xA;
	s2 =	sadd.s32 s3, s2  }
0x8d: {  	s2 =	sadd.s32 s2, s17  }
0x8e: {  	[smem:$0x3FC0] =	sst s2  }
0x8f: {  	_ = 	snop  }
0x90: {  	s2 =	sld [smem:$0x3FD0];
	(tm) =	ssettm $0x1  }
0x91: {  	s18 =	sld [smem:$0x3FFB];
	_ =	sdelay $0x3  }
0x92: {  	_ =	strace s18  }
0x93: {  	s3 =	sld [smem:$0x3FFC];
	_ =	sdelay $0x3  }
0x94: {  	_ =	strace s3  }
0x95: {  	s3 =	sld [smem:$0x3FFD];
	_ =	sdelay $0x3  }
0x96: {  	_ =	strace s3  }
0x97: {  	_ =	strace $0x8FFFFFFF  }
0x98: {  	s19 =	sld [smem:$0x3FDB];
	_ =	sdelay $0x1  }
0x99: {  	s4 =	simm.s32 $_scs_section_size  }
0x9a: {  	s5 =	simm.s32 $_size__tile_overlayer_lowered;
	s6 =	simm.s32 $_tile_overlayer_lowered  }
0x9b: {  	s22 =	simm.s32 $0x1BFF;
	s21 =	sshll.u32 s6, $0x1;
	s3 =	sadd.s32 s4, s19  }
0x9c: {  	s7 =	simm.s32 $0x0;
	s20 =	sshll.u32 s5, $0x1;
	s5 =	sadd.s32 s21, s3  }
0x9d: {  	[timem:s7], [sflag:s22] =	dma.local [hbm:s5], s20  }
0x9e: {  	_ =	swait.ge [sflag:s22], s20  }
0x9f: {  	s4 =	ssub.s32 $0x0, s20;
	[sflag:s22] =	ssyncset.done $0x0  }
0xa0: {  	[sflag:s22] =	ssyncadd.s32 s4;
	_ =	sdelay $0x1  }
0xa1: {  	s23 =	simm.s32 $0x1B8B  }
0xa2: {  	_ =	swait.ge [sflag:s23], $0x1  }
0xa3: {  	[sflag:s23] =	ssyncset.done $0x0  }
0xa4: {  	s25 =	simm.s32 $0x1B8E;
	s24 =	sld [smem:$0x3FFE];
	[sflag:s23] =	ssyncadd.s32 $0xFFFFFFFF  }
0xa5: {  	s26 =	simm.s32 $execute0_lowered;
	[smem:$0x3FD2] =	sst s25  }
0xa6: {  	s5 =	sshll.u32 s26, $0x1;
	_ =	strace $0x80000046;
	[dreg:$0x1] =	wrdreg $0xFFFFFFFF  }
0xa7: {  	s28 =	simm.s32 $_size_execute0_lowered;
	s3 =	sadd.s32 s3, s5;
	[dreg:$0x0] =	wrdreg $0x0  }
0xa8: {  	s5 =	sshll.u32 s28, $0x1;
	[dreg:$0x2] =	wrdreg s3  }
0xa9: {  	[dreg:$0x3] =	wrdreg s5  }
0xaa: {  	[dreg:$0x4] =	wrdreg $0xC0  }
0xab: {  	_ =	task [dreg:s7], $0x5FFFF  }
0xac: {  	[dreg:$0x1] =	wrdreg $0xFFFFFFFF  }
0xad: {  	[dreg:$0x0] =	wrdreg $0x60  }
0xae: {  	[dreg:$0x2] =	wrdreg s2  }
0xaf: {  	[dreg:$0x3] =	wrdreg s24  }
0xb0: {  	[dreg:$0x4] =	wrdreg $0x9  }
0xb1: {  	_ =	task.clear_ibuf [dreg:s7], $0x5FFFF;
	_ =	strace $0x90000046  }
0xb2: {  	s29 =	simm.s32 $0x9;
	_ =	strace $0x80000048  }
0xb3: {  	_ =	swait.ge [sflag:s29], $0x1  }
0xb4: {  	[sflag:s29] =	ssyncadd.s32 $0xFFFFFFFF  }
0xb5: {  	_ =	strace $0x90000048  }
0xb6: {  	_ =	sfence  }
0xb7: {  	s30 =	sld [smem:$0x0];
	_ =	sdelay $0x2  }
0xb8: {  	s31 =	sshll.u32 s1, $0xD;
	s1 =	sshrl.u32 s1, $0x2  }
0xb9: {  	s3 =	sand.u32 $0x4000, s31;
	s1 =	sadd.s32 s1, s30  }
0xba: {  	s0 =	sor.u32 s3, s0;
	s1 =	sshll.u32 s1, $0x11  }
0xbb: {  	s0 =	sor.u32 s1, s0  }
0xbc: {  	s0 =	sadd.s32 $0x8F2B, s0  }
0xbd: {  	[sflag:s0] =	ssyncadd.remote.s32 $0x1  }
0xbe: {  	_ =	sfence.sel $0xFFFF  }
0xbf: {  	[dreg:$0x0] =	wrdreg $0xFFFFFFFF;
	(pc) =	sbr.abs _section_cstart, $3  }
0xc0: {  	[dreg:$0x1] =	wrdreg $0xFFFFFFFF  }
0xc1: {  	_ =	task.clear_ibuf [dreg:s7], $0x2FFFF;
	_ =	strace $0x9FFFFFFF  }
0xc2: {  	(tm) =	ssettm $0x7FFFFFFF  }
0xc3: {  	_ =	shalt  }
tec
execute0_lowered:
.L_overlay_start_1:
0x0: {  	(tag) =	ssettag $0x1  }
0x1: {  	s0 =	srdreg.scid  }
0x2: {  	s1 =	stileid.u32;
	s4 =	sand.u32 $0x1, s0  }
0x3: {  	s5 =	sor.u32 s1, s4  }
0x4: {  	p0 =	sne.s32 s5, $0x0  }
.Ltmp0:
0x5: {  	_ = 	snop;
	(pc) =	sbr.rel @p0 .LBB2_3-.Ltmp0, $4  }
0x6: {  	s2 =	rddreg [dreg:$0x0]  }
0x7: {  	s11 =	rddreg [dreg:$0x1];
	s3 =	simm.s32 $0x0  }
0x8: {  	[smem:$0x7FF] =	sst s3  }
0x9: {  	s0 =	rddreg [dreg:$0x2];
	_ =	strace $0x80000047  }
0xa: {  	s5 =	ssub.s32 $0x2, s4;
	s4 =	sadd.s32 $0x1E00, s11;
	s7 =	sadd.s32 $0x1E10, s11  }
0xb: {  	s8 =	sadd.s32 $0x20, s2;
	s9 =	sadd.s32 $0x1E20, s11;
	s10 =	sadd.s32 $0x30, s2  }
0xc: {  	s11 =	sadd.s32 $0x1E30, s11;
	s12 =	simm.s32 $0x1;
	s6 =	sshrl.u32 s5, $0x1  }
0xd: {  	v0 =	vimm.f32 $0.0e+00;
	v1 =	vlaneseq.u32;
	s13 =	simm.s32 $0x80;
	s5 =	ssub.s32 s5, s6;
	s6 =	sadd.s32 $0x10, s2  }
.LBB2_2:
0xe: {  	[tilespmem:$0x80] =	vst v0  }
0xf: {  	[tilespmem:$0x90] =	vst v0  }
0x10: {  	[tilespmem:$0xA0] =	vst v0  }
0x11: {  	[tilespmem:$0xB0] =	vst v0  }
0x12: {  	[tilespmem:$0xC0] =	vst v0  }
0x13: {  	[tilespmem:$0xD0] =	vst v0  }
0x14: {  	[tilespmem:$0xE0] =	vst v0  }
0x15: {  	[tilespmem:$0xF0] =	vst v0  }
0x16: {  	[tilespmem:s3], [sflag:$0x1] =	stream.linear.gather [hbm4b:s2+s3], $0x80, $0x38;
	[tilespmem:$0x200] =	vst v63  }
0x17: {  	_ =	swait.ge [sflag:s12], $0x80  }
0x18: {  	[sflag:s12] =	ssyncset.done $0x0  }
0x19: {  	[sflag:s12] =	ssyncadd.s32 $0xFFFFFF80  }
0x1a: {  	v2 =	vld [tilespmem:$0x0];
	_ =	sdelay $0x2  }
0x1b: {  	[tilespmem:$0x180] =	vst v1  }
0x1c: {  	[tilespmem:$0x190] =	vst v1  }
0x1d: {  	[tilespmem:$0x100] =	vst v2  }
0x1e: {  	v4 =	vld [tilespmem:$0x181];
	[tilespmem:$0x110] =	vst v2  }
0x1f: {  	v3 =	vld [tilespmem:$0x101];
	_ =	sdelay $0x4  }
0x20: {  	vm1 =	vlt.s32 v4, v1;
	vm0 =	veq.f32 v3, v2  }
0x21: {  	vm2 =	vgt.f32 v3, v2;
	vm0 =	vmand vm0, vm1  }
0x22: {  	vm0 =	vmor vm2, vm0  }
0x23: {  	v3 =	vsel vm0, v3, v2  }
0x24: {  	[tilespmem:$0x100] =	vst v3  }
0x25: {  	v4 =	vsel vm0, v4, v1;
	[tilespmem:$0x110] =	vst v3  }
0x26: {  	[tilespmem:$0x180] =	vst v4  }
0x27: {  	[tilespmem:$0x190] =	vst v4;
	v5 =	vld [tilespmem:$0x102]  }
0x28: {  	v6 =	vld [tilespmem:$0x182];
	_ =	sdelay $0x4  }
0x29: {  	vm6 =	veq.f32 v5, v3;
	vm7 =	vlt.s32 v6, v4  }
0x2a: {  	vm8 =	vgt.f32 v5, v3;
	vm0 =	vmand vm6, vm7  }
0x2b: {  	vm0 =	vmor vm8, vm0  }
0x2c: {  	v3 =	vsel vm0, v5, v3  }
0x2d: {  	[tilespmem:$0x100] =	vst v3  }
0x2e: {  	v4 =	vsel vm0, v6, v4;
	[tilespmem:$0x110] =	vst v3  }
0x2f: {  	[tilespmem:$0x180] =	vst v4  }
0x30: {  	[tilespmem:$0x190] =	vst v4;
	v55 =	vld [tilespmem:$0x104]  }
0x31: {  	v56 =	vld [tilespmem:$0x184];
	_ =	sdelay $0x4  }
0x32: {  	vm9 =	veq.f32 v55, v3;
	vm10 =	vlt.s32 v56, v4  }
0x33: {  	vm11 =	vgt.f32 v55, v3;
	vm0 =	vmand vm9, vm10  }
0x34: {  	vm0 =	vmor vm11, vm0  }
0x35: {  	v3 =	vsel vm0, v55, v3  }
0x36: {  	[tilespmem:$0x100] =	vst v3  }
0x37: {  	v4 =	vsel vm0, v56, v4;
	[tilespmem:$0x110] =	vst v3  }
0x38: {  	[tilespmem:$0x180] =	vst v4  }
0x39: {  	[tilespmem:$0x190] =	vst v4;
	v57 =	vld [tilespmem:$0x108]  }
0x3a: {  	v58 =	vld [tilespmem:$0x188];
	_ =	sdelay $0x4  }
0x3b: {  	vm12 =	veq.f32 v57, v3;
	vm13 =	vlt.s32 v58, v4  }
0x3c: {  	vm14 =	vgt.f32 v57, v3;
	vm0 =	vmand vm12, vm13  }
0x3d: {  	vm1 =	vmor vm14, vm0  }
0x3e: {  	v4 =	vsel vm1, v58, v4  }
0x3f: {  	[tilespmem:$0x180] =	vst v1;
	vm0 =	veq.s32 v4, v1  }
0x40: {  	[tilespmem:$0x190] =	vst v1;
	v2 =	vsel vm0, $0xF149F2CA, v2  }
0x41: {  	[tilespmem:$0x100] =	vst v2  }
0x42: {  	v60 =	vld [tilespmem:$0x181];
	[tilespmem:$0x110] =	vst v2  }
0x43: {  	v59 =	vld [tilespmem:$0x101];
	_ =	sdelay $0x4  }
0x44: {  	vm3 =	vlt.s32 v60, v1;
	vm15 =	veq.f32 v59, v2  }
0x45: {  	vm6 =	vgt.f32 v59, v2;
	vm2 =	vmand vm15, vm3  }
0x46: {  	vm2 =	vmor vm6, vm2  }
0x47: {  	v2 =	vsel vm2, v59, v2  }
0x48: {  	[tilespmem:$0x100] =	vst v2  }
0x49: {  	v61 =	vsel vm2, v60, v1;
	[tilespmem:$0x110] =	vst v2  }
0x4a: {  	[tilespmem:$0x180] =	vst v61  }
0x4b: {  	[tilespmem:$0x190] =	vst v61;
	v62 =	vld [tilespmem:$0x102]  }
0x4c: {  	v7 =	vld [tilespmem:$0x182];
	_ =	sdelay $0x4  }
0x4d: {  	vm7 =	veq.f32 v62, v2;
	vm8 =	vlt.s32 v7, v61  }
0x4e: {  	vm9 =	vgt.f32 v62, v2;
	vm2 =	vmand vm7, vm8  }
0x4f: {  	vm2 =	vmor vm9, vm2  }
0x50: {  	v2 =	vsel vm2, v62, v2  }
0x51: {  	[tilespmem:$0x100] =	vst v2  }
0x52: {  	v4 =	vsel vm2, v7, v61;
	[tilespmem:$0x110] =	vst v2  }
0x53: {  	[tilespmem:$0x180] =	vst v4  }
0x54: {  	[tilespmem:$0x190] =	vst v4;
	v63 =	vld [tilespmem:$0x104]  }
0x55: {  	v9 =	vld [tilespmem:$0x184];
	_ =	sdelay $0x4  }
0x56: {  	vm10 =	veq.f32 v63, v2;
	vm11 =	vlt.s32 v9, v4  }
0x57: {  	vm12 =	vgt.f32 v63, v2;
	vm2 =	vmand vm10, vm11  }
0x58: {  	vm2 =	vmor vm12, vm2  }
0x59: {  	v2 =	vsel vm2, v63, v2  }
0x5a: {  	[tilespmem:$0x100] =	vst v2  }
0x5b: {  	v4 =	vsel vm2, v9, v4;
	[tilespmem:$0x110] =	vst v2  }
0x5c: {  	[tilespmem:$0x180] =	vst v4  }
0x5d: {  	[tilespmem:$0x190] =	vst v4;
	v10 =	vld [tilespmem:$0x108]  }
0x5e: {  	v11 =	vld [tilespmem:$0x188];
	_ =	sdelay $0x4  }
0x5f: {  	vm13 =	veq.f32 v10, v2;
	vm14 =	vlt.s32 v11, v4  }
0x60: {  	vm15 =	vgt.f32 v10, v2;
	vm2 =	vmand vm13, vm14  }
0x61: {  	vm2 =	vmor vm15, vm2  }
0x62: {  	v3 =	vsel vm1, v57, v3;
	v2 =	vsel vm2, v10, v2  }
0x63: {  	v2 =	vsub.f32 v2, v3;
	_ =	sdelay $0x1  }
0x64: {  	v2 =	vmul.f32 $1.442695020e+00, v2;
	_ =	sdelay $0x1  }
0x65: {  	(erf) = vpow2.f32 v2;
	_ =	sdelay $0x8  }
0x66: {  	v2 =	vpop (erf)  }
0x67: {  	v2 =	vadd.f32 $1.000000000e+00, v2;
	_ =	sdelay $0x1  }
0x68: {  	(erf) = vrcp.f32 v2;
	_ =	sdelay $0x8  }
0x69: {  	v2 =	vpop (erf)  }
0x6a: {  	v3 =	vsel vm2, v11, v4;
	v12 =	vsub.f32 $1.000000000e+00, v2  }
0x6b: {  	vm6 =	veq.s32 v3, v1  }
0x6c: {  	v3 =	vnsel vm6, $0x0, v12  }
0x6d: {  	v2 =	vsel vm0, v2, v3  }
0x6e: {  	[tilespmem:$0x80] =	vst v2  }
0x6f: {  	[hbm4b:s4+s3] =	stream.linear.scatter [tilespmem:s13], [sflag:$0x1], $0x80, $0x38;
	[tilespmem:$0x200] =	vst v63  }
0x70: {  	_ =	swait.ge [sflag:s12], $0x80  }
0x71: {  	[sflag:s12] =	ssyncset.done $0x0  }
0x72: {  	[sflag:s12] =	ssyncadd.s32 $0xFFFFFF80  }
0x73: {  	[tilespmem:s3], [sflag:$0x1] =	stream.linear.gather [hbm4b:s6+s3], $0x80, $0x38;
	[tilespmem:$0x200] =	vst v63  }
0x74: {  	_ =	swait.ge [sflag:s12], $0x80  }
0x75: {  	[sflag:s12] =	ssyncset.done $0x0  }
0x76: {  	[sflag:s12] =	ssyncadd.s32 $0xFFFFFF80  }
0x77: {  	v2 =	vld [tilespmem:$0x0];
	_ =	sdelay $0x2  }
0x78: {  	[tilespmem:$0x180] =	vst v1  }
0x79: {  	[tilespmem:$0x190] =	vst v1  }
0x7a: {  	[tilespmem:$0x100] =	vst v2  }
0x7b: {  	v13 =	vld [tilespmem:$0x181];
	[tilespmem:$0x110] =	vst v2  }
0x7c: {  	v3 =	vld [tilespmem:$0x101];
	_ =	sdelay $0x4  }
0x7d: {  	vm8 =	vlt.s32 v13, v1;
	vm7 =	veq.f32 v3, v2  }
0x7e: {  	vm9 =	vgt.f32 v3, v2;
	vm0 =	vmand vm7, vm8  }
0x7f: {  	vm0 =	vmor vm9, vm0  }
0x80: {  	v3 =	vsel vm0, v3, v2  }
0x81: {  	[tilespmem:$0x100] =	vst v3  }
0x82: {  	v4 =	vsel vm0, v13, v1;
	[tilespmem:$0x110] =	vst v3  }
0x83: {  	[tilespmem:$0x180] =	vst v4  }
0x84: {  	[tilespmem:$0x190] =	vst v4;
	v14 =	vld [tilespmem:$0x102]  }
0x85: {  	v15 =	vld [tilespmem:$0x182];
	_ =	sdelay $0x4  }
0x86: {  	vm10 =	veq.f32 v14, v3;
	vm11 =	vlt.s32 v15, v4  }
0x87: {  	vm12 =	vgt.f32 v14, v3;
	vm0 =	vmand vm10, vm11  }
0x88: {  	vm0 =	vmor vm12, vm0  }
0x89: {  	v3 =	vsel vm0, v14, v3  }
0x8a: {  	[tilespmem:$0x100] =	vst v3  }
0x8b: {  	v4 =	vsel vm0, v15, v4;
	[tilespmem:$0x110] =	vst v3  }
0x8c: {  	[tilespmem:$0x180] =	vst v4  }
0x8d: {  	[tilespmem:$0x190] =	vst v4;
	v16 =	vld [tilespmem:$0x104]  }
0x8e: {  	v17 =	vld [tilespmem:$0x184];
	_ =	sdelay $0x4  }
0x8f: {  	vm13 =	veq.f32 v16, v3;
	vm14 =	vlt.s32 v17, v4  }
0x90: {  	vm15 =	vgt.f32 v16, v3;
	vm0 =	vmand vm13, vm14  }
0x91: {  	vm0 =	vmor vm15, vm0  }
0x92: {  	v3 =	vsel vm0, v16, v3  }
0x93: {  	[tilespmem:$0x100] =	vst v3  }
0x94: {  	v4 =	vsel vm0, v17, v4;
	[tilespmem:$0x110] =	vst v3  }
0x95: {  	[tilespmem:$0x180] =	vst v4  }
0x96: {  	[tilespmem:$0x190] =	vst v4;
	v18 =	vld [tilespmem:$0x108]  }
0x97: {  	v19 =	vld [tilespmem:$0x188];
	_ =	sdelay $0x4  }
0x98: {  	vm4 =	veq.f32 v18, v3;
	vm5 =	vlt.s32 v19, v4  }
0x99: {  	vm6 =	vgt.f32 v18, v3;
	vm0 =	vmand vm4, vm5  }
0x9a: {  	vm1 =	vmor vm6, vm0  }
0x9b: {  	v4 =	vsel vm1, v19, v4  }
0x9c: {  	[tilespmem:$0x180] =	vst v1;
	vm0 =	veq.s32 v4, v1  }
0x9d: {  	[tilespmem:$0x190] =	vst v1;
	v2 =	vsel vm0, $0xF149F2CA, v2  }
0x9e: {  	[tilespmem:$0x100] =	vst v2  }
0x9f: {  	v21 =	vld [tilespmem:$0x181];
	[tilespmem:$0x110] =	vst v2  }
0xa0: {  	v20 =	vld [tilespmem:$0x101];
	_ =	sdelay $0x4  }
0xa1: {  	vm8 =	vlt.s32 v21, v1;
	vm7 =	veq.f32 v20, v2  }
0xa2: {  	vm9 =	vgt.f32 v20, v2;
	vm2 =	vmand vm7, vm8  }
0xa3: {  	vm2 =	vmor vm9, vm2  }
0xa4: {  	v2 =	vsel vm2, v20, v2  }
0xa5: {  	[tilespmem:$0x100] =	vst v2  }
0xa6: {  	v22 =	vsel vm2, v21, v1;
	[tilespmem:$0x110] =	vst v2  }
0xa7: {  	[tilespmem:$0x180] =	vst v22  }
0xa8: {  	[tilespmem:$0x190] =	vst v22;
	v23 =	vld [tilespmem:$0x102]  }
0xa9: {  	v24 =	vld [tilespmem:$0x182];
	_ =	sdelay $0x4  }
0xaa: {  	vm10 =	veq.f32 v23, v2;
	vm11 =	vlt.s32 v24, v22  }
0xab: {  	vm12 =	vgt.f32 v23, v2;
	vm2 =	vmand vm10, vm11  }
0xac: {  	vm2 =	vmor vm12, vm2  }
0xad: {  	v2 =	vsel vm2, v23, v2  }
0xae: {  	[tilespmem:$0x100] =	vst v2  }
0xaf: {  	v4 =	vsel vm2, v24, v22;
	[tilespmem:$0x110] =	vst v2  }
0xb0: {  	[tilespmem:$0x180] =	vst v4  }
0xb1: {  	[tilespmem:$0x190] =	vst v4;
	v25 =	vld [tilespmem:$0x104]  }
0xb2: {  	v26 =	vld [tilespmem:$0x184];
	_ =	sdelay $0x4  }
0xb3: {  	vm13 =	veq.f32 v25, v2;
	vm14 =	vlt.s32 v26, v4  }
0xb4: {  	vm15 =	vgt.f32 v25, v2;
	vm2 =	vmand vm13, vm14  }
0xb5: {  	vm2 =	vmor vm15, vm2  }
0xb6: {  	v2 =	vsel vm2, v25, v2  }
0xb7: {  	[tilespmem:$0x100] =	vst v2  }
0xb8: {  	v4 =	vsel vm2, v26, v4;
	[tilespmem:$0x110] =	vst v2  }
0xb9: {  	[tilespmem:$0x180] =	vst v4  }
0xba: {  	[tilespmem:$0x190] =	vst v4;
	v27 =	vld [tilespmem:$0x108]  }
0xbb: {  	v28 =	vld [tilespmem:$0x188];
	_ =	sdelay $0x4  }
0xbc: {  	vm6 =	veq.f32 v27, v2;
	vm7 =	vlt.s32 v28, v4  }
0xbd: {  	vm8 =	vgt.f32 v27, v2;
	vm2 =	vmand vm6, vm7  }
0xbe: {  	vm2 =	vmor vm8, vm2  }
0xbf: {  	v3 =	vsel vm1, v18, v3;
	v2 =	vsel vm2, v27, v2  }
0xc0: {  	v2 =	vsub.f32 v2, v3;
	_ =	sdelay $0x1  }
0xc1: {  	v2 =	vmul.f32 $1.442695020e+00, v2;
	_ =	sdelay $0x1  }
0xc2: {  	(erf) = vpow2.f32 v2;
	_ =	sdelay $0x8  }
0xc3: {  	v2 =	vpop (erf)  }
0xc4: {  	v2 =	vadd.f32 $1.000000000e+00, v2;
	_ =	sdelay $0x1  }
0xc5: {  	(erf) = vrcp.f32 v2;
	_ =	sdelay $0x8  }
0xc6: {  	v2 =	vpop (erf)  }
0xc7: {  	v3 =	vsel vm2, v28, v4;
	v29 =	vsub.f32 $1.000000000e+00, v2  }
0xc8: {  	vm9 =	veq.s32 v3, v1  }
0xc9: {  	v3 =	vnsel vm9, $0x0, v29  }
0xca: {  	v2 =	vsel vm0, v2, v3  }
0xcb: {  	[tilespmem:$0x80] =	vst v2  }
0xcc: {  	[hbm4b:s7+s3] =	stream.linear.scatter [tilespmem:s13], [sflag:$0x1], $0x80, $0x38;
	[tilespmem:$0x200] =	vst v63  }
0xcd: {  	_ =	swait.ge [sflag:s12], $0x80  }
0xce: {  	[sflag:s12] =	ssyncset.done $0x0  }
0xcf: {  	[sflag:s12] =	ssyncadd.s32 $0xFFFFFF80  }
0xd0: {  	[tilespmem:s3], [sflag:$0x1] =	stream.linear.gather [hbm4b:s8+s3], $0x80, $0x38;
	[tilespmem:$0x200] =	vst v63  }
0xd1: {  	_ =	swait.ge [sflag:s12], $0x80  }
0xd2: {  	[sflag:s12] =	ssyncset.done $0x0  }
0xd3: {  	[sflag:s12] =	ssyncadd.s32 $0xFFFFFF80  }
0xd4: {  	v2 =	vld [tilespmem:$0x0];
	_ =	sdelay $0x2  }
0xd5: {  	[tilespmem:$0x180] =	vst v1  }
0xd6: {  	[tilespmem:$0x190] =	vst v1  }
0xd7: {  	[tilespmem:$0x100] =	vst v2  }
0xd8: {  	v30 =	vld [tilespmem:$0x181];
	[tilespmem:$0x110] =	vst v2  }
0xd9: {  	v3 =	vld [tilespmem:$0x101];
	_ =	sdelay $0x4  }
0xda: {  	vm11 =	vlt.s32 v30, v1;
	vm10 =	veq.f32 v3, v2  }
0xdb: {  	vm12 =	vgt.f32 v3, v2;
	vm0 =	vmand vm10, vm11  }
0xdc: {  	vm0 =	vmor vm12, vm0  }
0xdd: {  	v3 =	vsel vm0, v3, v2  }
0xde: {  	[tilespmem:$0x100] =	vst v3  }
0xdf: {  	v4 =	vsel vm0, v30, v1;
	[tilespmem:$0x110] =	vst v3  }
0xe0: {  	[tilespmem:$0x180] =	vst v4  }
0xe1: {  	[tilespmem:$0x190] =	vst v4;
	v31 =	vld [tilespmem:$0x102]  }
0xe2: {  	v32 =	vld [tilespmem:$0x182];
	_ =	sdelay $0x4  }
0xe3: {  	vm13 =	veq.f32 v31, v3;
	vm14 =	vlt.s32 v32, v4  }
0xe4: {  	vm15 =	vgt.f32 v31, v3;
	vm0 =	vmand vm13, vm14  }
0xe5: {  	vm0 =	vmor vm15, vm0  }
0xe6: {  	v3 =	vsel vm0, v31, v3  }
0xe7: {  	[tilespmem:$0x100] =	vst v3  }
0xe8: {  	v4 =	vsel vm0, v32, v4;
	[tilespmem:$0x110] =	vst v3  }
0xe9: {  	[tilespmem:$0x180] =	vst v4  }
0xea: {  	[tilespmem:$0x190] =	vst v4;
	v33 =	vld [tilespmem:$0x104]  }
0xeb: {  	v34 =	vld [tilespmem:$0x184];
	_ =	sdelay $0x4  }
0xec: {  	vm4 =	veq.f32 v33, v3;
	vm5 =	vlt.s32 v34, v4  }
0xed: {  	vm6 =	vgt.f32 v33, v3;
	vm0 =	vmand vm4, vm5  }
0xee: {  	vm0 =	vmor vm6, vm0  }
0xef: {  	v3 =	vsel vm0, v33, v3  }
0xf0: {  	[tilespmem:$0x100] =	vst v3  }
0xf1: {  	v4 =	vsel vm0, v34, v4;
	[tilespmem:$0x110] =	vst v3  }
0xf2: {  	[tilespmem:$0x180] =	vst v4  }
0xf3: {  	[tilespmem:$0x190] =	vst v4;
	v35 =	vld [tilespmem:$0x108]  }
0xf4: {  	v36 =	vld [tilespmem:$0x188];
	_ =	sdelay $0x4  }
0xf5: {  	vm7 =	veq.f32 v35, v3;
	vm8 =	vlt.s32 v36, v4  }
0xf6: {  	vm9 =	vgt.f32 v35, v3;
	vm0 =	vmand vm7, vm8  }
0xf7: {  	vm1 =	vmor vm9, vm0  }
0xf8: {  	v4 =	vsel vm1, v36, v4  }
0xf9: {  	[tilespmem:$0x180] =	vst v1;
	vm0 =	veq.s32 v4, v1  }
0xfa: {  	[tilespmem:$0x190] =	vst v1;
	v2 =	vsel vm0, $0xF149F2CA, v2  }
0xfb: {  	[tilespmem:$0x100] =	vst v2  }
0xfc: {  	v38 =	vld [tilespmem:$0x181];
	[tilespmem:$0x110] =	vst v2  }
0xfd: {  	v37 =	vld [tilespmem:$0x101];
	_ =	sdelay $0x4  }
0xfe: {  	vm11 =	vlt.s32 v38, v1;
	vm10 =	veq.f32 v37, v2  }
0xff: {  	vm12 =	vgt.f32 v37, v2;
	vm2 =	vmand vm10, vm11  }
0x100: {  	vm2 =	vmor vm12, vm2  }
0x101: {  	v2 =	vsel vm2, v37, v2  }
0x102: {  	[tilespmem:$0x100] =	vst v2  }
0x103: {  	v39 =	vsel vm2, v38, v1;
	[tilespmem:$0x110] =	vst v2  }
0x104: {  	[tilespmem:$0x180] =	vst v39  }
0x105: {  	[tilespmem:$0x190] =	vst v39;
	v40 =	vld [tilespmem:$0x102]  }
0x106: {  	v41 =	vld [tilespmem:$0x182];
	_ =	sdelay $0x4  }
0x107: {  	vm13 =	veq.f32 v40, v2;
	vm14 =	vlt.s32 v41, v39  }
0x108: {  	vm15 =	vgt.f32 v40, v2;
	vm2 =	vmand vm13, vm14  }
0x109: {  	vm2 =	vmor vm15, vm2  }
0x10a: {  	v2 =	vsel vm2, v40, v2  }
0x10b: {  	[tilespmem:$0x100] =	vst v2  }
0x10c: {  	v4 =	vsel vm2, v41, v39;
	[tilespmem:$0x110] =	vst v2  }
0x10d: {  	[tilespmem:$0x180] =	vst v4  }
0x10e: {  	[tilespmem:$0x190] =	vst v4;
	v42 =	vld [tilespmem:$0x104]  }
0x10f: {  	v43 =	vld [tilespmem:$0x184];
	_ =	sdelay $0x4  }
0x110: {  	vm6 =	veq.f32 v42, v2;
	vm7 =	vlt.s32 v43, v4  }
0x111: {  	vm8 =	vgt.f32 v42, v2;
	vm2 =	vmand vm6, vm7  }
0x112: {  	vm2 =	vmor vm8, vm2  }
0x113: {  	v2 =	vsel vm2, v42, v2  }
0x114: {  	[tilespmem:$0x100] =	vst v2  }
0x115: {  	v4 =	vsel vm2, v43, v4;
	[tilespmem:$0x110] =	vst v2  }
0x116: {  	[tilespmem:$0x180] =	vst v4  }
0x117: {  	[tilespmem:$0x190] =	vst v4;
	v44 =	vld [tilespmem:$0x108]  }
0x118: {  	v45 =	vld [tilespmem:$0x188];
	_ =	sdelay $0x4  }
0x119: {  	vm9 =	veq.f32 v44, v2;
	vm10 =	vlt.s32 v45, v4  }
0x11a: {  	vm11 =	vgt.f32 v44, v2;
	vm2 =	vmand vm9, vm10  }
0x11b: {  	vm2 =	vmor vm11, vm2  }
0x11c: {  	v3 =	vsel vm1, v35, v3;
	v2 =	vsel vm2, v44, v2  }
0x11d: {  	v2 =	vsub.f32 v2, v3;
	_ =	sdelay $0x1  }
0x11e: {  	v2 =	vmul.f32 $1.442695020e+00, v2;
	_ =	sdelay $0x1  }
0x11f: {  	(erf) = vpow2.f32 v2;
	_ =	sdelay $0x8  }
0x120: {  	v2 =	vpop (erf)  }
0x121: {  	v2 =	vadd.f32 $1.000000000e+00, v2;
	_ =	sdelay $0x1  }
0x122: {  	(erf) = vrcp.f32 v2;
	_ =	sdelay $0x8  }
0x123: {  	v2 =	vpop (erf)  }
0x124: {  	v3 =	vsel vm2, v45, v4;
	v46 =	vsub.f32 $1.000000000e+00, v2  }
0x125: {  	vm12 =	veq.s32 v3, v1  }
0x126: {  	v3 =	vnsel vm12, $0x0, v46  }
0x127: {  	v2 =	vsel vm0, v2, v3  }
0x128: {  	[tilespmem:$0x80] =	vst v2  }
0x129: {  	[hbm4b:s9+s3] =	stream.linear.scatter [tilespmem:s13], [sflag:$0x1], $0x80, $0x38;
	[tilespmem:$0x200] =	vst v63  }
0x12a: {  	_ =	swait.ge [sflag:s12], $0x80  }
0x12b: {  	[sflag:s12] =	ssyncset.done $0x0  }
0x12c: {  	[sflag:s12] =	ssyncadd.s32 $0xFFFFFF80  }
0x12d: {  	[tilespmem:s3], [sflag:$0x1] =	stream.linear.gather [hbm4b:s10+s3], $0x80, $0x38;
	[tilespmem:$0x200] =	vst v63  }
0x12e: {  	_ =	swait.ge [sflag:s12], $0x80  }
0x12f: {  	[sflag:s12] =	ssyncset.done $0x0  }
0x130: {  	[sflag:s12] =	ssyncadd.s32 $0xFFFFFF80  }
0x131: {  	v2 =	vld [tilespmem:$0x0];
	_ =	sdelay $0x2  }
0x132: {  	[tilespmem:$0x180] =	vst v1  }
0x133: {  	[tilespmem:$0x190] =	vst v1  }
0x134: {  	[tilespmem:$0x100] =	vst v2  }
0x135: {  	v47 =	vld [tilespmem:$0x181];
	[tilespmem:$0x110] =	vst v2  }
0x136: {  	v3 =	vld [tilespmem:$0x101];
	_ =	sdelay $0x4  }
0x137: {  	vm14 =	vlt.s32 v47, v1;
	vm13 =	veq.f32 v3, v2  }
0x138: {  	vm15 =	vgt.f32 v3, v2;
	vm0 =	vmand vm13, vm14  }
0x139: {  	vm0 =	vmor vm15, vm0  }
0x13a: {  	v3 =	vsel vm0, v3, v2  }
0x13b: {  	[tilespmem:$0x100] =	vst v3  }
0x13c: {  	v4 =	vsel vm0, v47, v1;
	[tilespmem:$0x110] =	vst v3  }
0x13d: {  	[tilespmem:$0x180] =	vst v4  }
0x13e: {  	[tilespmem:$0x190] =	vst v4;
	v48 =	vld [tilespmem:$0x102]  }
0x13f: {  	v49 =	vld [tilespmem:$0x182];
	_ =	sdelay $0x4  }
0x140: {  	vm4 =	veq.f32 v48, v3;
	vm5 =	vlt.s32 v49, v4  }
0x141: {  	vm6 =	vgt.f32 v48, v3;
	vm0 =	vmand vm4, vm5  }
0x142: {  	vm0 =	vmor vm6, vm0  }
0x143: {  	v3 =	vsel vm0, v48, v3  }
0x144: {  	[tilespmem:$0x100] =	vst v3  }
0x145: {  	v4 =	vsel vm0, v49, v4;
	[tilespmem:$0x110] =	vst v3  }
0x146: {  	[tilespmem:$0x180] =	vst v4  }
0x147: {  	[tilespmem:$0x190] =	vst v4;
	v50 =	vld [tilespmem:$0x104]  }
0x148: {  	v51 =	vld [tilespmem:$0x184];
	_ =	sdelay $0x4  }
0x149: {  	vm7 =	veq.f32 v50, v3;
	vm8 =	vlt.s32 v51, v4  }
0x14a: {  	vm9 =	vgt.f32 v50, v3;
	vm0 =	vmand vm7, vm8  }
0x14b: {  	vm0 =	vmor vm9, vm0  }
0x14c: {  	v3 =	vsel vm0, v50, v3  }
0x14d: {  	[tilespmem:$0x100] =	vst v3  }
0x14e: {  	v4 =	vsel vm0, v51, v4;
	[tilespmem:$0x110] =	vst v3  }
0x14f: {  	[tilespmem:$0x180] =	vst v4  }
0x150: {  	[tilespmem:$0x190] =	vst v4;
	v52 =	vld [tilespmem:$0x108]  }
0x151: {  	v53 =	vld [tilespmem:$0x188];
	_ =	sdelay $0x4  }
0x152: {  	vm10 =	veq.f32 v52, v3;
	vm11 =	vlt.s32 v53, v4  }
0x153: {  	vm12 =	vgt.f32 v52, v3;
	vm0 =	vmand vm10, vm11  }
0x154: {  	vm1 =	vmor vm12, vm0  }
0x155: {  	v4 =	vsel vm1, v53, v4  }
0x156: {  	[tilespmem:$0x180] =	vst v1;
	vm0 =	veq.s32 v4, v1  }
0x157: {  	[tilespmem:$0x190] =	vst v1;
	v2 =	vsel vm0, $0xF149F2CA, v2  }
0x158: {  	[tilespmem:$0x100] =	vst v2  }
0x159: {  	v55 =	vld [tilespmem:$0x181];
	[tilespmem:$0x110] =	vst v2  }
0x15a: {  	v54 =	vld [tilespmem:$0x101];
	_ =	sdelay $0x4  }
0x15b: {  	vm14 =	vlt.s32 v55, v1;
	vm13 =	veq.f32 v54, v2  }
0x15c: {  	vm15 =	vgt.f32 v54, v2;
	vm2 =	vmand vm13, vm14  }
0x15d: {  	vm2 =	vmor vm15, vm2  }
0x15e: {  	v2 =	vsel vm2, v54, v2  }
0x15f: {  	[tilespmem:$0x100] =	vst v2  }
0x160: {  	v56 =	vsel vm2, v55, v1;
	[tilespmem:$0x110] =	vst v2  }
0x161: {  	[tilespmem:$0x180] =	vst v56  }
0x162: {  	[tilespmem:$0x190] =	vst v56;
	v57 =	vld [tilespmem:$0x102]  }
0x163: {  	v58 =	vld [tilespmem:$0x182];
	_ =	sdelay $0x4  }
0x164: {  	vm6 =	veq.f32 v57, v2;
	vm7 =	vlt.s32 v58, v56  }
0x165: {  	vm8 =	vgt.f32 v57, v2;
	vm2 =	vmand vm6, vm7  }
0x166: {  	vm2 =	vmor vm8, vm2  }
0x167: {  	v2 =	vsel vm2, v57, v2  }
0x168: {  	[tilespmem:$0x100] =	vst v2  }
0x169: {  	v4 =	vsel vm2, v58, v56;
	[tilespmem:$0x110] =	vst v2  }
0x16a: {  	[tilespmem:$0x180] =	vst v4  }
0x16b: {  	[tilespmem:$0x190] =	vst v4;
	v59 =	vld [tilespmem:$0x104]  }
0x16c: {  	v60 =	vld [tilespmem:$0x184];
	_ =	sdelay $0x4  }
0x16d: {  	vm9 =	veq.f32 v59, v2;
	vm10 =	vlt.s32 v60, v4  }
0x16e: {  	vm11 =	vgt.f32 v59, v2;
	vm2 =	vmand vm9, vm10  }
0x16f: {  	vm2 =	vmor vm11, vm2  }
0x170: {  	v2 =	vsel vm2, v59, v2  }
0x171: {  	[tilespmem:$0x100] =	vst v2  }
0x172: {  	v4 =	vsel vm2, v60, v4;
	[tilespmem:$0x110] =	vst v2  }
0x173: {  	[tilespmem:$0x180] =	vst v4  }
0x174: {  	[tilespmem:$0x190] =	vst v4;
	v61 =	vld [tilespmem:$0x108]  }
0x175: {  	v62 =	vld [tilespmem:$0x188];
	_ =	sdelay $0x4  }
0x176: {  	vm12 =	veq.f32 v61, v2;
	vm13 =	vlt.s32 v62, v4  }
0x177: {  	vm14 =	vgt.f32 v61, v2;
	vm2 =	vmand vm12, vm13  }
0x178: {  	vm2 =	vmor vm14, vm2  }
0x179: {  	v3 =	vsel vm1, v52, v3;
	v2 =	vsel vm2, v61, v2  }
0x17a: {  	v2 =	vsub.f32 v2, v3;
	_ =	sdelay $0x1  }
0x17b: {  	v2 =	vmul.f32 $1.442695020e+00, v2;
	_ =	sdelay $0x1  }
0x17c: {  	(erf) = vpow2.f32 v2;
	_ =	sdelay $0x8  }
0x17d: {  	v2 =	vpop (erf)  }
0x17e: {  	v2 =	vadd.f32 $1.000000000e+00, v2;
	_ =	sdelay $0x1  }
0x17f: {  	(erf) = vrcp.f32 v2;
	_ =	sdelay $0x8  }
0x180: {  	v2 =	vpop (erf)  }
0x181: {  	v3 =	vsel vm2, v62, v4;
	v63 =	vsub.f32 $1.000000000e+00, v2  }
0x182: {  	vm15 =	veq.s32 v3, v1  }
0x183: {  	v3 =	vnsel vm15, $0x0, v63  }
0x184: {  	p0 =	sne.s32 s5, $0x1;
	v2 =	vsel vm0, v2, v3  }
.Ltmp1:
0x185: {  	[tilespmem:$0x80] =	vst v2;
	(pc) =	sbr.rel @p0 .LBB2_2-.Ltmp1, $4  }
0x186: {  	[hbm4b:s11+s3] =	stream.linear.scatter [tilespmem:s13], [sflag:$0x1], $0x80, $0x38;
	[tilespmem:$0x200] =	vst v63  }
0x187: {  	_ =	swait.ge [sflag:s12], $0x80  }
0x188: {  	[sflag:s12] =	ssyncset.done $0x0  }
0x189: {  	s5 =	sadd.s32 $0xFFFFFFFF, s5;
	[sflag:s12] =	ssyncadd.s32 $0xFFFFFF80  }
.LBB2_3:
0x18a: {  	_ =	sfence.sel $0x180000  }
0x18b: {  	[bflag:$0x0] =	sbarrier.arrive $0xFFFF  }
0x18c: {  	p0 =	sne.s32 s1, $0x0;
	_ =	strace $0x90000047  }
0x18d: {  	s0 =	sadd.s32 @!p0 $0x100000, s0;
	[bflag:$0x2] =	sbarrier.arrive $0xFFFF  }
0x18e: {  	[sflag:s0] =	ssyncadd.tile.s32 @!p0 $0x1;
	_ =	shalt  }
.Lfunc_end2:
_tile_overlayer_lowered:
.L_overlay_start_2:
0x18f: {  	(tag) =	ssettag $0x2  }
0x190: {  	s0 =	rddreg [dreg:$0x0];
	s2 =	stileid.u32  }
0x191: {  	s1 =	rddreg [dreg:$0x1];
	p0 =	sne.s32 s2, $0x0  }
0x192: {  	s3 =	rddreg [dreg:$0x2];
	[bflag:$0x3] =	sbarrier.arrive $0xFFFF;
	s2 =	simm.s32 @!p0 $0x1C01  }
0x193: {  	[timem:s3], [sflag:s2] =	dma.local @!p0 [hbm:s0], s1  }
0x194: {  	s0 =	simm.s32 @!p0 $0x1  }
0x195: {  	_ =	swait.ge @!p0 [sflag:s0], s1  }
0x196: {  	s1 =	ssub.s32 @!p0 $0x0, s1;
	[sflag:s0] =	ssyncset.done @!p0 $0x0  }
0x197: {  	[sflag:s0] =	ssyncadd.s32 @!p0 s1  }
0x198: {  	[bflag:$0x3] =	sbarrier.arrive $0xFFFF  }
0x199: {  	_ =	shalt  }

</sc_bundles>
